<compile_context>
chip_gen: v7x
topology: tpu7x:2x2x1
jax: 0.10.2.dev20260603
libtpu: 0.0.44.dev20260713+nightly
codegen_flags: <defaults>
</compile_context>

<pallas_src>
import functools

import jax
import jax.numpy as jnp
from jax import lax
from jax.experimental import pallas as pl
from jax.experimental.pallas import tpu as pltpu
from jax.experimental.pallas import tpu_sc as plsc

NC = 2
NS = 16
NW = NC * NS
LANES = 16
K = 80
ZROWS = 128


def _n_pad(n):
    return ((n + NS * ZROWS - 1) // (NS * ZROWS)) * NS * ZROWS


def _scale_and_scatter(j, src_v, dst_v, w_v, rows_v, x_ref, accum, d):
    pltpu.sync_copy(x_ref.at[src_v.at[j]], rows_v)

    def group(g, c2):
        wg = w_v[j, pl.ds(g * LANES, LANES)]
        for i in range(LANES):
            wgt = wg[i]
            ei = g * LANES + i
            for dd in range(d // LANES):
                sl = pl.ds(dd * LANES, LANES)
                rows_v[ei, sl] = rows_v[ei, sl] * wgt
        return c2
    lax.fori_loop(0, K // LANES, group, 0)

    pltpu.sync_copy(rows_v, accum.at[dst_v.at[j]], add=True)


def _zero_accum(zbuf, accum, base, rows_per_tile, d):
    def zero_row(i, carry):
        for dd in range(d // LANES):
            zbuf[i, pl.ds(dd * LANES, LANES)] = jnp.zeros((LANES,), jnp.float32)
        return carry
    lax.fori_loop(0, ZROWS, zero_row, 0)
    for z in range(rows_per_tile // ZROWS):
        pltpu.sync_copy(zbuf, accum.at[pl.ds(base + z * ZROWS, ZROWS)])


def _spmm_cols(xs, src, dst, w, n, dh):
    nchunks = src.shape[1]
    npad = _n_pad(n)
    rows_per_tile = npad // NS
    mesh = plsc.VectorSubcoreMesh(core_axis_name="c", subcore_axis_name="s")

    @functools.partial(
        pl.kernel,
        out_type=jax.ShapeDtypeStruct((NC, npad, dh), jnp.float32),
        mesh=mesh,
        scratch_types=[
            pltpu.VMEM((nchunks, K), jnp.int32),
            pltpu.VMEM((nchunks, K), jnp.int32),
            pltpu.VMEM((nchunks, K), jnp.float32),
            pltpu.VMEM((K, dh), jnp.float32),
            pltpu.VMEM((ZROWS, dh), jnp.float32),
            pltpu.VMEM_SHARED((npad, dh), jnp.float32),
        ],
        compiler_params=pltpu.CompilerParams(use_tc_tiling_on_sc=False),
    )
    def spmm(xs_hbm, src_hbm, dst_hbm, w_hbm, out_hbm,
             src_v, dst_v, w_v, rows_v, zbuf, accum):
        cid = lax.axis_index("c")
        sid = lax.axis_index("s")

        pltpu.sync_copy(src_hbm.at[sid], src_v)
        pltpu.sync_copy(dst_hbm.at[sid], dst_v)
        pltpu.sync_copy(w_hbm.at[sid], w_v)

        base = pl.multiple_of(sid * rows_per_tile, 8)
        _zero_accum(zbuf, accum, base, rows_per_tile, dh)
        plsc.subcore_barrier()

        xc = xs_hbm.at[cid]

        def chunk(j, carry):
            _scale_and_scatter(j, src_v, dst_v, w_v, rows_v, xc, accum, dh)
            return carry
        lax.fori_loop(0, nchunks, chunk, 0)
        plsc.subcore_barrier()

        pltpu.sync_copy(accum.at[pl.ds(base, rows_per_tile)],
                        out_hbm.at[cid, pl.ds(base, rows_per_tile)])

    return spmm(xs, src, dst, w)


def _spmm_edges(x, src, dst, w, n, d):
    nchunks = src.shape[1]
    npad = _n_pad(n)
    rows_per_tile = npad // NS
    mesh = plsc.VectorSubcoreMesh(core_axis_name="c", subcore_axis_name="s")

    @functools.partial(
        pl.kernel,
        out_type=jax.ShapeDtypeStruct((NC, npad, d), jnp.float32),
        mesh=mesh,
        scratch_types=[
            pltpu.VMEM((nchunks, K), jnp.int32),
            pltpu.VMEM((nchunks, K), jnp.int32),
            pltpu.VMEM((nchunks, K), jnp.float32),
            pltpu.VMEM((K, d), jnp.float32),
            pltpu.VMEM((ZROWS, d), jnp.float32),
            pltpu.VMEM_SHARED((npad, d), jnp.float32),
        ],
        compiler_params=pltpu.CompilerParams(use_tc_tiling_on_sc=False),
    )
    def spmm(x_hbm, src_hbm, dst_hbm, w_hbm, out_hbm,
             src_v, dst_v, w_v, rows_v, zbuf, accum):
        cid = lax.axis_index("c")
        sid = lax.axis_index("s")
        wid = cid * NS + sid

        pltpu.sync_copy(src_hbm.at[wid], src_v)
        pltpu.sync_copy(dst_hbm.at[wid], dst_v)
        pltpu.sync_copy(w_hbm.at[wid], w_v)

        base = pl.multiple_of(sid * rows_per_tile, 8)
        _zero_accum(zbuf, accum, base, rows_per_tile, d)
        plsc.subcore_barrier()

        def chunk(j, carry):
            _scale_and_scatter(j, src_v, dst_v, w_v, rows_v, x_hbm, accum, d)
            return carry
        lax.fori_loop(0, nchunks, chunk, 0)
        plsc.subcore_barrier()

        pltpu.sync_copy(accum.at[pl.ds(base, rows_per_tile)],
                        out_hbm.at[cid, pl.ds(base, rows_per_tile)])

    return spmm(x, src, dst, w)


def _dense1(p, W1, b1, W2, n):
    bn = 1000
    nh = W1.shape[1]
    nc = W2.shape[1]
    dh = p.shape[2]
    w1r = W1.reshape(2, dh, nh)

    def body(p_ref, w1_ref, b1_ref, w2_ref, y_ref):
        h = jnp.dot(p_ref[0], w1_ref[0], preferred_element_type=jnp.float32)
        h = h + jnp.dot(p_ref[1], w1_ref[1], preferred_element_type=jnp.float32)
        h = jnp.maximum(h + b1_ref[...], 0.0)
        y_ref[...] = jnp.dot(h, w2_ref[...], preferred_element_type=jnp.float32)

    return pl.pallas_call(
        body,
        grid=(n // bn,),
        in_specs=[
            pl.BlockSpec((2, bn, dh), lambda i: (0, i, 0)),
            pl.BlockSpec((2, dh, nh), lambda i: (0, 0, 0)),
            pl.BlockSpec((1, nh), lambda i: (0, 0)),
            pl.BlockSpec((nh, nc), lambda i: (0, 0)),
        ],
        out_specs=pl.BlockSpec((bn, nc), lambda i: (i, 0)),
        out_shape=jax.ShapeDtypeStruct((n, nc), jnp.float32),
    )(p, w1r, b1.reshape(1, nh), W2)


def _dense2(p, b2, W3, b3, n):
    bn = 1000
    nc = W3.shape[0]
    pj = W3.shape[1]

    def body(p_ref, b2_ref, w3_ref, b3_ref, ls_ref, o_ref):
        h2 = p_ref[0] + p_ref[1] + b2_ref[...]
        m = jnp.max(h2, axis=1, keepdims=True)
        lse = jnp.log(jnp.sum(jnp.exp(h2 - m), axis=1, keepdims=True)) + m
        ls_ref[...] = h2 - lse
        o = jnp.dot(jnp.maximum(h2, 0.0), w3_ref[...],
                    preferred_element_type=jnp.float32)
        o_ref[...] = o + b3_ref[...]

    return pl.pallas_call(
        body,
        grid=(n // bn,),
        in_specs=[
            pl.BlockSpec((2, bn, nc), lambda i: (0, i, 0)),
            pl.BlockSpec((1, nc), lambda i: (0, 0)),
            pl.BlockSpec((nc, pj), lambda i: (0, 0)),
            pl.BlockSpec((1, pj), lambda i: (0, 0)),
        ],
        out_specs=[
            pl.BlockSpec((bn, nc), lambda i: (i, 0)),
            pl.BlockSpec((bn, pj), lambda i: (i, 0)),
        ],
        out_shape=[
            jax.ShapeDtypeStruct((n, nc), jnp.float32),
            jax.ShapeDtypeStruct((n, pj), jnp.float32),
        ],
    )(p, b2.reshape(1, nc), W3, b3.reshape(1, pj))


def kernel(x, edge_index, edge_weight, encoder_type, W1, b1, W2, b2, W3, b3):
    n, nfeat = x.shape
    e = edge_weight.shape[0]
    nhid = W1.shape[1]
    ncls = W2.shape[1]
    assert nfeat % (2 * LANES) == 0 and ncls % LANES == 0

    epad = -e % (NW * K)
    src = edge_index[0]
    dst = edge_index[1]
    w = edge_weight
    if epad:
        src = jnp.concatenate([src, jnp.zeros((epad,), jnp.int32)])
        dst = jnp.concatenate([dst, jnp.zeros((epad,), jnp.int32)])
        w = jnp.concatenate([w, jnp.zeros((epad,), jnp.float32)])
    ep = e + epad

    nch1 = ep // (NS * K)
    src1 = src.reshape(NS, nch1, K)
    dst1 = dst.reshape(NS, nch1, K)
    w1e = w.reshape(NS, nch1, K)
    dh = nfeat // 2
    xs = x.reshape(n, 2, dh).transpose(1, 0, 2)

    p1 = _spmm_cols(xs, src1, dst1, w1e, n, dh)
    y = _dense1(p1, W1, b1, W2, n)

    nch2 = ep // (NW * K)
    src2 = src.reshape(NW, nch2, K)
    dst2 = dst.reshape(NW, nch2, K)
    w2e = w.reshape(NW, nch2, K)

    p2 = _spmm_edges(y, src2, dst2, w2e, n, ncls)
    return _dense2(p2, b2, W3, b3, n)

# --- scband reference (transcript-rebuilt; emitter-appended) ---
"""Pipeline reference for scband-gcn-15625091022885 (READ-ONLY COPY).

The authoritative reference and input builder live on the scoring server;
editing this copy changes nothing except your own understanding.
"""

import jax, jax.numpy as jnp
import numpy as np

N = 10000
E = 320000
NFEAT = 128
NHID = 256
NCLASS = 64
PROJ = 128


def setup_inputs(seed: int = 0) -> dict:
    key = jax.random.key(seed)
    ks = jax.random.split(key, 10)
    x = jax.random.normal(ks[0], (N, NFEAT), dtype=jnp.float32)
    edge_index = jax.random.randint(ks[1], (2, E), 0, N, dtype=jnp.int32)
    edge_weight = jax.random.uniform(ks[2], (E,), dtype=jnp.float32)
    # Learned parameters (Kipf GraphConvolution: out = spmm(adj, x @ W) + b)
    W1 = jax.random.normal(ks[3], (NFEAT, NHID), dtype=jnp.float32) * (1.0 / np.sqrt(NFEAT))
    b1 = jnp.zeros((NHID,), dtype=jnp.float32)
    W2 = jax.random.normal(ks[4], (NHID, NCLASS), dtype=jnp.float32) * (1.0 / np.sqrt(NHID))
    b2 = jnp.zeros((NCLASS,), dtype=jnp.float32)
    # fc3: Linear(nclass, 128)
    W3 = jax.random.normal(ks[5], (NCLASS, PROJ), dtype=jnp.float32) * (1.0 / np.sqrt(NCLASS))
    b3 = jnp.zeros((PROJ,), dtype=jnp.float32)
    return {
        "x": x,
        "edge_index": edge_index,
        "edge_weight": edge_weight,
        "encoder_type": 0,
        "W1": W1, "b1": b1,
        "W2": W2, "b2": b2,
        "W3": W3, "b3": b3,
    }


def _spmm(edge_index, edge_weight, h, n):
    # sparse adj @ h via gather + scatter-add (SparseCore-friendly)
    src = edge_index[0]
    dst = edge_index[1]
    msg = h[src] * edge_weight[:, None]
    return jax.ops.segment_sum(msg, dst, num_segments=n)


def reference(x, edge_index, edge_weight, encoder_type, W1, b1, W2, b2, W3, b3):
    # encoder_type == 0 path of GCN.forward (dropout is identity in eval mode)
    n = x.shape[0]
    h = _spmm(edge_index, edge_weight, x @ W1, n) + b1  # gc1
    h = jax.nn.relu(h)
    h2 = _spmm(edge_index, edge_weight, h @ W2, n) + b2  # gc2
    out = jax.nn.relu(h2)
    out = out @ W3 + b3  # fc3
    return (jax.nn.log_softmax(h2, axis=1), out)

if __name__ == "__main__":
    import jax
    _d = setup_inputs()
    print(jax.jit(kernel)(*tuple(_d.values())))

</pallas_src>

<mosaic_0001>
#map = affine_map<(d0, d1) -> (0, 0, 0)>
module attributes {stable_mosaic.version = 14 : i64} {
  func.func @spmm(%arg0: i32, %arg1: i32, %arg2: memref<2x10000x64xf32, #tpu.memory_space<hbm>>, %arg3: memref<16x250x80xi32, #tpu.memory_space<hbm>>, %arg4: memref<16x250x80xi32, #tpu.memory_space<hbm>>, %arg5: memref<16x250x80xf32, #tpu.memory_space<hbm>>, %arg6: memref<2x10240x64xf32, #tpu.memory_space<hbm>>, %arg7: memref<250x80xi32, #tpu.memory_space<vmem>>, %arg8: memref<250x80xi32, #tpu.memory_space<vmem>>, %arg9: memref<250x80xf32, #tpu.memory_space<vmem>>, %arg10: memref<80x64xf32, #tpu.memory_space<vmem>>, %arg11: memref<128x64xf32, #tpu.memory_space<vmem>>, %arg12: memref<10240x64xf32, #tpu.memory_space<vmem_shared>>) attributes {dimension_semantics = [#tpu.dimension_semantics<core_parallel>, #tpu.dimension_semantics<subcore_parallel>], iteration_bounds = array<i64: 2, 16>, scalar_prefetch = 0 : i64, scratch_operands = 6 : i64, tpu.core_type = #tpu.core_type<sc_vector_subcore>, window_params = [{transform_indices = #map}, {transform_indices = #map}, {transform_indices = #map}, {transform_indices = #map}, {transform_indices = #map}]} {
    "tpu.region"() ({
      %run_scoped3A = tpu.sem_alloc : memref<!tpu.dma_semaphore, #tpu.memory_space<semaphore_mem>>
      %dma_start3A = arith.constant 0 : i32
      %dma_start3A_22 = arith.constant 0 : i32
      %dma_start3A_23 = tpu.memref_slice %arg3[%arg1, %dma_start3A, %dma_start3A_22] : memref<16x250x80xi32, #tpu.memory_space<hbm>> -> memref<1x250x80xi32, #tpu.memory_space<hbm>>
      %dma_start3A_24 = tpu.memref_squeeze %dma_start3A_23 : memref<1x250x80xi32, #tpu.memory_space<hbm>> -> memref<250x80xi32, #tpu.memory_space<hbm>>
      %dma_start3A_25 = arith.constant 0 : i32
      %dma_start3A_26 = arith.constant 0 : i32
      %dma_start3A_27 = tpu.memref_slice %arg3[%arg1, %dma_start3A_25, %dma_start3A_26] : memref<16x250x80xi32, #tpu.memory_space<hbm>> -> memref<1x250x80xi32, #tpu.memory_space<hbm>>
      %dma_start3A_28 = tpu.memref_squeeze %dma_start3A_27 : memref<1x250x80xi32, #tpu.memory_space<hbm>> -> memref<250x80xi32, #tpu.memory_space<hbm>>
      tpu.enqueue_dma source(%dma_start3A_28 : memref<250x80xi32, #tpu.memory_space<hbm>>) target(%arg7 : memref<250x80xi32, #tpu.memory_space<vmem>>) target_semaphore(%run_scoped3A : memref<!tpu.dma_semaphore, #tpu.memory_space<semaphore_mem>>)
      %dma_wait3A = arith.constant 0 : i32
      %dma_wait3A_29 = arith.constant 0 : i32
      %dma_wait3A_30 = tpu.memref_slice %arg3[%arg1, %dma_wait3A, %dma_wait3A_29] : memref<16x250x80xi32, #tpu.memory_space<hbm>> -> memref<1x250x80xi32, #tpu.memory_space<hbm>>
      %dma_wait3A_31 = tpu.memref_squeeze %dma_wait3A_30 : memref<1x250x80xi32, #tpu.memory_space<hbm>> -> memref<250x80xi32, #tpu.memory_space<hbm>>
      %dma_wait3A_32 = arith.constant 0 : i32
      %dma_wait3A_33 = arith.constant 0 : i32
      %dma_wait3A_34 = tpu.memref_slice %arg3[%arg1, %dma_wait3A_32, %dma_wait3A_33] : memref<16x250x80xi32, #tpu.memory_space<hbm>> -> memref<1x250x80xi32, #tpu.memory_space<hbm>>
      %dma_wait3A_35 = tpu.memref_squeeze %dma_wait3A_34 : memref<1x250x80xi32, #tpu.memory_space<hbm>> -> memref<250x80xi32, #tpu.memory_space<hbm>>
      tpu.wait_dma2 semaphore(%run_scoped3A : memref<!tpu.dma_semaphore, #tpu.memory_space<semaphore_mem>>) src(%dma_wait3A_35 : memref<250x80xi32, #tpu.memory_space<hbm>>) dst(%arg7 : memref<250x80xi32, #tpu.memory_space<vmem>>)
      tpu.yield
    }) : () -> ()
    "tpu.region"() ({
      %run_scoped3A = tpu.sem_alloc : memref<!tpu.dma_semaphore, #tpu.memory_space<semaphore_mem>>
      %dma_start3A = arith.constant 0 : i32
      %dma_start3A_22 = arith.constant 0 : i32
      %dma_start3A_23 = tpu.memref_slice %arg4[%arg1, %dma_start3A, %dma_start3A_22] : memref<16x250x80xi32, #tpu.memory_space<hbm>> -> memref<1x250x80xi32, #tpu.memory_space<hbm>>
      %dma_start3A_24 = tpu.memref_squeeze %dma_start3A_23 : memref<1x250x80xi32, #tpu.memory_space<hbm>> -> memref<250x80xi32, #tpu.memory_space<hbm>>
      %dma_start3A_25 = arith.constant 0 : i32
      %dma_start3A_26 = arith.constant 0 : i32
      %dma_start3A_27 = tpu.memref_slice %arg4[%arg1, %dma_start3A_25, %dma_start3A_26] : memref<16x250x80xi32, #tpu.memory_space<hbm>> -> memref<1x250x80xi32, #tpu.memory_space<hbm>>
      %dma_start3A_28 = tpu.memref_squeeze %dma_start3A_27 : memref<1x250x80xi32, #tpu.memory_space<hbm>> -> memref<250x80xi32, #tpu.memory_space<hbm>>
      tpu.enqueue_dma source(%dma_start3A_28 : memref<250x80xi32, #tpu.memory_space<hbm>>) target(%arg8 : memref<250x80xi32, #tpu.memory_space<vmem>>) target_semaphore(%run_scoped3A : memref<!tpu.dma_semaphore, #tpu.memory_space<semaphore_mem>>)
      %dma_wait3A = arith.constant 0 : i32
      %dma_wait3A_29 = arith.constant 0 : i32
      %dma_wait3A_30 = tpu.memref_slice %arg4[%arg1, %dma_wait3A, %dma_wait3A_29] : memref<16x250x80xi32, #tpu.memory_space<hbm>> -> memref<1x250x80xi32, #tpu.memory_space<hbm>>
      %dma_wait3A_31 = tpu.memref_squeeze %dma_wait3A_30 : memref<1x250x80xi32, #tpu.memory_space<hbm>> -> memref<250x80xi32, #tpu.memory_space<hbm>>
      %dma_wait3A_32 = arith.constant 0 : i32
      %dma_wait3A_33 = arith.constant 0 : i32
      %dma_wait3A_34 = tpu.memref_slice %arg4[%arg1, %dma_wait3A_32, %dma_wait3A_33] : memref<16x250x80xi32, #tpu.memory_space<hbm>> -> memref<1x250x80xi32, #tpu.memory_space<hbm>>
      %dma_wait3A_35 = tpu.memref_squeeze %dma_wait3A_34 : memref<1x250x80xi32, #tpu.memory_space<hbm>> -> memref<250x80xi32, #tpu.memory_space<hbm>>
      tpu.wait_dma2 semaphore(%run_scoped3A : memref<!tpu.dma_semaphore, #tpu.memory_space<semaphore_mem>>) src(%dma_wait3A_35 : memref<250x80xi32, #tpu.memory_space<hbm>>) dst(%arg8 : memref<250x80xi32, #tpu.memory_space<vmem>>)
      tpu.yield
    }) : () -> ()
    "tpu.region"() ({
      %run_scoped3A = tpu.sem_alloc : memref<!tpu.dma_semaphore, #tpu.memory_space<semaphore_mem>>
      %dma_start3A = arith.constant 0 : i32
      %dma_start3A_22 = arith.constant 0 : i32
      %dma_start3A_23 = tpu.memref_slice %arg5[%arg1, %dma_start3A, %dma_start3A_22] : memref<16x250x80xf32, #tpu.memory_space<hbm>> -> memref<1x250x80xf32, #tpu.memory_space<hbm>>
      %dma_start3A_24 = tpu.memref_squeeze %dma_start3A_23 : memref<1x250x80xf32, #tpu.memory_space<hbm>> -> memref<250x80xf32, #tpu.memory_space<hbm>>
      %dma_start3A_25 = arith.constant 0 : i32
      %dma_start3A_26 = arith.constant 0 : i32
      %dma_start3A_27 = tpu.memref_slice %arg5[%arg1, %dma_start3A_25, %dma_start3A_26] : memref<16x250x80xf32, #tpu.memory_space<hbm>> -> memref<1x250x80xf32, #tpu.memory_space<hbm>>
      %dma_start3A_28 = tpu.memref_squeeze %dma_start3A_27 : memref<1x250x80xf32, #tpu.memory_space<hbm>> -> memref<250x80xf32, #tpu.memory_space<hbm>>
      tpu.enqueue_dma source(%dma_start3A_28 : memref<250x80xf32, #tpu.memory_space<hbm>>) target(%arg9 : memref<250x80xf32, #tpu.memory_space<vmem>>) target_semaphore(%run_scoped3A : memref<!tpu.dma_semaphore, #tpu.memory_space<semaphore_mem>>)
      %dma_wait3A = arith.constant 0 : i32
      %dma_wait3A_29 = arith.constant 0 : i32
      %dma_wait3A_30 = tpu.memref_slice %arg5[%arg1, %dma_wait3A, %dma_wait3A_29] : memref<16x250x80xf32, #tpu.memory_space<hbm>> -> memref<1x250x80xf32, #tpu.memory_space<hbm>>
      %dma_wait3A_31 = tpu.memref_squeeze %dma_wait3A_30 : memref<1x250x80xf32, #tpu.memory_space<hbm>> -> memref<250x80xf32, #tpu.memory_space<hbm>>
      %dma_wait3A_32 = arith.constant 0 : i32
      %dma_wait3A_33 = arith.constant 0 : i32
      %dma_wait3A_34 = tpu.memref_slice %arg5[%arg1, %dma_wait3A_32, %dma_wait3A_33] : memref<16x250x80xf32, #tpu.memory_space<hbm>> -> memref<1x250x80xf32, #tpu.memory_space<hbm>>
      %dma_wait3A_35 = tpu.memref_squeeze %dma_wait3A_34 : memref<1x250x80xf32, #tpu.memory_space<hbm>> -> memref<250x80xf32, #tpu.memory_space<hbm>>
      tpu.wait_dma2 semaphore(%run_scoped3A : memref<!tpu.dma_semaphore, #tpu.memory_space<semaphore_mem>>) src(%dma_wait3A_35 : memref<250x80xf32, #tpu.memory_space<hbm>>) dst(%arg9 : memref<250x80xf32, #tpu.memory_space<vmem>>)
      tpu.yield
    }) : () -> ()
    %mul3A = arith.constant 640 : i32
    %mul3A_0 = arith.muli %arg1, %mul3A : i32
    %multiple_of3A = tpu.assume_multiple %mul3A_0, 8 : i32
    %scan3A = arith.constant 0 : i32
    %scan3A_1 = arith.constant 0 : i32
    %scan3A_2 = arith.constant 128 : i32
    %scan3A_3 = arith.addi %scan3A_1, %scan3A_2 : i32
    %scan3A_4 = arith.constant 1 : i32
    scf.for %scan3A_22 = %scan3A_1 to %scan3A_3 step %scan3A_4  : i32 {
      %broadcast_in_dim3A = arith.constant 0.000000e+00 : f32
      %broadcast_in_dim3A_23 = vector.broadcast %broadcast_in_dim3A : f32 to vector<16xf32>
      %swap3A = arith.index_cast %scan3A_22 : i32 to index
      %swap3A_24 = arith.constant 0 : index
      %swap3A_25 = tpu.vector_load %arg11[%swap3A, %swap3A_24] {strides = array<i32>} : memref<128x64xf32, #tpu.memory_space<vmem>>, vector<1x16xf32>,
      %swap3A_26 = vector.shape_cast %swap3A_25 : vector<1x16xf32> to vector<16xf32>
      %swap3A_27 = vector.shape_cast %broadcast_in_dim3A_23 : vector<16xf32> to vector<1x16xf32>
      tpu.vector_store %arg11[%swap3A, %swap3A_24], %swap3A_27 {strides = array<i32>} : memref<128x64xf32, #tpu.memory_space<vmem>>, vector<1x16xf32>,
      %broadcast_in_dim3A_28 = arith.constant 0.000000e+00 : f32
      %broadcast_in_dim3A_29 = vector.broadcast %broadcast_in_dim3A_28 : f32 to vector<16xf32>
      %swap3A_30 = arith.index_cast %scan3A_22 : i32 to index
      %swap3A_31 = arith.constant 16 : index
      %swap3A_32 = tpu.vector_load %arg11[%swap3A_30, %swap3A_31] {strides = array<i32>} : memref<128x64xf32, #tpu.memory_space<vmem>>, vector<1x16xf32>,
      %swap3A_33 = vector.shape_cast %swap3A_32 : vector<1x16xf32> to vector<16xf32>
      %swap3A_34 = vector.shape_cast %broadcast_in_dim3A_29 : vector<16xf32> to vector<1x16xf32>
      tpu.vector_store %arg11[%swap3A_30, %swap3A_31], %swap3A_34 {strides = array<i32>} : memref<128x64xf32, #tpu.memory_space<vmem>>, vector<1x16xf32>,
      %broadcast_in_dim3A_35 = arith.constant 0.000000e+00 : f32
      %broadcast_in_dim3A_36 = vector.broadcast %broadcast_in_dim3A_35 : f32 to vector<16xf32>
      %swap3A_37 = arith.index_cast %scan3A_22 : i32 to index
      %swap3A_38 = arith.constant 32 : index
      %swap3A_39 = tpu.vector_load %arg11[%swap3A_37, %swap3A_38] {strides = array<i32>} : memref<128x64xf32, #tpu.memory_space<vmem>>, vector<1x16xf32>,
      %swap3A_40 = vector.shape_cast %swap3A_39 : vector<1x16xf32> to vector<16xf32>
      %swap3A_41 = vector.shape_cast %broadcast_in_dim3A_36 : vector<16xf32> to vector<1x16xf32>
      tpu.vector_store %arg11[%swap3A_37, %swap3A_38], %swap3A_41 {strides = array<i32>} : memref<128x64xf32, #tpu.memory_space<vmem>>, vector<1x16xf32>,
      %broadcast_in_dim3A_42 = arith.constant 0.000000e+00 : f32
      %broadcast_in_dim3A_43 = vector.broadcast %broadcast_in_dim3A_42 : f32 to vector<16xf32>
      %swap3A_44 = arith.index_cast %scan3A_22 : i32 to index
      %swap3A_45 = arith.constant 48 : index
      %swap3A_46 = tpu.vector_load %arg11[%swap3A_44, %swap3A_45] {strides = array<i32>} : memref<128x64xf32, #tpu.memory_space<vmem>>, vector<1x16xf32>,
      %swap3A_47 = vector.shape_cast %swap3A_46 : vector<1x16xf32> to vector<16xf32>
      %swap3A_48 = vector.shape_cast %broadcast_in_dim3A_43 : vector<16xf32> to vector<1x16xf32>
      tpu.vector_store %arg11[%swap3A_44, %swap3A_45], %swap3A_48 {strides = array<i32>} : memref<128x64xf32, #tpu.memory_space<vmem>>, vector<1x16xf32>,
    }
    %scan3A_5 = arith.constant 128 : i32
    %add3A = arith.constant 0 : i32
    %add3A_6 = arith.addi %multiple_of3A, %add3A : i32
    "tpu.region"() ({
      %run_scoped3A = tpu.sem_alloc : memref<!tpu.dma_semaphore, #tpu.memory_space<semaphore_mem>>
      %dma_start3A = arith.constant 0 : i32
      %dma_start3A_22 = tpu.memref_slice %arg12[%add3A_6, %dma_start3A] : memref<10240x64xf32, #tpu.memory_space<vmem_shared>> -> memref<128x64xf32, #tpu.memory_space<vmem_shared>>
      %dma_start3A_23 = arith.constant 0 : i32
      %dma_start3A_24 = tpu.memref_slice %arg12[%add3A_6, %dma_start3A_23] : memref<10240x64xf32, #tpu.memory_space<vmem_shared>> -> memref<128x64xf32, #tpu.memory_space<vmem_shared>>
      tpu.enqueue_dma source(%arg11 : memref<128x64xf32, #tpu.memory_space<vmem>>) target(%dma_start3A_24 : memref<128x64xf32, #tpu.memory_space<vmem_shared>>) target_semaphore(%run_scoped3A : memref<!tpu.dma_semaphore, #tpu.memory_space<semaphore_mem>>)
      %dma_wait3A = arith.constant 0 : i32
      %dma_wait3A_25 = tpu.memref_slice %arg12[%add3A_6, %dma_wait3A] : memref<10240x64xf32, #tpu.memory_space<vmem_shared>> -> memref<128x64xf32, #tpu.memory_space<vmem_shared>>
      %dma_wait3A_26 = arith.constant 0 : i32
      %dma_wait3A_27 = tpu.memref_slice %arg12[%add3A_6, %dma_wait3A_26] : memref<10240x64xf32, #tpu.memory_space<vmem_shared>> -> memref<128x64xf32, #tpu.memory_space<vmem_shared>>
      tpu.wait_dma2 semaphore(%run_scoped3A : memref<!tpu.dma_semaphore, #tpu.memory_space<semaphore_mem>>) src(%arg11 : memref<128x64xf32, #tpu.memory_space<vmem>>) dst(%dma_wait3A_27 : memref<128x64xf32, #tpu.memory_space<vmem_shared>>)
      tpu.yield
    }) : () -> ()
    %add3A_7 = arith.constant 128 : i32
    %add3A_8 = arith.addi %multiple_of3A, %add3A_7 : i32
    "tpu.region"() ({
      %run_scoped3A = tpu.sem_alloc : memref<!tpu.dma_semaphore, #tpu.memory_space<semaphore_mem>>
      %dma_start3A = arith.constant 0 : i32
      %dma_start3A_22 = tpu.memref_slice %arg12[%add3A_8, %dma_start3A] : memref<10240x64xf32, #tpu.memory_space<vmem_shared>> -> memref<128x64xf32, #tpu.memory_space<vmem_shared>>
      %dma_start3A_23 = arith.constant 0 : i32
      %dma_start3A_24 = tpu.memref_slice %arg12[%add3A_8, %dma_start3A_23] : memref<10240x64xf32, #tpu.memory_space<vmem_shared>> -> memref<128x64xf32, #tpu.memory_space<vmem_shared>>
      tpu.enqueue_dma source(%arg11 : memref<128x64xf32, #tpu.memory_space<vmem>>) target(%dma_start3A_24 : memref<128x64xf32, #tpu.memory_space<vmem_shared>>) target_semaphore(%run_scoped3A : memref<!tpu.dma_semaphore, #tpu.memory_space<semaphore_mem>>)
      %dma_wait3A = arith.constant 0 : i32
      %dma_wait3A_25 = tpu.memref_slice %arg12[%add3A_8, %dma_wait3A] : memref<10240x64xf32, #tpu.memory_space<vmem_shared>> -> memref<128x64xf32, #tpu.memory_space<vmem_shared>>
      %dma_wait3A_26 = arith.constant 0 : i32
      %dma_wait3A_27 = tpu.memref_slice %arg12[%add3A_8, %dma_wait3A_26] : memref<10240x64xf32, #tpu.memory_space<vmem_shared>> -> memref<128x64xf32, #tpu.memory_space<vmem_shared>>
      tpu.wait_dma2 semaphore(%run_scoped3A : memref<!tpu.dma_semaphore, #tpu.memory_space<semaphore_mem>>) src(%arg11 : memref<128x64xf32, #tpu.memory_space<vmem>>) dst(%dma_wait3A_27 : memref<128x64xf32, #tpu.memory_space<vmem_shared>>)
      tpu.yield
    }) : () -> ()
    %add3A_9 = arith.constant 256 : i32
    %add3A_10 = arith.addi %multiple_of3A, %add3A_9 : i32
    "tpu.region"() ({
      %run_scoped3A = tpu.sem_alloc : memref<!tpu.dma_semaphore, #tpu.memory_space<semaphore_mem>>
      %dma_start3A = arith.constant 0 : i32
      %dma_start3A_22 = tpu.memref_slice %arg12[%add3A_10, %dma_start3A] : memref<10240x64xf32, #tpu.memory_space<vmem_shared>> -> memref<128x64xf32, #tpu.memory_space<vmem_shared>>
      %dma_start3A_23 = arith.constant 0 : i32
      %dma_start3A_24 = tpu.memref_slice %arg12[%add3A_10, %dma_start3A_23] : memref<10240x64xf32, #tpu.memory_space<vmem_shared>> -> memref<128x64xf32, #tpu.memory_space<vmem_shared>>
      tpu.enqueue_dma source(%arg11 : memref<128x64xf32, #tpu.memory_space<vmem>>) target(%dma_start3A_24 : memref<128x64xf32, #tpu.memory_space<vmem_shared>>) target_semaphore(%run_scoped3A : memref<!tpu.dma_semaphore, #tpu.memory_space<semaphore_mem>>)
      %dma_wait3A = arith.constant 0 : i32
      %dma_wait3A_25 = tpu.memref_slice %arg12[%add3A_10, %dma_wait3A] : memref<10240x64xf32, #tpu.memory_space<vmem_shared>> -> memref<128x64xf32, #tpu.memory_space<vmem_shared>>
      %dma_wait3A_26 = arith.constant 0 : i32
      %dma_wait3A_27 = tpu.memref_slice %arg12[%add3A_10, %dma_wait3A_26] : memref<10240x64xf32, #tpu.memory_space<vmem_shared>> -> memref<128x64xf32, #tpu.memory_space<vmem_shared>>
      tpu.wait_dma2 semaphore(%run_scoped3A : memref<!tpu.dma_semaphore, #tpu.memory_space<semaphore_mem>>) src(%arg11 : memref<128x64xf32, #tpu.memory_space<vmem>>) dst(%dma_wait3A_27 : memref<128x64xf32, #tpu.memory_space<vmem_shared>>)
      tpu.yield
    }) : () -> ()
    %add3A_11 = arith.constant 384 : i32
    %add3A_12 = arith.addi %multiple_of3A, %add3A_11 : i32
    "tpu.region"() ({
      %run_scoped3A = tpu.sem_alloc : memref<!tpu.dma_semaphore, #tpu.memory_space<semaphore_mem>>
      %dma_start3A = arith.constant 0 : i32
      %dma_start3A_22 = tpu.memref_slice %arg12[%add3A_12, %dma_start3A] : memref<10240x64xf32, #tpu.memory_space<vmem_shared>> -> memref<128x64xf32, #tpu.memory_space<vmem_shared>>
      %dma_start3A_23 = arith.constant 0 : i32
      %dma_start3A_24 = tpu.memref_slice %arg12[%add3A_12, %dma_start3A_23] : memref<10240x64xf32, #tpu.memory_space<vmem_shared>> -> memref<128x64xf32, #tpu.memory_space<vmem_shared>>
      tpu.enqueue_dma source(%arg11 : memref<128x64xf32, #tpu.memory_space<vmem>>) target(%dma_start3A_24 : memref<128x64xf32, #tpu.memory_space<vmem_shared>>) target_semaphore(%run_scoped3A : memref<!tpu.dma_semaphore, #tpu.memory_space<semaphore_mem>>)
      %dma_wait3A = arith.constant 0 : i32
      %dma_wait3A_25 = tpu.memref_slice %arg12[%add3A_12, %dma_wait3A] : memref<10240x64xf32, #tpu.memory_space<vmem_shared>> -> memref<128x64xf32, #tpu.memory_space<vmem_shared>>
      %dma_wait3A_26 = arith.constant 0 : i32
      %dma_wait3A_27 = tpu.memref_slice %arg12[%add3A_12, %dma_wait3A_26] : memref<10240x64xf32, #tpu.memory_space<vmem_shared>> -> memref<128x64xf32, #tpu.memory_space<vmem_shared>>
      tpu.wait_dma2 semaphore(%run_scoped3A : memref<!tpu.dma_semaphore, #tpu.memory_space<semaphore_mem>>) src(%arg11 : memref<128x64xf32, #tpu.memory_space<vmem>>) dst(%dma_wait3A_27 : memref<128x64xf32, #tpu.memory_space<vmem_shared>>)
      tpu.yield
    }) : () -> ()
    %add3A_13 = arith.constant 512 : i32
    %add3A_14 = arith.addi %multiple_of3A, %add3A_13 : i32
    "tpu.region"() ({
      %run_scoped3A = tpu.sem_alloc : memref<!tpu.dma_semaphore, #tpu.memory_space<semaphore_mem>>
      %dma_start3A = arith.constant 0 : i32
      %dma_start3A_22 = tpu.memref_slice %arg12[%add3A_14, %dma_start3A] : memref<10240x64xf32, #tpu.memory_space<vmem_shared>> -> memref<128x64xf32, #tpu.memory_space<vmem_shared>>
      %dma_start3A_23 = arith.constant 0 : i32
      %dma_start3A_24 = tpu.memref_slice %arg12[%add3A_14, %dma_start3A_23] : memref<10240x64xf32, #tpu.memory_space<vmem_shared>> -> memref<128x64xf32, #tpu.memory_space<vmem_shared>>
      tpu.enqueue_dma source(%arg11 : memref<128x64xf32, #tpu.memory_space<vmem>>) target(%dma_start3A_24 : memref<128x64xf32, #tpu.memory_space<vmem_shared>>) target_semaphore(%run_scoped3A : memref<!tpu.dma_semaphore, #tpu.memory_space<semaphore_mem>>)
      %dma_wait3A = arith.constant 0 : i32
      %dma_wait3A_25 = tpu.memref_slice %arg12[%add3A_14, %dma_wait3A] : memref<10240x64xf32, #tpu.memory_space<vmem_shared>> -> memref<128x64xf32, #tpu.memory_space<vmem_shared>>
      %dma_wait3A_26 = arith.constant 0 : i32
      %dma_wait3A_27 = tpu.memref_slice %arg12[%add3A_14, %dma_wait3A_26] : memref<10240x64xf32, #tpu.memory_space<vmem_shared>> -> memref<128x64xf32, #tpu.memory_space<vmem_shared>>
      tpu.wait_dma2 semaphore(%run_scoped3A : memref<!tpu.dma_semaphore, #tpu.memory_space<semaphore_mem>>) src(%arg11 : memref<128x64xf32, #tpu.memory_space<vmem>>) dst(%dma_wait3A_27 : memref<128x64xf32, #tpu.memory_space<vmem_shared>>)
      tpu.yield
    }) : () -> ()
    %barrier3A = arith.constant 0 : index
    tpu.barrier barrier_id(%barrier3A)
    %scan3A_15 = arith.constant 0 : i32
    %scan3A_16 = arith.constant 0 : i32
    %scan3A_17 = arith.constant 250 : i32
    %scan3A_18 = arith.addi %scan3A_16, %scan3A_17 : i32
    %scan3A_19 = arith.constant 1 : i32
    scf.for %scan3A_22 = %scan3A_16 to %scan3A_18 step %scan3A_19  : i32 {
      "tpu.region"() ({
        %run_scoped3A = tpu.sem_alloc : memref<!tpu.dma_semaphore, #tpu.memory_space<semaphore_mem>>
        %dma_start3A = arith.constant 0 : i32
        %dma_start3A_29 = tpu.memref_slice %arg7[%scan3A_22, %dma_start3A] : memref<250x80xi32, #tpu.memory_space<vmem>> -> memref<1x80xi32, #tpu.memory_space<vmem>>
        %dma_start3A_30 = tpu.memref_squeeze %dma_start3A_29 : memref<1x80xi32, #tpu.memory_space<vmem>> -> memref<80xi32, #tpu.memory_space<vmem>>
        %dma_start3A_31 = arith.constant 0 : i32
        %dma_start3A_32 = arith.constant 0 : i32
        %dma_start3A_33 = tpu.memref_slice %arg2[%arg0, %dma_start3A_31, %dma_start3A_32] : memref<2x10000x64xf32, #tpu.memory_space<hbm>> -> memref<1x10000x64xf32, #tpu.memory_space<hbm>>
        %dma_start3A_34 = tpu.memref_squeeze %dma_start3A_33 : memref<1x10000x64xf32, #tpu.memory_space<hbm>> -> memref<10000x64xf32, #tpu.memory_space<hbm>>
        %dma_start3A_35 = arith.constant 0 : i32
        %dma_start3A_36 = arith.constant 0 : i32
        %dma_start3A_37 = tpu.memref_slice %dma_start3A_34[%dma_start3A_35, %dma_start3A_36] : memref<10000x64xf32, #tpu.memory_space<hbm>> -> memref<10000x64xf32, #tpu.memory_space<hbm>>
        tpu.enqueue_indirect_dma source(%dma_start3A_37 : memref<10000x64xf32, #tpu.memory_space<hbm>>) target(%arg10 : memref<80x64xf32, #tpu.memory_space<vmem>>) offsets(%dma_start3A_30 : memref<80xi32, #tpu.memory_space<vmem>>) semaphore(%run_scoped3A : memref<!tpu.dma_semaphore, #tpu.memory_space<semaphore_mem>>)
        %dma_wait3A = arith.constant 0 : i32
        %dma_wait3A_38 = tpu.memref_slice %arg7[%scan3A_22, %dma_wait3A] : memref<250x80xi32, #tpu.memory_space<vmem>> -> memref<1x80xi32, #tpu.memory_space<vmem>>
        %dma_wait3A_39 = tpu.memref_squeeze %dma_wait3A_38 : memref<1x80xi32, #tpu.memory_space<vmem>> -> memref<80xi32, #tpu.memory_space<vmem>>
        %dma_wait3A_40 = arith.constant 0 : i32
        %dma_wait3A_41 = arith.constant 0 : i32
        %dma_wait3A_42 = tpu.memref_slice %arg2[%arg0, %dma_wait3A_40, %dma_wait3A_41] : memref<2x10000x64xf32, #tpu.memory_space<hbm>> -> memref<1x10000x64xf32, #tpu.memory_space<hbm>>
        %dma_wait3A_43 = tpu.memref_squeeze %dma_wait3A_42 : memref<1x10000x64xf32, #tpu.memory_space<hbm>> -> memref<10000x64xf32, #tpu.memory_space<hbm>>
        %dma_wait3A_44 = arith.constant 0 : i32
        %dma_wait3A_45 = arith.constant 0 : i32
        %dma_wait3A_46 = tpu.memref_slice %dma_wait3A_43[%dma_wait3A_44, %dma_wait3A_45] : memref<10000x64xf32, #tpu.memory_space<hbm>> -> memref<10000x64xf32, #tpu.memory_space<hbm>>
        tpu.wait_indirect_dma semaphore(%run_scoped3A : memref<!tpu.dma_semaphore, #tpu.memory_space<semaphore_mem>>) src(%dma_wait3A_46 : memref<10000x64xf32, #tpu.memory_space<hbm>>) dst(%arg10 : memref<80x64xf32, #tpu.memory_space<vmem>>)
        tpu.yield
      }) : () -> ()
      %scan3A_23 = arith.constant 0 : i32
      %scan3A_24 = arith.constant 0 : i32
      %scan3A_25 = arith.constant 5 : i32
      %scan3A_26 = arith.addi %scan3A_24, %scan3A_25 : i32
      %scan3A_27 = arith.constant 1 : i32
      scf.for %scan3A_29 = %scan3A_24 to %scan3A_26 step %scan3A_27  : i32 {
        %mul3A_30 = arith.constant 16 : i32
        %mul3A_31 = arith.muli %scan3A_29, %mul3A_30 : i32
        %get3A = arith.index_cast %scan3A_22 : i32 to index
        %get3A_32 = arith.index_cast %mul3A_31 : i32 to index
        %get3A_33 = tpu.vector_load %arg9[%get3A, %get3A_32] {strides = array<i32>} : memref<250x80xf32, #tpu.memory_space<vmem>>, vector<1x16xf32>,
        %get3A_34 = vector.shape_cast %get3A_33 : vector<1x16xf32> to vector<16xf32>
        %slice3A = vector.extract_strided_slice %get3A_34 {offsets = [0], sizes = [1], strides = [1]} : vector<16xf32> to vector<1xf32>
        %squeeze3A = vector.extract %slice3A[0] : f32 from vector<1xf32>
        %mul3A_35 = arith.constant 16 : i32
        %mul3A_36 = arith.muli %scan3A_29, %mul3A_35 : i32
        %add3A_37 = arith.constant 0 : i32
        %add3A_38 = arith.addi %mul3A_36, %add3A_37 : i32
        %get3A_39 = arith.index_cast %add3A_38 : i32 to index
        %get3A_40 = arith.constant 0 : index
        %get3A_41 = tpu.vector_load %arg10[%get3A_39, %get3A_40] {strides = array<i32>} : memref<80x64xf32, #tpu.memory_space<vmem>>, vector<1x16xf32>,
        %get3A_42 = vector.shape_cast %get3A_41 : vector<1x16xf32> to vector<16xf32>
        %mul3A_43 = vector.broadcast %squeeze3A : f32 to vector<16xf32>
        %mul3A_44 = arith.mulf %get3A_42, %mul3A_43 : vector<16xf32>
        %swap3A = arith.index_cast %add3A_38 : i32 to index
        %swap3A_45 = arith.constant 0 : index
        %swap3A_46 = tpu.vector_load %arg10[%swap3A, %swap3A_45] {strides = array<i32>} : memref<80x64xf32, #tpu.memory_space<vmem>>, vector<1x16xf32>,
        %swap3A_47 = vector.shape_cast %swap3A_46 : vector<1x16xf32> to vector<16xf32>
        %swap3A_48 = vector.shape_cast %mul3A_44 : vector<16xf32> to vector<1x16xf32>
        tpu.vector_store %arg10[%swap3A, %swap3A_45], %swap3A_48 {strides = array<i32>} : memref<80x64xf32, #tpu.memory_space<vmem>>, vector<1x16xf32>,
        %get3A_49 = arith.index_cast %add3A_38 : i32 to index
        %get3A_50 = arith.constant 16 : index
        %get3A_51 = tpu.vector_load %arg10[%get3A_49, %get3A_50] {strides = array<i32>} : memref<80x64xf32, #tpu.memory_space<vmem>>, vector<1x16xf32>,
        %get3A_52 = vector.shape_cast %get3A_51 : vector<1x16xf32> to vector<16xf32>
        %mul3A_53 = vector.broadcast %squeeze3A : f32 to vector<16xf32>
        %mul3A_54 = arith.mulf %get3A_52, %mul3A_53 : vector<16xf32>
        %swap3A_55 = arith.index_cast %add3A_38 : i32 to index
        %swap3A_56 = arith.constant 16 : index
        %swap3A_57 = tpu.vector_load %arg10[%swap3A_55, %swap3A_56] {strides = array<i32>} : memref<80x64xf32, #tpu.memory_space<vmem>>, vector<1x16xf32>,
        %swap3A_58 = vector.shape_cast %swap3A_57 : vector<1x16xf32> to vector<16xf32>
        %swap3A_59 = vector.shape_cast %mul3A_54 : vector<16xf32> to vector<1x16xf32>
        tpu.vector_store %arg10[%swap3A_55, %swap3A_56], %swap3A_59 {strides = array<i32>} : memref<80x64xf32, #tpu.memory_space<vmem>>, vector<1x16xf32>,
        %get3A_60 = arith.index_cast %add3A_38 : i32 to index
        %get3A_61 = arith.constant 32 : index
        %get3A_62 = tpu.vector_load %arg10[%get3A_60, %get3A_61] {strides = array<i32>} : memref<80x64xf32, #tpu.memory_space<vmem>>, vector<1x16xf32>,
        %get3A_63 = vector.shape_cast %get3A_62 : vector<1x16xf32> to vector<16xf32>
        %mul3A_64 = vector.broadcast %squeeze3A : f32 to vector<16xf32>
        %mul3A_65 = arith.mulf %get3A_63, %mul3A_64 : vector<16xf32>
        %swap3A_66 = arith.index_cast %add3A_38 : i32 to index
        %swap3A_67 = arith.constant 32 : index
        %swap3A_68 = tpu.vector_load %arg10[%swap3A_66, %swap3A_67] {strides = array<i32>} : memref<80x64xf32, #tpu.memory_space<vmem>>, vector<1x16xf32>,
        %swap3A_69 = vector.shape_cast %swap3A_68 : vector<1x16xf32> to vector<16xf32>
        %swap3A_70 = vector.shape_cast %mul3A_65 : vector<16xf32> to vector<1x16xf32>
        tpu.vector_store %arg10[%swap3A_66, %swap3A_67], %swap3A_70 {strides = array<i32>} : memref<80x64xf32, #tpu.memory_space<vmem>>, vector<1x16xf32>,
        %get3A_71 = arith.index_cast %add3A_38 : i32 to index
        %get3A_72 = arith.constant 48 : index
        %get3A_73 = tpu.vector_load %arg10[%get3A_71, %get3A_72] {strides = array<i32>} : memref<80x64xf32, #tpu.memory_space<vmem>>, vector<1x16xf32>,
        %get3A_74 = vector.shape_cast %get3A_73 : vector<1x16xf32> to vector<16xf32>
        %mul3A_75 = vector.broadcast %squeeze3A : f32 to vector<16xf32>
        %mul3A_76 = arith.mulf %get3A_74, %mul3A_75 : vector<16xf32>
        %swap3A_77 = arith.index_cast %add3A_38 : i32 to index
        %swap3A_78 = arith.constant 48 : index
        %swap3A_79 = tpu.vector_load %arg10[%swap3A_77, %swap3A_78] {strides = array<i32>} : memref<80x64xf32, #tpu.memory_space<vmem>>, vector<1x16xf32>,
        %swap3A_80 = vector.shape_cast %swap3A_79 : vector<1x16xf32> to vector<16xf32>
        %swap3A_81 = vector.shape_cast %mul3A_76 : vector<16xf32> to vector<1x16xf32>
        tpu.vector_store %arg10[%swap3A_77, %swap3A_78], %swap3A_81 {strides = array<i32>} : memref<80x64xf32, #tpu.memory_space<vmem>>, vector<1x16xf32>,
        %slice3A_82 = vector.extract_strided_slice %get3A_34 {offsets = [1], sizes = [1], strides = [1]} : vector<16xf32> to vector<1xf32>
        %squeeze3A_83 = vector.extract %slice3A_82[0] : f32 from vector<1xf32>
        %mul3A_84 = arith.constant 16 : i32
        %mul3A_85 = arith.muli %scan3A_29, %mul3A_84 : i32
        %add3A_86 = arith.constant 1 : i32
        %add3A_87 = arith.addi %mul3A_85, %add3A_86 : i32
        %get3A_88 = arith.index_cast %add3A_87 : i32 to index
        %get3A_89 = arith.constant 0 : index
        %get3A_90 = tpu.vector_load %arg10[%get3A_88, %get3A_89] {strides = array<i32>} : memref<80x64xf32, #tpu.memory_space<vmem>>, vector<1x16xf32>,
        %get3A_91 = vector.shape_cast %get3A_90 : vector<1x16xf32> to vector<16xf32>
        %mul3A_92 = vector.broadcast %squeeze3A_83 : f32 to vector<16xf32>
        %mul3A_93 = arith.mulf %get3A_91, %mul3A_92 : vector<16xf32>
        %swap3A_94 = arith.index_cast %add3A_87 : i32 to index
        %swap3A_95 = arith.constant 0 : index
        %swap3A_96 = tpu.vector_load %arg10[%swap3A_94, %swap3A_95] {strides = array<i32>} : memref<80x64xf32, #tpu.memory_space<vmem>>, vector<1x16xf32>,
        %swap3A_97 = vector.shape_cast %swap3A_96 : vector<1x16xf32> to vector<16xf32>
        %swap3A_98 = vector.shape_cast %mul3A_93 : vector<16xf32> to vector<1x16xf32>
        tpu.vector_store %arg10[%swap3A_94, %swap3A_95], %swap3A_98 {strides = array<i32>} : memref<80x64xf32, #tpu.memory_space<vmem>>, vector<1x16xf32>,
        %get3A_99 = arith.index_cast %add3A_87 : i32 to index
        %get3A_100 = arith.constant 16 : index
        %get3A_101 = tpu.vector_load %arg10[%get3A_99, %get3A_100] {strides = array<i32>} : memref<80x64xf32, #tpu.memory_space<vmem>>, vector<1x16xf32>,
        %get3A_102 = vector.shape_cast %get3A_101 : vector<1x16xf32> to vector<16xf32>
        %mul3A_103 = vector.broadcast %squeeze3A_83 : f32 to vector<16xf32>
        %mul3A_104 = arith.mulf %get3A_102, %mul3A_103 : vector<16xf32>
        %swap3A_105 = arith.index_cast %add3A_87 : i32 to index
        %swap3A_106 = arith.constant 16 : index
        %swap3A_107 = tpu.vector_load %arg10[%swap3A_105, %swap3A_106] {strides = array<i32>} : memref<80x64xf32, #tpu.memory_space<vmem>>, vector<1x16xf32>,
        %swap3A_108 = vector.shape_cast %swap3A_107 : vector<1x16xf32> to vector<16xf32>
        %swap3A_109 = vector.shape_cast %mul3A_104 : vector<16xf32> to vector<1x16xf32>
        tpu.vector_store %arg10[%swap3A_105, %swap3A_106], %swap3A_109 {strides = array<i32>} : memref<80x64xf32, #tpu.memory_space<vmem>>, vector<1x16xf32>,
        %get3A_110 = arith.index_cast %add3A_87 : i32 to index
        %get3A_111 = arith.constant 32 : index
        %get3A_112 = tpu.vector_load %arg10[%get3A_110, %get3A_111] {strides = array<i32>} : memref<80x64xf32, #tpu.memory_space<vmem>>, vector<1x16xf32>,
        %get3A_113 = vector.shape_cast %get3A_112 : vector<1x16xf32> to vector<16xf32>
        %mul3A_114 = vector.broadcast %squeeze3A_83 : f32 to vector<16xf32>
        %mul3A_115 = arith.mulf %get3A_113, %mul3A_114 : vector<16xf32>
        %swap3A_116 = arith.index_cast %add3A_87 : i32 to index
        %swap3A_117 = arith.constant 32 : index
        %swap3A_118 = tpu.vector_load %arg10[%swap3A_116, %swap3A_117] {strides = array<i32>} : memref<80x64xf32, #tpu.memory_space<vmem>>, vector<1x16xf32>,
        %swap3A_119 = vector.shape_cast %swap3A_118 : vector<1x16xf32> to vector<16xf32>
        %swap3A_120 = vector.shape_cast %mul3A_115 : vector<16xf32> to vector<1x16xf32>
        tpu.vector_store %arg10[%swap3A_116, %swap3A_117], %swap3A_120 {strides = array<i32>} : memref<80x64xf32, #tpu.memory_space<vmem>>, vector<1x16xf32>,
        %get3A_121 = arith.index_cast %add3A_87 : i32 to index
        %get3A_122 = arith.constant 48 : index
        %get3A_123 = tpu.vector_load %arg10[%get3A_121, %get3A_122] {strides = array<i32>} : memref<80x64xf32, #tpu.memory_space<vmem>>, vector<1x16xf32>,
        %get3A_124 = vector.shape_cast %get3A_123 : vector<1x16xf32> to vector<16xf32>
        %mul3A_125 = vector.broadcast %squeeze3A_83 : f32 to vector<16xf32>
        %mul3A_126 = arith.mulf %get3A_124, %mul3A_125 : vector<16xf32>
        %swap3A_127 = arith.index_cast %add3A_87 : i32 to index
        %swap3A_128 = arith.constant 48 : index
        %swap3A_129 = tpu.vector_load %arg10[%swap3A_127, %swap3A_128] {strides = array<i32>} : memref<80x64xf32, #tpu.memory_space<vmem>>, vector<1x16xf32>,
        %swap3A_130 = vector.shape_cast %swap3A_129 : vector<1x16xf32> to vector<16xf32>
        %swap3A_131 = vector.shape_cast %mul3A_126 : vector<16xf32> to vector<1x16xf32>
        tpu.vector_store %arg10[%swap3A_127, %swap3A_128], %swap3A_131 {strides = array<i32>} : memref<80x64xf32, #tpu.memory_space<vmem>>, vector<1x16xf32>,
        %slice3A_132 = vector.extract_strided_slice %get3A_34 {offsets = [2], sizes = [1], strides = [1]} : vector<16xf32> to vector<1xf32>
        %squeeze3A_133 = vector.extract %slice3A_132[0] : f32 from vector<1xf32>
        %mul3A_134 = arith.constant 16 : i32
        %mul3A_135 = arith.muli %scan3A_29, %mul3A_134 : i32
        %add3A_136 = arith.constant 2 : i32
        %add3A_137 = arith.addi %mul3A_135, %add3A_136 : i32
        %get3A_138 = arith.index_cast %add3A_137 : i32 to index
        %get3A_139 = arith.constant 0 : index
        %get3A_140 = tpu.vector_load %arg10[%get3A_138, %get3A_139] {strides = array<i32>} : memref<80x64xf32, #tpu.memory_space<vmem>>, vector<1x16xf32>,
        %get3A_141 = vector.shape_cast %get3A_140 : vector<1x16xf32> to vector<16xf32>
        %mul3A_142 = vector.broadcast %squeeze3A_133 : f32 to vector<16xf32>
        %mul3A_143 = arith.mulf %get3A_141, %mul3A_142 : vector<16xf32>
        %swap3A_144 = arith.index_cast %add3A_137 : i32 to index
        %swap3A_145 = arith.constant 0 : index
        %swap3A_146 = tpu.vector_load %arg10[%swap3A_144, %swap3A_145] {strides = array<i32>} : memref<80x64xf32, #tpu.memory_space<vmem>>, vector<1x16xf32>,
        %swap3A_147 = vector.shape_cast %swap3A_146 : vector<1x16xf32> to vector<16xf32>
        %swap3A_148 = vector.shape_cast %mul3A_143 : vector<16xf32> to vector<1x16xf32>
        tpu.vector_store %arg10[%swap3A_144, %swap3A_145], %swap3A_148 {strides = array<i32>} : memref<80x64xf32, #tpu.memory_space<vmem>>, vector<1x16xf32>,
        %get3A_149 = arith.index_cast %add3A_137 : i32 to index
        %get3A_150 = arith.constant 16 : index
        %get3A_151 = tpu.vector_load %arg10[%get3A_149, %get3A_150] {strides = array<i32>} : memref<80x64xf32, #tpu.memory_space<vmem>>, vector<1x16xf32>,
        %get3A_152 = vector.shape_cast %get3A_151 : vector<1x16xf32> to vector<16xf32>
        %mul3A_153 = vector.broadcast %squeeze3A_133 : f32 to vector<16xf32>
        %mul3A_154 = arith.mulf %get3A_152, %mul3A_153 : vector<16xf32>
        %swap3A_155 = arith.index_cast %add3A_137 : i32 to index
        %swap3A_156 = arith.constant 16 : index
        %swap3A_157 = tpu.vector_load %arg10[%swap3A_155, %swap3A_156] {strides = array<i32>} : memref<80x64xf32, #tpu.memory_space<vmem>>, vector<1x16xf32>,
        %swap3A_158 = vector.shape_cast %swap3A_157 : vector<1x16xf32> to vector<16xf32>
        %swap3A_159 = vector.shape_cast %mul3A_154 : vector<16xf32> to vector<1x16xf32>
        tpu.vector_store %arg10[%swap3A_155, %swap3A_156], %swap3A_159 {strides = array<i32>} : memref<80x64xf32, #tpu.memory_space<vmem>>, vector<1x16xf32>,
        %get3A_160 = arith.index_cast %add3A_137 : i32 to index
        %get3A_161 = arith.constant 32 : index
        %get3A_162 = tpu.vector_load %arg10[%get3A_160, %get3A_161] {strides = array<i32>} : memref<80x64xf32, #tpu.memory_space<vmem>>, vector<1x16xf32>,
        %get3A_163 = vector.shape_cast %get3A_162 : vector<1x16xf32> to vector<16xf32>
        %mul3A_164 = vector.broadcast %squeeze3A_133 : f32 to vector<16xf32>
        %mul3A_165 = arith.mulf %get3A_163, %mul3A_164 : vector<16xf32>
        %swap3A_166 = arith.index_cast %add3A_137 : i32 to index
        %swap3A_167 = arith.constant 32 : index
        %swap3A_168 = tpu.vector_load %arg10[%swap3A_166, %swap3A_167] {strides = array<i32>} : memref<80x64xf32, #tpu.memory_space<vmem>>, vector<1x16xf32>,
        %swap3A_169 = vector.shape_cast %swap3A_168 : vector<1x16xf32> to vector<16xf32>
        %swap3A_170 = vector.shape_cast %mul3A_165 : vector<16xf32> to vector<1x16xf32>
        tpu.vector_store %arg10[%swap3A_166, %swap3A_167], %swap3A_170 {strides = array<i32>} : memref<80x64xf32, #tpu.memory_space<vmem>>, vector<1x16xf32>,
        %get3A_171 = arith.index_cast %add3A_137 : i32 to index
        %get3A_172 = arith.constant 48 : index
        %get3A_173 = tpu.vector_load %arg10[%get3A_171, %get3A_172] {strides = array<i32>} : memref<80x64xf32, #tpu.memory_space<vmem>>, vector<1x16xf32>,
        %get3A_174 = vector.shape_cast %get3A_173 : vector<1x16xf32> to vector<16xf32>
        %mul3A_175 = vector.broadcast %squeeze3A_133 : f32 to vector<16xf32>
        %mul3A_176 = arith.mulf %get3A_174, %mul3A_175 : vector<16xf32>
        %swap3A_177 = arith.index_cast %add3A_137 : i32 to index
        %swap3A_178 = arith.constant 48 : index
        %swap3A_179 = tpu.vector_load %arg10[%swap3A_177, %swap3A_178] {strides = array<i32>} : memref<80x64xf32, #tpu.memory_space<vmem>>, vector<1x16xf32>,
        %swap3A_180 = vector.shape_cast %swap3A_179 : vector<1x16xf32> to vector<16xf32>
        %swap3A_181 = vector.shape_cast %mul3A_176 : vector<16xf32> to vector<1x16xf32>
        tpu.vector_store %arg10[%swap3A_177, %swap3A_178], %swap3A_181 {strides = array<i32>} : memref<80x64xf32, #tpu.memory_space<vmem>>, vector<1x16xf32>,
        %slice3A_182 = vector.extract_strided_slice %get3A_34 {offsets = [3], sizes = [1], strides = [1]} : vector<16xf32> to vector<1xf32>
        %squeeze3A_183 = vector.extract %slice3A_182[0] : f32 from vector<1xf32>
        %mul3A_184 = arith.constant 16 : i32
        %mul3A_185 = arith.muli %scan3A_29, %mul3A_184 : i32
        %add3A_186 = arith.constant 3 : i32
        %add3A_187 = arith.addi %mul3A_185, %add3A_186 : i32
        %get3A_188 = arith.index_cast %add3A_187 : i32 to index
        %get3A_189 = arith.constant 0 : index
        %get3A_190 = tpu.vector_load %arg10[%get3A_188, %get3A_189] {strides = array<i32>} : memref<80x64xf32, #tpu.memory_space<vmem>>, vector<1x16xf32>,
        %get3A_191 = vector.shape_cast %get3A_190 : vector<1x16xf32> to vector<16xf32>
        %mul3A_192 = vector.broadcast %squeeze3A_183 : f32 to vector<16xf32>
        %mul3A_193 = arith.mulf %get3A_191, %mul3A_192 : vector<16xf32>
        %swap3A_194 = arith.index_cast %add3A_187 : i32 to index
        %swap3A_195 = arith.constant 0 : index
        %swap3A_196 = tpu.vector_load %arg10[%swap3A_194, %swap3A_195] {strides = array<i32>} : memref<80x64xf32, #tpu.memory_space<vmem>>, vector<1x16xf32>,
        %swap3A_197 = vector.shape_cast %swap3A_196 : vector<1x16xf32> to vector<16xf32>
        %swap3A_198 = vector.shape_cast %mul3A_193 : vector<16xf32> to vector<1x16xf32>
        tpu.vector_store %arg10[%swap3A_194, %swap3A_195], %swap3A_198 {strides = array<i32>} : memref<80x64xf32, #tpu.memory_space<vmem>>, vector<1x16xf32>,
        %get3A_199 = arith.index_cast %add3A_187 : i32 to index
        %get3A_200 = arith.constant 16 : index
        %get3A_201 = tpu.vector_load %arg10[%get3A_199, %get3A_200] {strides = array<i32>} : memref<80x64xf32, #tpu.memory_space<vmem>>, vector<1x16xf32>,
        %get3A_202 = vector.shape_cast %get3A_201 : vector<1x16xf32> to vector<16xf32>
        %mul3A_203 = vector.broadcast %squeeze3A_183 : f32 to vector<16xf32>
        %mul3A_204 = arith.mulf %get3A_202, %mul3A_203 : vector<16xf32>
        %swap3A_205 = arith.index_cast %add3A_187 : i32 to index
        %swap3A_206 = arith.constant 16 : index
        %swap3A_207 = tpu.vector_load %arg10[%swap3A_205, %swap3A_206] {strides = array<i32>} : memref<80x64xf32, #tpu.memory_space<vmem>>, vector<1x16xf32>,
        %swap3A_208 = vector.shape_cast %swap3A_207 : vector<1x16xf32> to vector<16xf32>
        %swap3A_209 = vector.shape_cast %mul3A_204 : vector<16xf32> to vector<1x16xf32>
        tpu.vector_store %arg10[%swap3A_205, %swap3A_206], %swap3A_209 {strides = array<i32>} : memref<80x64xf32, #tpu.memory_space<vmem>>, vector<1x16xf32>,
        %get3A_210 = arith.index_cast %add3A_187 : i32 to index
        %get3A_211 = arith.constant 32 : index
        %get3A_212 = tpu.vector_load %arg10[%get3A_210, %get3A_211] {strides = array<i32>} : memref<80x64xf32, #tpu.memory_space<vmem>>, vector<1x16xf32>,
        %get3A_213 = vector.shape_cast %get3A_212 : vector<1x16xf32> to vector<16xf32>
        %mul3A_214 = vector.broadcast %squeeze3A_183 : f32 to vector<16xf32>
        %mul3A_215 = arith.mulf %get3A_213, %mul3A_214 : vector<16xf32>
        %swap3A_216 = arith.index_cast %add3A_187 : i32 to index
        %swap3A_217 = arith.constant 32 : index
        %swap3A_218 = tpu.vector_load %arg10[%swap3A_216, %swap3A_217] {strides = array<i32>} : memref<80x64xf32, #tpu.memory_space<vmem>>, vector<1x16xf32>,
        %swap3A_219 = vector.shape_cast %swap3A_218 : vector<1x16xf32> to vector<16xf32>
        %swap3A_220 = vector.shape_cast %mul3A_215 : vector<16xf32> to vector<1x16xf32>
        tpu.vector_store %arg10[%swap3A_216, %swap3A_217], %swap3A_220 {strides = array<i32>} : memref<80x64xf32, #tpu.memory_space<vmem>>, vector<1x16xf32>,
        %get3A_221 = arith.index_cast %add3A_187 : i32 to index
        %get3A_222 = arith.constant 48 : index
        %get3A_223 = tpu.vector_load %arg10[%get3A_221, %get3A_222] {strides = array<i32>} : memref<80x64xf32, #tpu.memory_space<vmem>>, vector<1x16xf32>,
        %get3A_224 = vector.shape_cast %get3A_223 : vector<1x16xf32> to vector<16xf32>
        %mul3A_225 = vector.broadcast %squeeze3A_183 : f32 to vector<16xf32>
        %mul3A_226 = arith.mulf %get3A_224, %mul3A_225 : vector<16xf32>
        %swap3A_227 = arith.index_cast %add3A_187 : i32 to index
        %swap3A_228 = arith.constant 48 : index
        %swap3A_229 = tpu.vector_load %arg10[%swap3A_227, %swap3A_228] {strides = array<i32>} : memref<80x64xf32, #tpu.memory_space<vmem>>, vector<1x16xf32>,
        %swap3A_230 = vector.shape_cast %swap3A_229 : vector<1x16xf32> to vector<16xf32>
        %swap3A_231 = vector.shape_cast %mul3A_226 : vector<16xf32> to vector<1x16xf32>
        tpu.vector_store %arg10[%swap3A_227, %swap3A_228], %swap3A_231 {strides = array<i32>} : memref<80x64xf32, #tpu.memory_space<vmem>>, vector<1x16xf32>,
        %slice3A_232 = vector.extract_strided_slice %get3A_34 {offsets = [4], sizes = [1], strides = [1]} : vector<16xf32> to vector<1xf32>
        %squeeze3A_233 = vector.extract %slice3A_232[0] : f32 from vector<1xf32>
        %mul3A_234 = arith.constant 16 : i32
        %mul3A_235 = arith.muli %scan3A_29, %mul3A_234 : i32
        %add3A_236 = arith.constant 4 : i32
        %add3A_237 = arith.addi %mul3A_235, %add3A_236 : i32
        %get3A_238 = arith.index_cast %add3A_237 : i32 to index
        %get3A_239 = arith.constant 0 : index
        %get3A_240 = tpu.vector_load %arg10[%get3A_238, %get3A_239] {strides = array<i32>} : memref<80x64xf32, #tpu.memory_space<vmem>>, vector<1x16xf32>,
        %get3A_241 = vector.shape_cast %get3A_240 : vector<1x16xf32> to vector<16xf32>
        %mul3A_242 = vector.broadcast %squeeze3A_233 : f32 to vector<16xf32>
        %mul3A_243 = arith.mulf %get3A_241, %mul3A_242 : vector<16xf32>
        %swap3A_244 = arith.index_cast %add3A_237 : i32 to index
        %swap3A_245 = arith.constant 0 : index
        %swap3A_246 = tpu.vector_load %arg10[%swap3A_244, %swap3A_245] {strides = array<i32>} : memref<80x64xf32, #tpu.memory_space<vmem>>, vector<1x16xf32>,
        %swap3A_247 = vector.shape_cast %swap3A_246 : vector<1x16xf32> to vector<16xf32>
        %swap3A_248 = vector.shape_cast %mul3A_243 : vector<16xf32> to vector<1x16xf32>
        tpu.vector_store %arg10[%swap3A_244, %swap3A_245], %swap3A_248 {strides = array<i32>} : memref<80x64xf32, #tpu.memory_space<vmem>>, vector<1x16xf32>,
        %get3A_249 = arith.index_cast %add3A_237 : i32 to index
        %get3A_250 = arith.constant 16 : index
        %get3A_251 = tpu.vector_load %arg10[%get3A_249, %get3A_250] {strides = array<i32>} : memref<80x64xf32, #tpu.memory_space<vmem>>, vector<1x16xf32>,
        %get3A_252 = vector.shape_cast %get3A_251 : vector<1x16xf32> to vector<16xf32>
        %mul3A_253 = vector.broadcast %squeeze3A_233 : f32 to vector<16xf32>
        %mul3A_254 = arith.mulf %get3A_252, %mul3A_253 : vector<16xf32>
        %swap3A_255 = arith.index_cast %add3A_237 : i32 to index
        %swap3A_256 = arith.constant 16 : index
        %swap3A_257 = tpu.vector_load %arg10[%swap3A_255, %swap3A_256] {strides = array<i32>} : memref<80x64xf32, #tpu.memory_space<vmem>>, vector<1x16xf32>,
        %swap3A_258 = vector.shape_cast %swap3A_257 : vector<1x16xf32> to vector<16xf32>
        %swap3A_259 = vector.shape_cast %mul3A_254 : vector<16xf32> to vector<1x16xf32>
        tpu.vector_store %arg10[%swap3A_255, %swap3A_256], %swap3A_259 {strides = array<i32>} : memref<80x64xf32, #tpu.memory_space<vmem>>, vector<1x16xf32>,
        %get3A_260 = arith.index_cast %add3A_237 : i32 to index
        %get3A_261 = arith.constant 32 : index
        %get3A_262 = tpu.vector_load %arg10[%get3A_260, %get3A_261] {strides = array<i32>} : memref<80x64xf32, #tpu.memory_space<vmem>>, vector<1x16xf32>,
        %get3A_263 = vector.shape_cast %get3A_262 : vector<1x16xf32> to vector<16xf32>
        %mul3A_264 = vector.broadcast %squeeze3A_233 : f32 to vector<16xf32>
        %mul3A_265 = arith.mulf %get3A_263, %mul3A_264 : vector<16xf32>
        %swap3A_266 = arith.index_cast %add3A_237 : i32 to index
        %swap3A_267 = arith.constant 32 : index
        %swap3A_268 = tpu.vector_load %arg10[%swap3A_266, %swap3A_267] {strides = array<i32>} : memref<80x64xf32, #tpu.memory_space<vmem>>, vector<1x16xf32>,
        %swap3A_269 = vector.shape_cast %swap3A_268 : vector<1x16xf32> to vector<16xf32>
        %swap3A_270 = vector.shape_cast %mul3A_265 : vector<16xf32> to vector<1x16xf32>
        tpu.vector_store %arg10[%swap3A_266, %swap3A_267], %swap3A_270 {strides = array<i32>} : memref<80x64xf32, #tpu.memory_space<vmem>>, vector<1x16xf32>,
        %get3A_271 = arith.index_cast %add3A_237 : i32 to index
        %get3A_272 = arith.constant 48 : index
        %get3A_273 = tpu.vector_load %arg10[%get3A_271, %get3A_272] {strides = array<i32>} : memref<80x64xf32, #tpu.memory_space<vmem>>, vector<1x16xf32>,
        %get3A_274 = vector.shape_cast %get3A_273 : vector<1x16xf32> to vector<16xf32>
        %mul3A_275 = vector.broadcast %squeeze3A_233 : f32 to vector<16xf32>
        %mul3A_276 = arith.mulf %get3A_274, %mul3A_275 : vector<16xf32>
        %swap3A_277 = arith.index_cast %add3A_237 : i32 to index
        %swap3A_278 = arith.constant 48 : index
        %swap3A_279 = tpu.vector_load %arg10[%swap3A_277, %swap3A_278] {strides = array<i32>} : memref<80x64xf32, #tpu.memory_space<vmem>>, vector<1x16xf32>,
        %swap3A_280 = vector.shape_cast %swap3A_279 : vector<1x16xf32> to vector<16xf32>
        %swap3A_281 = vector.shape_cast %mul3A_276 : vector<16xf32> to vector<1x16xf32>
        tpu.vector_store %arg10[%swap3A_277, %swap3A_278], %swap3A_281 {strides = array<i32>} : memref<80x64xf32, #tpu.memory_space<vmem>>, vector<1x16xf32>,
        %slice3A_282 = vector.extract_strided_slice %get3A_34 {offsets = [5], sizes = [1], strides = [1]} : vector<16xf32> to vector<1xf32>
        %squeeze3A_283 = vector.extract %slice3A_282[0] : f32 from vector<1xf32>
        %mul3A_284 = arith.constant 16 : i32
        %mul3A_285 = arith.muli %scan3A_29, %mul3A_284 : i32
        %add3A_286 = arith.constant 5 : i32
        %add3A_287 = arith.addi %mul3A_285, %add3A_286 : i32
        %get3A_288 = arith.index_cast %add3A_287 : i32 to index
        %get3A_289 = arith.constant 0 : index
        %get3A_290 = tpu.vector_load %arg10[%get3A_288, %get3A_289] {strides = array<i32>} : memref<80x64xf32, #tpu.memory_space<vmem>>, vector<1x16xf32>,
        %get3A_291 = vector.shape_cast %get3A_290 : vector<1x16xf32> to vector<16xf32>
        %mul3A_292 = vector.broadcast %squeeze3A_283 : f32 to vector<16xf32>
        %mul3A_293 = arith.mulf %get3A_291, %mul3A_292 : vector<16xf32>
        %swap3A_294 = arith.index_cast %add3A_287 : i32 to index
        %swap3A_295 = arith.constant 0 : index
        %swap3A_296 = tpu.vector_load %arg10[%swap3A_294, %swap3A_295] {strides = array<i32>} : memref<80x64xf32, #tpu.memory_space<vmem>>, vector<1x16xf32>,
        %swap3A_297 = vector.shape_cast %swap3A_296 : vector<1x16xf32> to vector<16xf32>
        %swap3A_298 = vector.shape_cast %mul3A_293 : vector<16xf32> to vector<1x16xf32>
        tpu.vector_store %arg10[%swap3A_294, %swap3A_295], %swap3A_298 {strides = array<i32>} : memref<80x64xf32, #tpu.memory_space<vmem>>, vector<1x16xf32>,
        %get3A_299 = arith.index_cast %add3A_287 : i32 to index
        %get3A_300 = arith.constant 16 : index
        %get3A_301 = tpu.vector_load %arg10[%get3A_299, %get3A_300] {strides = array<i32>} : memref<80x64xf32, #tpu.memory_space<vmem>>, vector<1x16xf32>,
        %get3A_302 = vector.shape_cast %get3A_301 : vector<1x16xf32> to vector<16xf32>
        %mul3A_303 = vector.broadcast %squeeze3A_283 : f32 to vector<16xf32>
        %mul3A_304 = arith.mulf %get3A_302, %mul3A_303 : vector<16xf32>
        %swap3A_305 = arith.index_cast %add3A_287 : i32 to index
        %swap3A_306 = arith.constant 16 : index
        %swap3A_307 = tpu.vector_load %arg10[%swap3A_305, %swap3A_306] {strides = array<i32>} : memref<80x64xf32, #tpu.memory_space<vmem>>, vector<1x16xf32>,
        %swap3A_308 = vector.shape_cast %swap3A_307 : vector<1x16xf32> to vector<16xf32>
        %swap3A_309 = vector.shape_cast %mul3A_304 : vector<16xf32> to vector<1x16xf32>
        tpu.vector_store %arg10[%swap3A_305, %swap3A_306], %swap3A_309 {strides = array<i32>} : memref<80x64xf32, #tpu.memory_space<vmem>>, vector<1x16xf32>,
        %get3A_310 = arith.index_cast %add3A_287 : i32 to index
        %get3A_311 = arith.constant 32 : index
        %get3A_312 = tpu.vector_load %arg10[%get3A_310, %get3A_311] {strides = array<i32>} : memref<80x64xf32, #tpu.memory_space<vmem>>, vector<1x16xf32>,
        %get3A_313 = vector.shape_cast %get3A_312 : vector<1x16xf32> to vector<16xf32>
        %mul3A_314 = vector.broadcast %squeeze3A_283 : f32 to vector<16xf32>
        %mul3A_315 = arith.mulf %get3A_313, %mul3A_314 : vector<16xf32>
        %swap3A_316 = arith.index_cast %add3A_287 : i32 to index
        %swap3A_317 = arith.constant 32 : index
        %swap3A_318 = tpu.vector_load %arg10[%swap3A_316, %swap3A_317] {strides = array<i32>} : memref<80x64xf32, #tpu.memory_space<vmem>>, vector<1x16xf32>,
        %swap3A_319 = vector.shape_cast %swap3A_318 : vector<1x16xf32> to vector<16xf32>
        %swap3A_320 = vector.shape_cast %mul3A_315 : vector<16xf32> to vector<1x16xf32>
        tpu.vector_store %arg10[%swap3A_316, %swap3A_317], %swap3A_320 {strides = array<i32>} : memref<80x64xf32, #tpu.memory_space<vmem>>, vector<1x16xf32>,
        %get3A_321 = arith.index_cast %add3A_287 : i32 to index
        %get3A_322 = arith.constant 48 : index
        %get3A_323 = tpu.vector_load %arg10[%get3A_321, %get3A_322] {strides = array<i32>} : memref<80x64xf32, #tpu.memory_space<vmem>>, vector<1x16xf32>,
        %get3A_324 = vector.shape_cast %get3A_323 : vector<1x16xf32> to vector<16xf32>
        %mul3A_325 = vector.broadcast %squeeze3A_283 : f32 to vector<16xf32>
        %mul3A_326 = arith.mulf %get3A_324, %mul3A_325 : vector<16xf32>
        %swap3A_327 = arith.index_cast %add3A_287 : i32 to index
        %swap3A_328 = arith.constant 48 : index
        %swap3A_329 = tpu.vector_load %arg10[%swap3A_327, %swap3A_328] {strides = array<i32>} : memref<80x64xf32, #tpu.memory_space<vmem>>, vector<1x16xf32>,
        %swap3A_330 = vector.shape_cast %swap3A_329 : vector<1x16xf32> to vector<16xf32>
        %swap3A_331 = vector.shape_cast %mul3A_326 : vector<16xf32> to vector<1x16xf32>
        tpu.vector_store %arg10[%swap3A_327, %swap3A_328], %swap3A_331 {strides = array<i32>} : memref<80x64xf32, #tpu.memory_space<vmem>>, vector<1x16xf32>,
        %slice3A_332 = vector.extract_strided_slice %get3A_34 {offsets = [6], sizes = [1], strides = [1]} : vector<16xf32> to vector<1xf32>
        %squeeze3A_333 = vector.extract %slice3A_332[0] : f32 from vector<1xf32>
        %mul3A_334 = arith.constant 16 : i32
        %mul3A_335 = arith.muli %scan3A_29, %mul3A_334 : i32
        %add3A_336 = arith.constant 6 : i32
        %add3A_337 = arith.addi %mul3A_335, %add3A_336 : i32
        %get3A_338 = arith.index_cast %add3A_337 : i32 to index
        %get3A_339 = arith.constant 0 : index
        %get3A_340 = tpu.vector_load %arg10[%get3A_338, %get3A_339] {strides = array<i32>} : memref<80x64xf32, #tpu.memory_space<vmem>>, vector<1x16xf32>,
        %get3A_341 = vector.shape_cast %get3A_340 : vector<1x16xf32> to vector<16xf32>
        %mul3A_342 = vector.broadcast %squeeze3A_333 : f32 to vector<16xf32>
        %mul3A_343 = arith.mulf %get3A_341, %mul3A_342 : vector<16xf32>
        %swap3A_344 = arith.index_cast %add3A_337 : i32 to index
        %swap3A_345 = arith.constant 0 : index
        %swap3A_346 = tpu.vector_load %arg10[%swap3A_344, %swap3A_345] {strides = array<i32>} : memref<80x64xf32, #tpu.memory_space<vmem>>, vector<1x16xf32>,
        %swap3A_347 = vector.shape_cast %swap3A_346 : vector<1x16xf32> to vector<16xf32>
        %swap3A_348 = vector.shape_cast %mul3A_343 : vector<16xf32> to vector<1x16xf32>
        tpu.vector_store %arg10[%swap3A_344, %swap3A_345], %swap3A_348 {strides = array<i32>} : memref<80x64xf32, #tpu.memory_space<vmem>>, vector<1x16xf32>,
        %get3A_349 = arith.index_cast %add3A_337 : i32 to index
        %get3A_350 = arith.constant 16 : index
        %get3A_351 = tpu.vector_load %arg10[%get3A_349, %get3A_350] {strides = array<i32>} : memref<80x64xf32, #tpu.memory_space<vmem>>, vector<1x16xf32>,
        %get3A_352 = vector.shape_cast %get3A_351 : vector<1x16xf32> to vector<16xf32>
        %mul3A_353 = vector.broadcast %squeeze3A_333 : f32 to vector<16xf32>
        %mul3A_354 = arith.mulf %get3A_352, %mul3A_353 : vector<16xf32>
        %swap3A_355 = arith.index_cast %add3A_337 : i32 to index
        %swap3A_356 = arith.constant 16 : index
        %swap3A_357 = tpu.vector_load %arg10[%swap3A_355, %swap3A_356] {strides = array<i32>} : memref<80x64xf32, #tpu.memory_space<vmem>>, vector<1x16xf32>,
        %swap3A_358 = vector.shape_cast %swap3A_357 : vector<1x16xf32> to vector<16xf32>
        %swap3A_359 = vector.shape_cast %mul3A_354 : vector<16xf32> to vector<1x16xf32>
        tpu.vector_store %arg10[%swap3A_355, %swap3A_356], %swap3A_359 {strides = array<i32>} : memref<80x64xf32, #tpu.memory_space<vmem>>, vector<1x16xf32>,
        %get3A_360 = arith.index_cast %add3A_337 : i32 to index
        %get3A_361 = arith.constant 32 : index
        %get3A_362 = tpu.vector_load %arg10[%get3A_360, %get3A_361] {strides = array<i32>} : memref<80x64xf32, #tpu.memory_space<vmem>>, vector<1x16xf32>,
        %get3A_363 = vector.shape_cast %get3A_362 : vector<1x16xf32> to vector<16xf32>
        %mul3A_364 = vector.broadcast %squeeze3A_333 : f32 to vector<16xf32>
        %mul3A_365 = arith.mulf %get3A_363, %mul3A_364 : vector<16xf32>
        %swap3A_366 = arith.index_cast %add3A_337 : i32 to index
        %swap3A_367 = arith.constant 32 : index
        %swap3A_368 = tpu.vector_load %arg10[%swap3A_366, %swap3A_367] {strides = array<i32>} : memref<80x64xf32, #tpu.memory_space<vmem>>, vector<1x16xf32>,
        %swap3A_369 = vector.shape_cast %swap3A_368 : vector<1x16xf32> to vector<16xf32>
        %swap3A_370 = vector.shape_cast %mul3A_365 : vector<16xf32> to vector<1x16xf32>
        tpu.vector_store %arg10[%swap3A_366, %swap3A_367], %swap3A_370 {strides = array<i32>} : memref<80x64xf32, #tpu.memory_space<vmem>>, vector<1x16xf32>,
        %get3A_371 = arith.index_cast %add3A_337 : i32 to index
        %get3A_372 = arith.constant 48 : index
        %get3A_373 = tpu.vector_load %arg10[%get3A_371, %get3A_372] {strides = array<i32>} : memref<80x64xf32, #tpu.memory_space<vmem>>, vector<1x16xf32>,
        %get3A_374 = vector.shape_cast %get3A_373 : vector<1x16xf32> to vector<16xf32>
        %mul3A_375 = vector.broadcast %squeeze3A_333 : f32 to vector<16xf32>
        %mul3A_376 = arith.mulf %get3A_374, %mul3A_375 : vector<16xf32>
        %swap3A_377 = arith.index_cast %add3A_337 : i32 to index
        %swap3A_378 = arith.constant 48 : index
        %swap3A_379 = tpu.vector_load %arg10[%swap3A_377, %swap3A_378] {strides = array<i32>} : memref<80x64xf32, #tpu.memory_space<vmem>>, vector<1x16xf32>,
        %swap3A_380 = vector.shape_cast %swap3A_379 : vector<1x16xf32> to vector<16xf32>
        %swap3A_381 = vector.shape_cast %mul3A_376 : vector<16xf32> to vector<1x16xf32>
        tpu.vector_store %arg10[%swap3A_377, %swap3A_378], %swap3A_381 {strides = array<i32>} : memref<80x64xf32, #tpu.memory_space<vmem>>, vector<1x16xf32>,
        %slice3A_382 = vector.extract_strided_slice %get3A_34 {offsets = [7], sizes = [1], strides = [1]} : vector<16xf32> to vector<1xf32>
        %squeeze3A_383 = vector.extract %slice3A_382[0] : f32 from vector<1xf32>
        %mul3A_384 = arith.constant 16 : i32
        %mul3A_385 = arith.muli %scan3A_29, %mul3A_384 : i32
        %add3A_386 = arith.constant 7 : i32
        %add3A_387 = arith.addi %mul3A_385, %add3A_386 : i32
        %get3A_388 = arith.index_cast %add3A_387 : i32 to index
        %get3A_389 = arith.constant 0 : index
        %get3A_390 = tpu.vector_load %arg10[%get3A_388, %get3A_389] {strides = array<i32>} : memref<80x64xf32, #tpu.memory_space<vmem>>, vector<1x16xf32>,
        %get3A_391 = vector.shape_cast %get3A_390 : vector<1x16xf32> to vector<16xf32>
        %mul3A_392 = vector.broadcast %squeeze3A_383 : f32 to vector<16xf32>
        %mul3A_393 = arith.mulf %get3A_391, %mul3A_392 : vector<16xf32>
        %swap3A_394 = arith.index_cast %add3A_387 : i32 to index
        %swap3A_395 = arith.constant 0 : index
        %swap3A_396 = tpu.vector_load %arg10[%swap3A_394, %swap3A_395] {strides = array<i32>} : memref<80x64xf32, #tpu.memory_space<vmem>>, vector<1x16xf32>,
        %swap3A_397 = vector.shape_cast %swap3A_396 : vector<1x16xf32> to vector<16xf32>
        %swap3A_398 = vector.shape_cast %mul3A_393 : vector<16xf32> to vector<1x16xf32>
        tpu.vector_store %arg10[%swap3A_394, %swap3A_395], %swap3A_398 {strides = array<i32>} : memref<80x64xf32, #tpu.memory_space<vmem>>, vector<1x16xf32>,
        %get3A_399 = arith.index_cast %add3A_387 : i32 to index
        %get3A_400 = arith.constant 16 : index
        %get3A_401 = tpu.vector_load %arg10[%get3A_399, %get3A_400] {strides = array<i32>} : memref<80x64xf32, #tpu.memory_space<vmem>>, vector<1x16xf32>,
        %get3A_402 = vector.shape_cast %get3A_401 : vector<1x16xf32> to vector<16xf32>
        %mul3A_403 = vector.broadcast %squeeze3A_383 : f32 to vector<16xf32>
        %mul3A_404 = arith.mulf %get3A_402, %mul3A_403 : vector<16xf32>
        %swap3A_405 = arith.index_cast %add3A_387 : i32 to index
        %swap3A_406 = arith.constant 16 : index
        %swap3A_407 = tpu.vector_load %arg10[%swap3A_405, %swap3A_406] {strides = array<i32>} : memref<80x64xf32, #tpu.memory_space<vmem>>, vector<1x16xf32>,
        %swap3A_408 = vector.shape_cast %swap3A_407 : vector<1x16xf32> to vector<16xf32>
        %swap3A_409 = vector.shape_cast %mul3A_404 : vector<16xf32> to vector<1x16xf32>
        tpu.vector_store %arg10[%swap3A_405, %swap3A_406], %swap3A_409 {strides = array<i32>} : memref<80x64xf32, #tpu.memory_space<vmem>>, vector<1x16xf32>,
        %get3A_410 = arith.index_cast %add3A_387 : i32 to index
        %get3A_411 = arith.constant 32 : index
        %get3A_412 = tpu.vector_load %arg10[%get3A_410, %get3A_411] {strides = array<i32>} : memref<80x64xf32, #tpu.memory_space<vmem>>, vector<1x16xf32>,
        %get3A_413 = vector.shape_cast %get3A_412 : vector<1x16xf32> to vector<16xf32>
        %mul3A_414 = vector.broadcast %squeeze3A_383 : f32 to vector<16xf32>
        %mul3A_415 = arith.mulf %get3A_413, %mul3A_414 : vector<16xf32>
        %swap3A_416 = arith.index_cast %add3A_387 : i32 to index
        %swap3A_417 = arith.constant 32 : index
        %swap3A_418 = tpu.vector_load %arg10[%swap3A_416, %swap3A_417] {strides = array<i32>} : memref<80x64xf32, #tpu.memory_space<vmem>>, vector<1x16xf32>,
        %swap3A_419 = vector.shape_cast %swap3A_418 : vector<1x16xf32> to vector<16xf32>
        %swap3A_420 = vector.shape_cast %mul3A_415 : vector<16xf32> to vector<1x16xf32>
        tpu.vector_store %arg10[%swap3A_416, %swap3A_417], %swap3A_420 {strides = array<i32>} : memref<80x64xf32, #tpu.memory_space<vmem>>, vector<1x16xf32>,
        %get3A_421 = arith.index_cast %add3A_387 : i32 to index
        %get3A_422 = arith.constant 48 : index
        %get3A_423 = tpu.vector_load %arg10[%get3A_421, %get3A_422] {strides = array<i32>} : memref<80x64xf32, #tpu.memory_space<vmem>>, vector<1x16xf32>,
        %get3A_424 = vector.shape_cast %get3A_423 : vector<1x16xf32> to vector<16xf32>
        %mul3A_425 = vector.broadcast %squeeze3A_383 : f32 to vector<16xf32>
        %mul3A_426 = arith.mulf %get3A_424, %mul3A_425 : vector<16xf32>
        %swap3A_427 = arith.index_cast %add3A_387 : i32 to index
        %swap3A_428 = arith.constant 48 : index
        %swap3A_429 = tpu.vector_load %arg10[%swap3A_427, %swap3A_428] {strides = array<i32>} : memref<80x64xf32, #tpu.memory_space<vmem>>, vector<1x16xf32>,
        %swap3A_430 = vector.shape_cast %swap3A_429 : vector<1x16xf32> to vector<16xf32>
        %swap3A_431 = vector.shape_cast %mul3A_426 : vector<16xf32> to vector<1x16xf32>
        tpu.vector_store %arg10[%swap3A_427, %swap3A_428], %swap3A_431 {strides = array<i32>} : memref<80x64xf32, #tpu.memory_space<vmem>>, vector<1x16xf32>,
        %slice3A_432 = vector.extract_strided_slice %get3A_34 {offsets = [8], sizes = [1], strides = [1]} : vector<16xf32> to vector<1xf32>
        %squeeze3A_433 = vector.extract %slice3A_432[0] : f32 from vector<1xf32>
        %mul3A_434 = arith.constant 16 : i32
        %mul3A_435 = arith.muli %scan3A_29, %mul3A_434 : i32
        %add3A_436 = arith.constant 8 : i32
        %add3A_437 = arith.addi %mul3A_435, %add3A_436 : i32
        %get3A_438 = arith.index_cast %add3A_437 : i32 to index
        %get3A_439 = arith.constant 0 : index
        %get3A_440 = tpu.vector_load %arg10[%get3A_438, %get3A_439] {strides = array<i32>} : memref<80x64xf32, #tpu.memory_space<vmem>>, vector<1x16xf32>,
        %get3A_441 = vector.shape_cast %get3A_440 : vector<1x16xf32> to vector<16xf32>
        %mul3A_442 = vector.broadcast %squeeze3A_433 : f32 to vector<16xf32>
        %mul3A_443 = arith.mulf %get3A_441, %mul3A_442 : vector<16xf32>
        %swap3A_444 = arith.index_cast %add3A_437 : i32 to index
        %swap3A_445 = arith.constant 0 : index
        %swap3A_446 = tpu.vector_load %arg10[%swap3A_444, %swap3A_445] {strides = array<i32>} : memref<80x64xf32, #tpu.memory_space<vmem>>, vector<1x16xf32>,
        %swap3A_447 = vector.shape_cast %swap3A_446 : vector<1x16xf32> to vector<16xf32>
        %swap3A_448 = vector.shape_cast %mul3A_443 : vector<16xf32> to vector<1x16xf32>
        tpu.vector_store %arg10[%swap3A_444, %swap3A_445], %swap3A_448 {strides = array<i32>} : memref<80x64xf32, #tpu.memory_space<vmem>>, vector<1x16xf32>,
        %get3A_449 = arith.index_cast %add3A_437 : i32 to index
        %get3A_450 = arith.constant 16 : index
        %get3A_451 = tpu.vector_load %arg10[%get3A_449, %get3A_450] {strides = array<i32>} : memref<80x64xf32, #tpu.memory_space<vmem>>, vector<1x16xf32>,
        %get3A_452 = vector.shape_cast %get3A_451 : vector<1x16xf32> to vector<16xf32>
        %mul3A_453 = vector.broadcast %squeeze3A_433 : f32 to vector<16xf32>
        %mul3A_454 = arith.mulf %get3A_452, %mul3A_453 : vector<16xf32>
        %swap3A_455 = arith.index_cast %add3A_437 : i32 to index
        %swap3A_456 = arith.constant 16 : index
        %swap3A_457 = tpu.vector_load %arg10[%swap3A_455, %swap3A_456] {strides = array<i32>} : memref<80x64xf32, #tpu.memory_space<vmem>>, vector<1x16xf32>,
        %swap3A_458 = vector.shape_cast %swap3A_457 : vector<1x16xf32> to vector<16xf32>
        %swap3A_459 = vector.shape_cast %mul3A_454 : vector<16xf32> to vector<1x16xf32>
        tpu.vector_store %arg10[%swap3A_455, %swap3A_456], %swap3A_459 {strides = array<i32>} : memref<80x64xf32, #tpu.memory_space<vmem>>, vector<1x16xf32>,
        %get3A_460 = arith.index_cast %add3A_437 : i32 to index
        %get3A_461 = arith.constant 32 : index
        %get3A_462 = tpu.vector_load %arg10[%get3A_460, %get3A_461] {strides = array<i32>} : memref<80x64xf32, #tpu.memory_space<vmem>>, vector<1x16xf32>,
        %get3A_463 = vector.shape_cast %get3A_462 : vector<1x16xf32> to vector<16xf32>
        %mul3A_464 = vector.broadcast %squeeze3A_433 : f32 to vector<16xf32>
        %mul3A_465 = arith.mulf %get3A_463, %mul3A_464 : vector<16xf32>
        %swap3A_466 = arith.index_cast %add3A_437 : i32 to index
        %swap3A_467 = arith.constant 32 : index
        %swap3A_468 = tpu.vector_load %arg10[%swap3A_466, %swap3A_467] {strides = array<i32>} : memref<80x64xf32, #tpu.memory_space<vmem>>, vector<1x16xf32>,
        %swap3A_469 = vector.shape_cast %swap3A_468 : vector<1x16xf32> to vector<16xf32>
        %swap3A_470 = vector.shape_cast %mul3A_465 : vector<16xf32> to vector<1x16xf32>
        tpu.vector_store %arg10[%swap3A_466, %swap3A_467], %swap3A_470 {strides = array<i32>} : memref<80x64xf32, #tpu.memory_space<vmem>>, vector<1x16xf32>,
        %get3A_471 = arith.index_cast %add3A_437 : i32 to index
        %get3A_472 = arith.constant 48 : index
        %get3A_473 = tpu.vector_load %arg10[%get3A_471, %get3A_472] {strides = array<i32>} : memref<80x64xf32, #tpu.memory_space<vmem>>, vector<1x16xf32>,
        %get3A_474 = vector.shape_cast %get3A_473 : vector<1x16xf32> to vector<16xf32>
        %mul3A_475 = vector.broadcast %squeeze3A_433 : f32 to vector<16xf32>
        %mul3A_476 = arith.mulf %get3A_474, %mul3A_475 : vector<16xf32>
        %swap3A_477 = arith.index_cast %add3A_437 : i32 to index
        %swap3A_478 = arith.constant 48 : index
        %swap3A_479 = tpu.vector_load %arg10[%swap3A_477, %swap3A_478] {strides = array<i32>} : memref<80x64xf32, #tpu.memory_space<vmem>>, vector<1x16xf32>,
        %swap3A_480 = vector.shape_cast %swap3A_479 : vector<1x16xf32> to vector<16xf32>
        %swap3A_481 = vector.shape_cast %mul3A_476 : vector<16xf32> to vector<1x16xf32>
        tpu.vector_store %arg10[%swap3A_477, %swap3A_478], %swap3A_481 {strides = array<i32>} : memref<80x64xf32, #tpu.memory_space<vmem>>, vector<1x16xf32>,
        %slice3A_482 = vector.extract_strided_slice %get3A_34 {offsets = [9], sizes = [1], strides = [1]} : vector<16xf32> to vector<1xf32>
        %squeeze3A_483 = vector.extract %slice3A_482[0] : f32 from vector<1xf32>
        %mul3A_484 = arith.constant 16 : i32
        %mul3A_485 = arith.muli %scan3A_29, %mul3A_484 : i32
        %add3A_486 = arith.constant 9 : i32
        %add3A_487 = arith.addi %mul3A_485, %add3A_486 : i32
        %get3A_488 = arith.index_cast %add3A_487 : i32 to index
        %get3A_489 = arith.constant 0 : index
        %get3A_490 = tpu.vector_load %arg10[%get3A_488, %get3A_489] {strides = array<i32>} : memref<80x64xf32, #tpu.memory_space<vmem>>, vector<1x16xf32>,
        %get3A_491 = vector.shape_cast %get3A_490 : vector<1x16xf32> to vector<16xf32>
        %mul3A_492 = vector.broadcast %squeeze3A_483 : f32 to vector<16xf32>
        %mul3A_493 = arith.mulf %get3A_491, %mul3A_492 : vector<16xf32>
        %swap3A_494 = arith.index_cast %add3A_487 : i32 to index
        %swap3A_495 = arith.constant 0 : index
        %swap3A_496 = tpu.vector_load %arg10[%swap3A_494, %swap3A_495] {strides = array<i32>} : memref<80x64xf32, #tpu.memory_space<vmem>>, vector<1x16xf32>,
        %swap3A_497 = vector.shape_cast %swap3A_496 : vector<1x16xf32> to vector<16xf32>
        %swap3A_498 = vector.shape_cast %mul3A_493 : vector<16xf32> to vector<1x16xf32>
        tpu.vector_store %arg10[%swap3A_494, %swap3A_495], %swap3A_498 {strides = array<i32>} : memref<80x64xf32, #tpu.memory_space<vmem>>, vector<1x16xf32>,
        %get3A_499 = arith.index_cast %add3A_487 : i32 to index
        %get3A_500 = arith.constant 16 : index
        %get3A_501 = tpu.vector_load %arg10[%get3A_499, %get3A_500] {strides = array<i32>} : memref<80x64xf32, #tpu.memory_space<vmem>>, vector<1x16xf32>,
        %get3A_502 = vector.shape_cast %get3A_501 : vector<1x16xf32> to vector<16xf32>
        %mul3A_503 = vector.broadcast %squeeze3A_483 : f32 to vector<16xf32>
        %mul3A_504 = arith.mulf %get3A_502, %mul3A_503 : vector<16xf32>
        %swap3A_505 = arith.index_cast %add3A_487 : i32 to index
        %swap3A_506 = arith.constant 16 : index
        %swap3A_507 = tpu.vector_load %arg10[%swap3A_505, %swap3A_506] {strides = array<i32>} : memref<80x64xf32, #tpu.memory_space<vmem>>, vector<1x16xf32>,
        %swap3A_508 = vector.shape_cast %swap3A_507 : vector<1x16xf32> to vector<16xf32>
        %swap3A_509 = vector.shape_cast %mul3A_504 : vector<16xf32> to vector<1x16xf32>
        tpu.vector_store %arg10[%swap3A_505, %swap3A_506], %swap3A_509 {strides = array<i32>} : memref<80x64xf32, #tpu.memory_space<vmem>>, vector<1x16xf32>,
        %get3A_510 = arith.index_cast %add3A_487 : i32 to index
        %get3A_511 = arith.constant 32 : index
        %get3A_512 = tpu.vector_load %arg10[%get3A_510, %get3A_511] {strides = array<i32>} : memref<80x64xf32, #tpu.memory_space<vmem>>, vector<1x16xf32>,
        %get3A_513 = vector.shape_cast %get3A_512 : vector<1x16xf32> to vector<16xf32>
        %mul3A_514 = vector.broadcast %squeeze3A_483 : f32 to vector<16xf32>
        %mul3A_515 = arith.mulf %get3A_513, %mul3A_514 : vector<16xf32>
        %swap3A_516 = arith.index_cast %add3A_487 : i32 to index
        %swap3A_517 = arith.constant 32 : index
        %swap3A_518 = tpu.vector_load %arg10[%swap3A_516, %swap3A_517] {strides = array<i32>} : memref<80x64xf32, #tpu.memory_space<vmem>>, vector<1x16xf32>,
        %swap3A_519 = vector.shape_cast %swap3A_518 : vector<1x16xf32> to vector<16xf32>
        %swap3A_520 = vector.shape_cast %mul3A_515 : vector<16xf32> to vector<1x16xf32>
        tpu.vector_store %arg10[%swap3A_516, %swap3A_517], %swap3A_520 {strides = array<i32>} : memref<80x64xf32, #tpu.memory_space<vmem>>, vector<1x16xf32>,
        %get3A_521 = arith.index_cast %add3A_487 : i32 to index
        %get3A_522 = arith.constant 48 : index
        %get3A_523 = tpu.vector_load %arg10[%get3A_521, %get3A_522] {strides = array<i32>} : memref<80x64xf32, #tpu.memory_space<vmem>>, vector<1x16xf32>,
        %get3A_524 = vector.shape_cast %get3A_523 : vector<1x16xf32> to vector<16xf32>
        %mul3A_525 = vector.broadcast %squeeze3A_483 : f32 to vector<16xf32>
        %mul3A_526 = arith.mulf %get3A_524, %mul3A_525 : vector<16xf32>
        %swap3A_527 = arith.index_cast %add3A_487 : i32 to index
        %swap3A_528 = arith.constant 48 : index
        %swap3A_529 = tpu.vector_load %arg10[%swap3A_527, %swap3A_528] {strides = array<i32>} : memref<80x64xf32, #tpu.memory_space<vmem>>, vector<1x16xf32>,
        %swap3A_530 = vector.shape_cast %swap3A_529 : vector<1x16xf32> to vector<16xf32>
        %swap3A_531 = vector.shape_cast %mul3A_526 : vector<16xf32> to vector<1x16xf32>
        tpu.vector_store %arg10[%swap3A_527, %swap3A_528], %swap3A_531 {strides = array<i32>} : memref<80x64xf32, #tpu.memory_space<vmem>>, vector<1x16xf32>,
        %slice3A_532 = vector.extract_strided_slice %get3A_34 {offsets = [10], sizes = [1], strides = [1]} : vector<16xf32> to vector<1xf32>
        %squeeze3A_533 = vector.extract %slice3A_532[0] : f32 from vector<1xf32>
        %mul3A_534 = arith.constant 16 : i32
        %mul3A_535 = arith.muli %scan3A_29, %mul3A_534 : i32
        %add3A_536 = arith.constant 10 : i32
        %add3A_537 = arith.addi %mul3A_535, %add3A_536 : i32
        %get3A_538 = arith.index_cast %add3A_537 : i32 to index
        %get3A_539 = arith.constant 0 : index
        %get3A_540 = tpu.vector_load %arg10[%get3A_538, %get3A_539] {strides = array<i32>} : memref<80x64xf32, #tpu.memory_space<vmem>>, vector<1x16xf32>,
        %get3A_541 = vector.shape_cast %get3A_540 : vector<1x16xf32> to vector<16xf32>
        %mul3A_542 = vector.broadcast %squeeze3A_533 : f32 to vector<16xf32>
        %mul3A_543 = arith.mulf %get3A_541, %mul3A_542 : vector<16xf32>
        %swap3A_544 = arith.index_cast %add3A_537 : i32 to index
        %swap3A_545 = arith.constant 0 : index
        %swap3A_546 = tpu.vector_load %arg10[%swap3A_544, %swap3A_545] {strides = array<i32>} : memref<80x64xf32, #tpu.memory_space<vmem>>, vector<1x16xf32>,
        %swap3A_547 = vector.shape_cast %swap3A_546 : vector<1x16xf32> to vector<16xf32>
        %swap3A_548 = vector.shape_cast %mul3A_543 : vector<16xf32> to vector<1x16xf32>
        tpu.vector_store %arg10[%swap3A_544, %swap3A_545], %swap3A_548 {strides = array<i32>} : memref<80x64xf32, #tpu.memory_space<vmem>>, vector<1x16xf32>,
        %get3A_549 = arith.index_cast %add3A_537 : i32 to index
        %get3A_550 = arith.constant 16 : index
        %get3A_551 = tpu.vector_load %arg10[%get3A_549, %get3A_550] {strides = array<i32>} : memref<80x64xf32, #tpu.memory_space<vmem>>, vector<1x16xf32>,
        %get3A_552 = vector.shape_cast %get3A_551 : vector<1x16xf32> to vector<16xf32>
        %mul3A_553 = vector.broadcast %squeeze3A_533 : f32 to vector<16xf32>
        %mul3A_554 = arith.mulf %get3A_552, %mul3A_553 : vector<16xf32>
        %swap3A_555 = arith.index_cast %add3A_537 : i32 to index
        %swap3A_556 = arith.constant 16 : index
        %swap3A_557 = tpu.vector_load %arg10[%swap3A_555, %swap3A_556] {strides = array<i32>} : memref<80x64xf32, #tpu.memory_space<vmem>>, vector<1x16xf32>,
        %swap3A_558 = vector.shape_cast %swap3A_557 : vector<1x16xf32> to vector<16xf32>
        %swap3A_559 = vector.shape_cast %mul3A_554 : vector<16xf32> to vector<1x16xf32>
        tpu.vector_store %arg10[%swap3A_555, %swap3A_556], %swap3A_559 {strides = array<i32>} : memref<80x64xf32, #tpu.memory_space<vmem>>, vector<1x16xf32>,
        %get3A_560 = arith.index_cast %add3A_537 : i32 to index
        %get3A_561 = arith.constant 32 : index
        %get3A_562 = tpu.vector_load %arg10[%get3A_560, %get3A_561] {strides = array<i32>} : memref<80x64xf32, #tpu.memory_space<vmem>>, vector<1x16xf32>,
        %get3A_563 = vector.shape_cast %get3A_562 : vector<1x16xf32> to vector<16xf32>
        %mul3A_564 = vector.broadcast %squeeze3A_533 : f32 to vector<16xf32>
        %mul3A_565 = arith.mulf %get3A_563, %mul3A_564 : vector<16xf32>
        %swap3A_566 = arith.index_cast %add3A_537 : i32 to index
        %swap3A_567 = arith.constant 32 : index
        %swap3A_568 = tpu.vector_load %arg10[%swap3A_566, %swap3A_567] {strides = array<i32>} : memref<80x64xf32, #tpu.memory_space<vmem>>, vector<1x16xf32>,
        %swap3A_569 = vector.shape_cast %swap3A_568 : vector<1x16xf32> to vector<16xf32>
        %swap3A_570 = vector.shape_cast %mul3A_565 : vector<16xf32> to vector<1x16xf32>
        tpu.vector_store %arg10[%swap3A_566, %swap3A_567], %swap3A_570 {strides = array<i32>} : memref<80x64xf32, #tpu.memory_space<vmem>>, vector<1x16xf32>,
        %get3A_571 = arith.index_cast %add3A_537 : i32 to index
        %get3A_572 = arith.constant 48 : index
        %get3A_573 = tpu.vector_load %arg10[%get3A_571, %get3A_572] {strides = array<i32>} : memref<80x64xf32, #tpu.memory_space<vmem>>, vector<1x16xf32>,
        %get3A_574 = vector.shape_cast %get3A_573 : vector<1x16xf32> to vector<16xf32>
        %mul3A_575 = vector.broadcast %squeeze3A_533 : f32 to vector<16xf32>
        %mul3A_576 = arith.mulf %get3A_574, %mul3A_575 : vector<16xf32>
        %swap3A_577 = arith.index_cast %add3A_537 : i32 to index
        %swap3A_578 = arith.constant 48 : index
        %swap3A_579 = tpu.vector_load %arg10[%swap3A_577, %swap3A_578] {strides = array<i32>} : memref<80x64xf32, #tpu.memory_space<vmem>>, vector<1x16xf32>,
        %swap3A_580 = vector.shape_cast %swap3A_579 : vector<1x16xf32> to vector<16xf32>
        %swap3A_581 = vector.shape_cast %mul3A_576 : vector<16xf32> to vector<1x16xf32>
        tpu.vector_store %arg10[%swap3A_577, %swap3A_578], %swap3A_581 {strides = array<i32>} : memref<80x64xf32, #tpu.memory_space<vmem>>, vector<1x16xf32>,
        %slice3A_582 = vector.extract_strided_slice %get3A_34 {offsets = [11], sizes = [1], strides = [1]} : vector<16xf32> to vector<1xf32>
        %squeeze3A_583 = vector.extract %slice3A_582[0] : f32 from vector<1xf32>
        %mul3A_584 = arith.constant 16 : i32
        %mul3A_585 = arith.muli %scan3A_29, %mul3A_584 : i32
        %add3A_586 = arith.constant 11 : i32
        %add3A_587 = arith.addi %mul3A_585, %add3A_586 : i32
        %get3A_588 = arith.index_cast %add3A_587 : i32 to index
        %get3A_589 = arith.constant 0 : index
        %get3A_590 = tpu.vector_load %arg10[%get3A_588, %get3A_589] {strides = array<i32>} : memref<80x64xf32, #tpu.memory_space<vmem>>, vector<1x16xf32>,
        %get3A_591 = vector.shape_cast %get3A_590 : vector<1x16xf32> to vector<16xf32>
        %mul3A_592 = vector.broadcast %squeeze3A_583 : f32 to vector<16xf32>
        %mul3A_593 = arith.mulf %get3A_591, %mul3A_592 : vector<16xf32>
        %swap3A_594 = arith.index_cast %add3A_587 : i32 to index
        %swap3A_595 = arith.constant 0 : index
        %swap3A_596 = tpu.vector_load %arg10[%swap3A_594, %swap3A_595] {strides = array<i32>} : memref<80x64xf32, #tpu.memory_space<vmem>>, vector<1x16xf32>,
        %swap3A_597 = vector.shape_cast %swap3A_596 : vector<1x16xf32> to vector<16xf32>
        %swap3A_598 = vector.shape_cast %mul3A_593 : vector<16xf32> to vector<1x16xf32>
        tpu.vector_store %arg10[%swap3A_594, %swap3A_595], %swap3A_598 {strides = array<i32>} : memref<80x64xf32, #tpu.memory_space<vmem>>, vector<1x16xf32>,
        %get3A_599 = arith.index_cast %add3A_587 : i32 to index
        %get3A_600 = arith.constant 16 : index
        %get3A_601 = tpu.vector_load %arg10[%get3A_599, %get3A_600] {strides = array<i32>} : memref<80x64xf32, #tpu.memory_space<vmem>>, vector<1x16xf32>,
        %get3A_602 = vector.shape_cast %get3A_601 : vector<1x16xf32> to vector<16xf32>
        %mul3A_603 = vector.broadcast %squeeze3A_583 : f32 to vector<16xf32>
        %mul3A_604 = arith.mulf %get3A_602, %mul3A_603 : vector<16xf32>
        %swap3A_605 = arith.index_cast %add3A_587 : i32 to index
        %swap3A_606 = arith.constant 16 : index
        %swap3A_607 = tpu.vector_load %arg10[%swap3A_605, %swap3A_606] {strides = array<i32>} : memref<80x64xf32, #tpu.memory_space<vmem>>, vector<1x16xf32>,
        %swap3A_608 = vector.shape_cast %swap3A_607 : vector<1x16xf32> to vector<16xf32>
        %swap3A_609 = vector.shape_cast %mul3A_604 : vector<16xf32> to vector<1x16xf32>
        tpu.vector_store %arg10[%swap3A_605, %swap3A_606], %swap3A_609 {strides = array<i32>} : memref<80x64xf32, #tpu.memory_space<vmem>>, vector<1x16xf32>,
        %get3A_610 = arith.index_cast %add3A_587 : i32 to index
        %get3A_611 = arith.constant 32 : index
        %get3A_612 = tpu.vector_load %arg10[%get3A_610, %get3A_611] {strides = array<i32>} : memref<80x64xf32, #tpu.memory_space<vmem>>, vector<1x16xf32>,
        %get3A_613 = vector.shape_cast %get3A_612 : vector<1x16xf32> to vector<16xf32>
        %mul3A_614 = vector.broadcast %squeeze3A_583 : f32 to vector<16xf32>
        %mul3A_615 = arith.mulf %get3A_613, %mul3A_614 : vector<16xf32>
        %swap3A_616 = arith.index_cast %add3A_587 : i32 to index
        %swap3A_617 = arith.constant 32 : index
        %swap3A_618 = tpu.vector_load %arg10[%swap3A_616, %swap3A_617] {strides = array<i32>} : memref<80x64xf32, #tpu.memory_space<vmem>>, vector<1x16xf32>,
        %swap3A_619 = vector.shape_cast %swap3A_618 : vector<1x16xf32> to vector<16xf32>
        %swap3A_620 = vector.shape_cast %mul3A_615 : vector<16xf32> to vector<1x16xf32>
        tpu.vector_store %arg10[%swap3A_616, %swap3A_617], %swap3A_620 {strides = array<i32>} : memref<80x64xf32, #tpu.memory_space<vmem>>, vector<1x16xf32>,
        %get3A_621 = arith.index_cast %add3A_587 : i32 to index
        %get3A_622 = arith.constant 48 : index
        %get3A_623 = tpu.vector_load %arg10[%get3A_621, %get3A_622] {strides = array<i32>} : memref<80x64xf32, #tpu.memory_space<vmem>>, vector<1x16xf32>,
        %get3A_624 = vector.shape_cast %get3A_623 : vector<1x16xf32> to vector<16xf32>
        %mul3A_625 = vector.broadcast %squeeze3A_583 : f32 to vector<16xf32>
        %mul3A_626 = arith.mulf %get3A_624, %mul3A_625 : vector<16xf32>
        %swap3A_627 = arith.index_cast %add3A_587 : i32 to index
        %swap3A_628 = arith.constant 48 : index
        %swap3A_629 = tpu.vector_load %arg10[%swap3A_627, %swap3A_628] {strides = array<i32>} : memref<80x64xf32, #tpu.memory_space<vmem>>, vector<1x16xf32>,
        %swap3A_630 = vector.shape_cast %swap3A_629 : vector<1x16xf32> to vector<16xf32>
        %swap3A_631 = vector.shape_cast %mul3A_626 : vector<16xf32> to vector<1x16xf32>
        tpu.vector_store %arg10[%swap3A_627, %swap3A_628], %swap3A_631 {strides = array<i32>} : memref<80x64xf32, #tpu.memory_space<vmem>>, vector<1x16xf32>,
        %slice3A_632 = vector.extract_strided_slice %get3A_34 {offsets = [12], sizes = [1], strides = [1]} : vector<16xf32> to vector<1xf32>
        %squeeze3A_633 = vector.extract %slice3A_632[0] : f32 from vector<1xf32>
        %mul3A_634 = arith.constant 16 : i32
        %mul3A_635 = arith.muli %scan3A_29, %mul3A_634 : i32
        %add3A_636 = arith.constant 12 : i32
        %add3A_637 = arith.addi %mul3A_635, %add3A_636 : i32
        %get3A_638 = arith.index_cast %add3A_637 : i32 to index
        %get3A_639 = arith.constant 0 : index
        %get3A_640 = tpu.vector_load %arg10[%get3A_638, %get3A_639] {strides = array<i32>} : memref<80x64xf32, #tpu.memory_space<vmem>>, vector<1x16xf32>,
        %get3A_641 = vector.shape_cast %get3A_640 : vector<1x16xf32> to vector<16xf32>
        %mul3A_642 = vector.broadcast %squeeze3A_633 : f32 to vector<16xf32>
        %mul3A_643 = arith.mulf %get3A_641, %mul3A_642 : vector<16xf32>
        %swap3A_644 = arith.index_cast %add3A_637 : i32 to index
        %swap3A_645 = arith.constant 0 : index
        %swap3A_646 = tpu.vector_load %arg10[%swap3A_644, %swap3A_645] {strides = array<i32>} : memref<80x64xf32, #tpu.memory_space<vmem>>, vector<1x16xf32>,
        %swap3A_647 = vector.shape_cast %swap3A_646 : vector<1x16xf32> to vector<16xf32>
        %swap3A_648 = vector.shape_cast %mul3A_643 : vector<16xf32> to vector<1x16xf32>
        tpu.vector_store %arg10[%swap3A_644, %swap3A_645], %swap3A_648 {strides = array<i32>} : memref<80x64xf32, #tpu.memory_space<vmem>>, vector<1x16xf32>,
        %get3A_649 = arith.index_cast %add3A_637 : i32 to index
        %get3A_650 = arith.constant 16 : index
        %get3A_651 = tpu.vector_load %arg10[%get3A_649, %get3A_650] {strides = array<i32>} : memref<80x64xf32, #tpu.memory_space<vmem>>, vector<1x16xf32>,
        %get3A_652 = vector.shape_cast %get3A_651 : vector<1x16xf32> to vector<16xf32>
        %mul3A_653 = vector.broadcast %squeeze3A_633 : f32 to vector<16xf32>
        %mul3A_654 = arith.mulf %get3A_652, %mul3A_653 : vector<16xf32>
        %swap3A_655 = arith.index_cast %add3A_637 : i32 to index
        %swap3A_656 = arith.constant 16 : index
        %swap3A_657 = tpu.vector_load %arg10[%swap3A_655, %swap3A_656] {strides = array<i32>} : memref<80x64xf32, #tpu.memory_space<vmem>>, vector<1x16xf32>,
        %swap3A_658 = vector.shape_cast %swap3A_657 : vector<1x16xf32> to vector<16xf32>
        %swap3A_659 = vector.shape_cast %mul3A_654 : vector<16xf32> to vector<1x16xf32>
        tpu.vector_store %arg10[%swap3A_655, %swap3A_656], %swap3A_659 {strides = array<i32>} : memref<80x64xf32, #tpu.memory_space<vmem>>, vector<1x16xf32>,
        %get3A_660 = arith.index_cast %add3A_637 : i32 to index
        %get3A_661 = arith.constant 32 : index
        %get3A_662 = tpu.vector_load %arg10[%get3A_660, %get3A_661] {strides = array<i32>} : memref<80x64xf32, #tpu.memory_space<vmem>>, vector<1x16xf32>,
        %get3A_663 = vector.shape_cast %get3A_662 : vector<1x16xf32> to vector<16xf32>
        %mul3A_664 = vector.broadcast %squeeze3A_633 : f32 to vector<16xf32>
        %mul3A_665 = arith.mulf %get3A_663, %mul3A_664 : vector<16xf32>
        %swap3A_666 = arith.index_cast %add3A_637 : i32 to index
        %swap3A_667 = arith.constant 32 : index
        %swap3A_668 = tpu.vector_load %arg10[%swap3A_666, %swap3A_667] {strides = array<i32>} : memref<80x64xf32, #tpu.memory_space<vmem>>, vector<1x16xf32>,
        %swap3A_669 = vector.shape_cast %swap3A_668 : vector<1x16xf32> to vector<16xf32>
        %swap3A_670 = vector.shape_cast %mul3A_665 : vector<16xf32> to vector<1x16xf32>
        tpu.vector_store %arg10[%swap3A_666, %swap3A_667], %swap3A_670 {strides = array<i32>} : memref<80x64xf32, #tpu.memory_space<vmem>>, vector<1x16xf32>,
        %get3A_671 = arith.index_cast %add3A_637 : i32 to index
        %get3A_672 = arith.constant 48 : index
        %get3A_673 = tpu.vector_load %arg10[%get3A_671, %get3A_672] {strides = array<i32>} : memref<80x64xf32, #tpu.memory_space<vmem>>, vector<1x16xf32>,
        %get3A_674 = vector.shape_cast %get3A_673 : vector<1x16xf32> to vector<16xf32>
        %mul3A_675 = vector.broadcast %squeeze3A_633 : f32 to vector<16xf32>
        %mul3A_676 = arith.mulf %get3A_674, %mul3A_675 : vector<16xf32>
        %swap3A_677 = arith.index_cast %add3A_637 : i32 to index
        %swap3A_678 = arith.constant 48 : index
        %swap3A_679 = tpu.vector_load %arg10[%swap3A_677, %swap3A_678] {strides = array<i32>} : memref<80x64xf32, #tpu.memory_space<vmem>>, vector<1x16xf32>,
        %swap3A_680 = vector.shape_cast %swap3A_679 : vector<1x16xf32> to vector<16xf32>
        %swap3A_681 = vector.shape_cast %mul3A_676 : vector<16xf32> to vector<1x16xf32>
        tpu.vector_store %arg10[%swap3A_677, %swap3A_678], %swap3A_681 {strides = array<i32>} : memref<80x64xf32, #tpu.memory_space<vmem>>, vector<1x16xf32>,
        %slice3A_682 = vector.extract_strided_slice %get3A_34 {offsets = [13], sizes = [1], strides = [1]} : vector<16xf32> to vector<1xf32>
        %squeeze3A_683 = vector.extract %slice3A_682[0] : f32 from vector<1xf32>
        %mul3A_684 = arith.constant 16 : i32
        %mul3A_685 = arith.muli %scan3A_29, %mul3A_684 : i32
        %add3A_686 = arith.constant 13 : i32
        %add3A_687 = arith.addi %mul3A_685, %add3A_686 : i32
        %get3A_688 = arith.index_cast %add3A_687 : i32 to index
        %get3A_689 = arith.constant 0 : index
        %get3A_690 = tpu.vector_load %arg10[%get3A_688, %get3A_689] {strides = array<i32>} : memref<80x64xf32, #tpu.memory_space<vmem>>, vector<1x16xf32>,
        %get3A_691 = vector.shape_cast %get3A_690 : vector<1x16xf32> to vector<16xf32>
        %mul3A_692 = vector.broadcast %squeeze3A_683 : f32 to vector<16xf32>
        %mul3A_693 = arith.mulf %get3A_691, %mul3A_692 : vector<16xf32>
        %swap3A_694 = arith.index_cast %add3A_687 : i32 to index
        %swap3A_695 = arith.constant 0 : index
        %swap3A_696 = tpu.vector_load %arg10[%swap3A_694, %swap3A_695] {strides = array<i32>} : memref<80x64xf32, #tpu.memory_space<vmem>>, vector<1x16xf32>,
        %swap3A_697 = vector.shape_cast %swap3A_696 : vector<1x16xf32> to vector<16xf32>
        %swap3A_698 = vector.shape_cast %mul3A_693 : vector<16xf32> to vector<1x16xf32>
        tpu.vector_store %arg10[%swap3A_694, %swap3A_695], %swap3A_698 {strides = array<i32>} : memref<80x64xf32, #tpu.memory_space<vmem>>, vector<1x16xf32>,
        %get3A_699 = arith.index_cast %add3A_687 : i32 to index
        %get3A_700 = arith.constant 16 : index
        %get3A_701 = tpu.vector_load %arg10[%get3A_699, %get3A_700] {strides = array<i32>} : memref<80x64xf32, #tpu.memory_space<vmem>>, vector<1x16xf32>,
        %get3A_702 = vector.shape_cast %get3A_701 : vector<1x16xf32> to vector<16xf32>
        %mul3A_703 = vector.broadcast %squeeze3A_683 : f32 to vector<16xf32>
        %mul3A_704 = arith.mulf %get3A_702, %mul3A_703 : vector<16xf32>
        %swap3A_705 = arith.index_cast %add3A_687 : i32 to index
        %swap3A_706 = arith.constant 16 : index
        %swap3A_707 = tpu.vector_load %arg10[%swap3A_705, %swap3A_706] {strides = array<i32>} : memref<80x64xf32, #tpu.memory_space<vmem>>, vector<1x16xf32>,
        %swap3A_708 = vector.shape_cast %swap3A_707 : vector<1x16xf32> to vector<16xf32>
        %swap3A_709 = vector.shape_cast %mul3A_704 : vector<16xf32> to vector<1x16xf32>
        tpu.vector_store %arg10[%swap3A_705, %swap3A_706], %swap3A_709 {strides = array<i32>} : memref<80x64xf32, #tpu.memory_space<vmem>>, vector<1x16xf32>,
        %get3A_710 = arith.index_cast %add3A_687 : i32 to index
        %get3A_711 = arith.constant 32 : index
        %get3A_712 = tpu.vector_load %arg10[%get3A_710, %get3A_711] {strides = array<i32>} : memref<80x64xf32, #tpu.memory_space<vmem>>, vector<1x16xf32>,
        %get3A_713 = vector.shape_cast %get3A_712 : vector<1x16xf32> to vector<16xf32>
        %mul3A_714 = vector.broadcast %squeeze3A_683 : f32 to vector<16xf32>
        %mul3A_715 = arith.mulf %get3A_713, %mul3A_714 : vector<16xf32>
        %swap3A_716 = arith.index_cast %add3A_687 : i32 to index
        %swap3A_717 = arith.constant 32 : index
        %swap3A_718 = tpu.vector_load %arg10[%swap3A_716, %swap3A_717] {strides = array<i32>} : memref<80x64xf32, #tpu.memory_space<vmem>>, vector<1x16xf32>,
        %swap3A_719 = vector.shape_cast %swap3A_718 : vector<1x16xf32> to vector<16xf32>
        %swap3A_720 = vector.shape_cast %mul3A_715 : vector<16xf32> to vector<1x16xf32>
        tpu.vector_store %arg10[%swap3A_716, %swap3A_717], %swap3A_720 {strides = array<i32>} : memref<80x64xf32, #tpu.memory_space<vmem>>, vector<1x16xf32>,
        %get3A_721 = arith.index_cast %add3A_687 : i32 to index
        %get3A_722 = arith.constant 48 : index
        %get3A_723 = tpu.vector_load %arg10[%get3A_721, %get3A_722] {strides = array<i32>} : memref<80x64xf32, #tpu.memory_space<vmem>>, vector<1x16xf32>,
        %get3A_724 = vector.shape_cast %get3A_723 : vector<1x16xf32> to vector<16xf32>
        %mul3A_725 = vector.broadcast %squeeze3A_683 : f32 to vector<16xf32>
        %mul3A_726 = arith.mulf %get3A_724, %mul3A_725 : vector<16xf32>
        %swap3A_727 = arith.index_cast %add3A_687 : i32 to index
        %swap3A_728 = arith.constant 48 : index
        %swap3A_729 = tpu.vector_load %arg10[%swap3A_727, %swap3A_728] {strides = array<i32>} : memref<80x64xf32, #tpu.memory_space<vmem>>, vector<1x16xf32>,
        %swap3A_730 = vector.shape_cast %swap3A_729 : vector<1x16xf32> to vector<16xf32>
        %swap3A_731 = vector.shape_cast %mul3A_726 : vector<16xf32> to vector<1x16xf32>
        tpu.vector_store %arg10[%swap3A_727, %swap3A_728], %swap3A_731 {strides = array<i32>} : memref<80x64xf32, #tpu.memory_space<vmem>>, vector<1x16xf32>,
        %slice3A_732 = vector.extract_strided_slice %get3A_34 {offsets = [14], sizes = [1], strides = [1]} : vector<16xf32> to vector<1xf32>
        %squeeze3A_733 = vector.extract %slice3A_732[0] : f32 from vector<1xf32>
        %mul3A_734 = arith.constant 16 : i32
        %mul3A_735 = arith.muli %scan3A_29, %mul3A_734 : i32
        %add3A_736 = arith.constant 14 : i32
        %add3A_737 = arith.addi %mul3A_735, %add3A_736 : i32
        %get3A_738 = arith.index_cast %add3A_737 : i32 to index
        %get3A_739 = arith.constant 0 : index
        %get3A_740 = tpu.vector_load %arg10[%get3A_738, %get3A_739] {strides = array<i32>} : memref<80x64xf32, #tpu.memory_space<vmem>>, vector<1x16xf32>,
        %get3A_741 = vector.shape_cast %get3A_740 : vector<1x16xf32> to vector<16xf32>
        %mul3A_742 = vector.broadcast %squeeze3A_733 : f32 to vector<16xf32>
        %mul3A_743 = arith.mulf %get3A_741, %mul3A_742 : vector<16xf32>
        %swap3A_744 = arith.index_cast %add3A_737 : i32 to index
        %swap3A_745 = arith.constant 0 : index
        %swap3A_746 = tpu.vector_load %arg10[%swap3A_744, %swap3A_745] {strides = array<i32>} : memref<80x64xf32, #tpu.memory_space<vmem>>, vector<1x16xf32>,
        %swap3A_747 = vector.shape_cast %swap3A_746 : vector<1x16xf32> to vector<16xf32>
        %swap3A_748 = vector.shape_cast %mul3A_743 : vector<16xf32> to vector<1x16xf32>
        tpu.vector_store %arg10[%swap3A_744, %swap3A_745], %swap3A_748 {strides = array<i32>} : memref<80x64xf32, #tpu.memory_space<vmem>>, vector<1x16xf32>,
        %get3A_749 = arith.index_cast %add3A_737 : i32 to index
        %get3A_750 = arith.constant 16 : index
        %get3A_751 = tpu.vector_load %arg10[%get3A_749, %get3A_750] {strides = array<i32>} : memref<80x64xf32, #tpu.memory_space<vmem>>, vector<1x16xf32>,
        %get3A_752 = vector.shape_cast %get3A_751 : vector<1x16xf32> to vector<16xf32>
        %mul3A_753 = vector.broadcast %squeeze3A_733 : f32 to vector<16xf32>
        %mul3A_754 = arith.mulf %get3A_752, %mul3A_753 : vector<16xf32>
        %swap3A_755 = arith.index_cast %add3A_737 : i32 to index
        %swap3A_756 = arith.constant 16 : index
        %swap3A_757 = tpu.vector_load %arg10[%swap3A_755, %swap3A_756] {strides = array<i32>} : memref<80x64xf32, #tpu.memory_space<vmem>>, vector<1x16xf32>,
        %swap3A_758 = vector.shape_cast %swap3A_757 : vector<1x16xf32> to vector<16xf32>
        %swap3A_759 = vector.shape_cast %mul3A_754 : vector<16xf32> to vector<1x16xf32>
        tpu.vector_store %arg10[%swap3A_755, %swap3A_756], %swap3A_759 {strides = array<i32>} : memref<80x64xf32, #tpu.memory_space<vmem>>, vector<1x16xf32>,
        %get3A_760 = arith.index_cast %add3A_737 : i32 to index
        %get3A_761 = arith.constant 32 : index
        %get3A_762 = tpu.vector_load %arg10[%get3A_760, %get3A_761] {strides = array<i32>} : memref<80x64xf32, #tpu.memory_space<vmem>>, vector<1x16xf32>,
        %get3A_763 = vector.shape_cast %get3A_762 : vector<1x16xf32> to vector<16xf32>
        %mul3A_764 = vector.broadcast %squeeze3A_733 : f32 to vector<16xf32>
        %mul3A_765 = arith.mulf %get3A_763, %mul3A_764 : vector<16xf32>
        %swap3A_766 = arith.index_cast %add3A_737 : i32 to index
        %swap3A_767 = arith.constant 32 : index
        %swap3A_768 = tpu.vector_load %arg10[%swap3A_766, %swap3A_767] {strides = array<i32>} : memref<80x64xf32, #tpu.memory_space<vmem>>, vector<1x16xf32>,
        %swap3A_769 = vector.shape_cast %swap3A_768 : vector<1x16xf32> to vector<16xf32>
        %swap3A_770 = vector.shape_cast %mul3A_765 : vector<16xf32> to vector<1x16xf32>
        tpu.vector_store %arg10[%swap3A_766, %swap3A_767], %swap3A_770 {strides = array<i32>} : memref<80x64xf32, #tpu.memory_space<vmem>>, vector<1x16xf32>,
        %get3A_771 = arith.index_cast %add3A_737 : i32 to index
        %get3A_772 = arith.constant 48 : index
        %get3A_773 = tpu.vector_load %arg10[%get3A_771, %get3A_772] {strides = array<i32>} : memref<80x64xf32, #tpu.memory_space<vmem>>, vector<1x16xf32>,
        %get3A_774 = vector.shape_cast %get3A_773 : vector<1x16xf32> to vector<16xf32>
        %mul3A_775 = vector.broadcast %squeeze3A_733 : f32 to vector<16xf32>
        %mul3A_776 = arith.mulf %get3A_774, %mul3A_775 : vector<16xf32>
        %swap3A_777 = arith.index_cast %add3A_737 : i32 to index
        %swap3A_778 = arith.constant 48 : index
        %swap3A_779 = tpu.vector_load %arg10[%swap3A_777, %swap3A_778] {strides = array<i32>} : memref<80x64xf32, #tpu.memory_space<vmem>>, vector<1x16xf32>,
        %swap3A_780 = vector.shape_cast %swap3A_779 : vector<1x16xf32> to vector<16xf32>
        %swap3A_781 = vector.shape_cast %mul3A_776 : vector<16xf32> to vector<1x16xf32>
        tpu.vector_store %arg10[%swap3A_777, %swap3A_778], %swap3A_781 {strides = array<i32>} : memref<80x64xf32, #tpu.memory_space<vmem>>, vector<1x16xf32>,
        %slice3A_782 = vector.extract_strided_slice %get3A_34 {offsets = [15], sizes = [1], strides = [1]} : vector<16xf32> to vector<1xf32>
        %squeeze3A_783 = vector.extract %slice3A_782[0] : f32 from vector<1xf32>
        %mul3A_784 = arith.constant 16 : i32
        %mul3A_785 = arith.muli %scan3A_29, %mul3A_784 : i32
        %add3A_786 = arith.constant 15 : i32
        %add3A_787 = arith.addi %mul3A_785, %add3A_786 : i32
        %get3A_788 = arith.index_cast %add3A_787 : i32 to index
        %get3A_789 = arith.constant 0 : index
        %get3A_790 = tpu.vector_load %arg10[%get3A_788, %get3A_789] {strides = array<i32>} : memref<80x64xf32, #tpu.memory_space<vmem>>, vector<1x16xf32>,
        %get3A_791 = vector.shape_cast %get3A_790 : vector<1x16xf32> to vector<16xf32>
        %mul3A_792 = vector.broadcast %squeeze3A_783 : f32 to vector<16xf32>
        %mul3A_793 = arith.mulf %get3A_791, %mul3A_792 : vector<16xf32>
        %swap3A_794 = arith.index_cast %add3A_787 : i32 to index
        %swap3A_795 = arith.constant 0 : index
        %swap3A_796 = tpu.vector_load %arg10[%swap3A_794, %swap3A_795] {strides = array<i32>} : memref<80x64xf32, #tpu.memory_space<vmem>>, vector<1x16xf32>,
        %swap3A_797 = vector.shape_cast %swap3A_796 : vector<1x16xf32> to vector<16xf32>
        %swap3A_798 = vector.shape_cast %mul3A_793 : vector<16xf32> to vector<1x16xf32>
        tpu.vector_store %arg10[%swap3A_794, %swap3A_795], %swap3A_798 {strides = array<i32>} : memref<80x64xf32, #tpu.memory_space<vmem>>, vector<1x16xf32>,
        %get3A_799 = arith.index_cast %add3A_787 : i32 to index
        %get3A_800 = arith.constant 16 : index
        %get3A_801 = tpu.vector_load %arg10[%get3A_799, %get3A_800] {strides = array<i32>} : memref<80x64xf32, #tpu.memory_space<vmem>>, vector<1x16xf32>,
        %get3A_802 = vector.shape_cast %get3A_801 : vector<1x16xf32> to vector<16xf32>
        %mul3A_803 = vector.broadcast %squeeze3A_783 : f32 to vector<16xf32>
        %mul3A_804 = arith.mulf %get3A_802, %mul3A_803 : vector<16xf32>
        %swap3A_805 = arith.index_cast %add3A_787 : i32 to index
        %swap3A_806 = arith.constant 16 : index
        %swap3A_807 = tpu.vector_load %arg10[%swap3A_805, %swap3A_806] {strides = array<i32>} : memref<80x64xf32, #tpu.memory_space<vmem>>, vector<1x16xf32>,
        %swap3A_808 = vector.shape_cast %swap3A_807 : vector<1x16xf32> to vector<16xf32>
        %swap3A_809 = vector.shape_cast %mul3A_804 : vector<16xf32> to vector<1x16xf32>
        tpu.vector_store %arg10[%swap3A_805, %swap3A_806], %swap3A_809 {strides = array<i32>} : memref<80x64xf32, #tpu.memory_space<vmem>>, vector<1x16xf32>,
        %get3A_810 = arith.index_cast %add3A_787 : i32 to index
        %get3A_811 = arith.constant 32 : index
        %get3A_812 = tpu.vector_load %arg10[%get3A_810, %get3A_811] {strides = array<i32>} : memref<80x64xf32, #tpu.memory_space<vmem>>, vector<1x16xf32>,
        %get3A_813 = vector.shape_cast %get3A_812 : vector<1x16xf32> to vector<16xf32>
        %mul3A_814 = vector.broadcast %squeeze3A_783 : f32 to vector<16xf32>
        %mul3A_815 = arith.mulf %get3A_813, %mul3A_814 : vector<16xf32>
        %swap3A_816 = arith.index_cast %add3A_787 : i32 to index
        %swap3A_817 = arith.constant 32 : index
        %swap3A_818 = tpu.vector_load %arg10[%swap3A_816, %swap3A_817] {strides = array<i32>} : memref<80x64xf32, #tpu.memory_space<vmem>>, vector<1x16xf32>,
        %swap3A_819 = vector.shape_cast %swap3A_818 : vector<1x16xf32> to vector<16xf32>
        %swap3A_820 = vector.shape_cast %mul3A_815 : vector<16xf32> to vector<1x16xf32>
        tpu.vector_store %arg10[%swap3A_816, %swap3A_817], %swap3A_820 {strides = array<i32>} : memref<80x64xf32, #tpu.memory_space<vmem>>, vector<1x16xf32>,
        %get3A_821 = arith.index_cast %add3A_787 : i32 to index
        %get3A_822 = arith.constant 48 : index
        %get3A_823 = tpu.vector_load %arg10[%get3A_821, %get3A_822] {strides = array<i32>} : memref<80x64xf32, #tpu.memory_space<vmem>>, vector<1x16xf32>,
        %get3A_824 = vector.shape_cast %get3A_823 : vector<1x16xf32> to vector<16xf32>
        %mul3A_825 = vector.broadcast %squeeze3A_783 : f32 to vector<16xf32>
        %mul3A_826 = arith.mulf %get3A_824, %mul3A_825 : vector<16xf32>
        %swap3A_827 = arith.index_cast %add3A_787 : i32 to index
        %swap3A_828 = arith.constant 48 : index
        %swap3A_829 = tpu.vector_load %arg10[%swap3A_827, %swap3A_828] {strides = array<i32>} : memref<80x64xf32, #tpu.memory_space<vmem>>, vector<1x16xf32>,
        %swap3A_830 = vector.shape_cast %swap3A_829 : vector<1x16xf32> to vector<16xf32>
        %swap3A_831 = vector.shape_cast %mul3A_826 : vector<16xf32> to vector<1x16xf32>
        tpu.vector_store %arg10[%swap3A_827, %swap3A_828], %swap3A_831 {strides = array<i32>} : memref<80x64xf32, #tpu.memory_space<vmem>>, vector<1x16xf32>,
      }
      %scan3A_28 = arith.constant 5 : i32
      "tpu.region"() ({
        %run_scoped3A = tpu.sem_alloc : memref<!tpu.dma_semaphore, #tpu.memory_space<semaphore_mem>>
        %dma_start3A = arith.constant 0 : i32
        %dma_start3A_29 = tpu.memref_slice %arg8[%scan3A_22, %dma_start3A] : memref<250x80xi32, #tpu.memory_space<vmem>> -> memref<1x80xi32, #tpu.memory_space<vmem>>
        %dma_start3A_30 = tpu.memref_squeeze %dma_start3A_29 : memref<1x80xi32, #tpu.memory_space<vmem>> -> memref<80xi32, #tpu.memory_space<vmem>>
        %dma_start3A_31 = arith.constant 0 : i32
        %dma_start3A_32 = arith.constant 0 : i32
        %dma_start3A_33 = tpu.memref_slice %arg12[%dma_start3A_31, %dma_start3A_32] : memref<10240x64xf32, #tpu.memory_space<vmem_shared>> -> memref<10240x64xf32, #tpu.memory_space<vmem_shared>>
        tpu.enqueue_indirect_dma source(%arg10 : memref<80x64xf32, #tpu.memory_space<vmem>>) target(%dma_start3A_33 : memref<10240x64xf32, #tpu.memory_space<vmem_shared>>) offsets(%dma_start3A_30 : memref<80xi32, #tpu.memory_space<vmem>>) semaphore(%run_scoped3A : memref<!tpu.dma_semaphore, #tpu.memory_space<semaphore_mem>>) {add = true}
        %dma_wait3A = arith.constant 0 : i32
        %dma_wait3A_34 = tpu.memref_slice %arg8[%scan3A_22, %dma_wait3A] : memref<250x80xi32, #tpu.memory_space<vmem>> -> memref<1x80xi32, #tpu.memory_space<vmem>>
        %dma_wait3A_35 = tpu.memref_squeeze %dma_wait3A_34 : memref<1x80xi32, #tpu.memory_space<vmem>> -> memref<80xi32, #tpu.memory_space<vmem>>
        %dma_wait3A_36 = arith.constant 0 : i32
        %dma_wait3A_37 = arith.constant 0 : i32
        %dma_wait3A_38 = tpu.memref_slice %arg12[%dma_wait3A_36, %dma_wait3A_37] : memref<10240x64xf32, #tpu.memory_space<vmem_shared>> -> memref<10240x64xf32, #tpu.memory_space<vmem_shared>>
        tpu.wait_indirect_dma semaphore(%run_scoped3A : memref<!tpu.dma_semaphore, #tpu.memory_space<semaphore_mem>>) src(%arg10 : memref<80x64xf32, #tpu.memory_space<vmem>>) dst(%dma_wait3A_38 : memref<10240x64xf32, #tpu.memory_space<vmem_shared>>)
        tpu.yield
      }) : () -> ()
    }
    %scan3A_20 = arith.constant 250 : i32
    %barrier3A_21 = arith.constant 0 : index
    tpu.barrier barrier_id(%barrier3A_21)
    "tpu.region"() ({
      %run_scoped3A = tpu.sem_alloc : memref<!tpu.dma_semaphore, #tpu.memory_space<semaphore_mem>>
      %dma_start3A = arith.constant 0 : i32
      %dma_start3A_22 = tpu.memref_slice %arg6[%arg0, %multiple_of3A, %dma_start3A] : memref<2x10240x64xf32, #tpu.memory_space<hbm>> -> memref<1x640x64xf32, #tpu.memory_space<hbm>>
      %dma_start3A_23 = tpu.memref_squeeze %dma_start3A_22 : memref<1x640x64xf32, #tpu.memory_space<hbm>> -> memref<640x64xf32, #tpu.memory_space<hbm>>
      %dma_start3A_24 = arith.constant 0 : i32
      %dma_start3A_25 = tpu.memref_slice %arg12[%multiple_of3A, %dma_start3A_24] : memref<10240x64xf32, #tpu.memory_space<vmem_shared>> -> memref<640x64xf32, #tpu.memory_space<vmem_shared>>
      tpu.enqueue_dma source(%dma_start3A_25 : memref<640x64xf32, #tpu.memory_space<vmem_shared>>) target(%dma_start3A_23 : memref<640x64xf32, #tpu.memory_space<hbm>>) target_semaphore(%run_scoped3A : memref<!tpu.dma_semaphore, #tpu.memory_space<semaphore_mem>>)
      %dma_wait3A = arith.constant 0 : i32
      %dma_wait3A_26 = tpu.memref_slice %arg6[%arg0, %multiple_of3A, %dma_wait3A] : memref<2x10240x64xf32, #tpu.memory_space<hbm>> -> memref<1x640x64xf32, #tpu.memory_space<hbm>>
      %dma_wait3A_27 = tpu.memref_squeeze %dma_wait3A_26 : memref<1x640x64xf32, #tpu.memory_space<hbm>> -> memref<640x64xf32, #tpu.memory_space<hbm>>
      %dma_wait3A_28 = arith.constant 0 : i32
      %dma_wait3A_29 = tpu.memref_slice %arg12[%multiple_of3A, %dma_wait3A_28] : memref<10240x64xf32, #tpu.memory_space<vmem_shared>> -> memref<640x64xf32, #tpu.memory_space<vmem_shared>>
      tpu.wait_dma2 semaphore(%run_scoped3A : memref<!tpu.dma_semaphore, #tpu.memory_space<semaphore_mem>>) src(%dma_wait3A_29 : memref<640x64xf32, #tpu.memory_space<vmem_shared>>) dst(%dma_wait3A_27 : memref<640x64xf32, #tpu.memory_space<hbm>>)
      tpu.yield
    }) : () -> ()
    return
  }
}

#map = affine_map<(d0, d1) -> (0, 0)>
#map1 = affine_map<(d0, d1) -> (0, 0, 0)>
module attributes {stable_mosaic.version = 14 : i64} {
  func.func @spmm(%arg0: i32, %arg1: i32, %arg2: memref<10000x64xf32, #tpu.memory_space<hbm>>, %arg3: memref<32x125x80xi32, #tpu.memory_space<hbm>>, %arg4: memref<32x125x80xi32, #tpu.memory_space<hbm>>, %arg5: memref<32x125x80xf32, #tpu.memory_space<hbm>>, %arg6: memref<2x10240x64xf32, #tpu.memory_space<hbm>>, %arg7: memref<125x80xi32, #tpu.memory_space<vmem>>, %arg8: memref<125x80xi32, #tpu.memory_space<vmem>>, %arg9: memref<125x80xf32, #tpu.memory_space<vmem>>, %arg10: memref<80x64xf32, #tpu.memory_space<vmem>>, %arg11: memref<128x64xf32, #tpu.memory_space<vmem>>, %arg12: memref<10240x64xf32, #tpu.memory_space<vmem_shared>>) attributes {dimension_semantics = [#tpu.dimension_semantics<core_parallel>, #tpu.dimension_semantics<subcore_parallel>], iteration_bounds = array<i64: 2, 16>, scalar_prefetch = 0 : i64, scratch_operands = 6 : i64, tpu.core_type = #tpu.core_type<sc_vector_subcore>, window_params = [{transform_indices = #map}, {transform_indices = #map1}, {transform_indices = #map1}, {transform_indices = #map1}, {transform_indices = #map1}]} {
    %mul3A = arith.constant 16 : i32
    %mul3A_0 = arith.muli %arg0, %mul3A : i32
    %add3A = arith.addi %mul3A_0, %arg1 : i32
    "tpu.region"() ({
      %run_scoped3A = tpu.sem_alloc : memref<!tpu.dma_semaphore, #tpu.memory_space<semaphore_mem>>
      %dma_start3A = arith.constant 0 : i32
      %dma_start3A_25 = arith.constant 0 : i32
      %dma_start3A_26 = tpu.memref_slice %arg3[%add3A, %dma_start3A, %dma_start3A_25] : memref<32x125x80xi32, #tpu.memory_space<hbm>> -> memref<1x125x80xi32, #tpu.memory_space<hbm>>
      %dma_start3A_27 = tpu.memref_squeeze %dma_start3A_26 : memref<1x125x80xi32, #tpu.memory_space<hbm>> -> memref<125x80xi32, #tpu.memory_space<hbm>>
      %dma_start3A_28 = arith.constant 0 : i32
      %dma_start3A_29 = arith.constant 0 : i32
      %dma_start3A_30 = tpu.memref_slice %arg3[%add3A, %dma_start3A_28, %dma_start3A_29] : memref<32x125x80xi32, #tpu.memory_space<hbm>> -> memref<1x125x80xi32, #tpu.memory_space<hbm>>
      %dma_start3A_31 = tpu.memref_squeeze %dma_start3A_30 : memref<1x125x80xi32, #tpu.memory_space<hbm>> -> memref<125x80xi32, #tpu.memory_space<hbm>>
      tpu.enqueue_dma source(%dma_start3A_31 : memref<125x80xi32, #tpu.memory_space<hbm>>) target(%arg7 : memref<125x80xi32, #tpu.memory_space<vmem>>) target_semaphore(%run_scoped3A : memref<!tpu.dma_semaphore, #tpu.memory_space<semaphore_mem>>)
      %dma_wait3A = arith.constant 0 : i32
      %dma_wait3A_32 = arith.constant 0 : i32
      %dma_wait3A_33 = tpu.memref_slice %arg3[%add3A, %dma_wait3A, %dma_wait3A_32] : memref<32x125x80xi32, #tpu.memory_space<hbm>> -> memref<1x125x80xi32, #tpu.memory_space<hbm>>
      %dma_wait3A_34 = tpu.memref_squeeze %dma_wait3A_33 : memref<1x125x80xi32, #tpu.memory_space<hbm>> -> memref<125x80xi32, #tpu.memory_space<hbm>>
      %dma_wait3A_35 = arith.constant 0 : i32
      %dma_wait3A_36 = arith.constant 0 : i32
      %dma_wait3A_37 = tpu.memref_slice %arg3[%add3A, %dma_wait3A_35, %dma_wait3A_36] : memref<32x125x80xi32, #tpu.memory_space<hbm>> -> memref<1x125x80xi32, #tpu.memory_space<hbm>>
      %dma_wait3A_38 = tpu.memref_squeeze %dma_wait3A_37 : memref<1x125x80xi32, #tpu.memory_space<hbm>> -> memref<125x80xi32, #tpu.memory_space<hbm>>
      tpu.wait_dma2 semaphore(%run_scoped3A : memref<!tpu.dma_semaphore, #tpu.memory_space<semaphore_mem>>) src(%dma_wait3A_38 : memref<125x80xi32, #tpu.memory_space<hbm>>) dst(%arg7 : memref<125x80xi32, #tpu.memory_space<vmem>>)
      tpu.yield
    }) : () -> ()
    "tpu.region"() ({
      %run_scoped3A = tpu.sem_alloc : memref<!tpu.dma_semaphore, #tpu.memory_space<semaphore_mem>>
      %dma_start3A = arith.constant 0 : i32
      %dma_start3A_25 = arith.constant 0 : i32
      %dma_start3A_26 = tpu.memref_slice %arg4[%add3A, %dma_start3A, %dma_start3A_25] : memref<32x125x80xi32, #tpu.memory_space<hbm>> -> memref<1x125x80xi32, #tpu.memory_space<hbm>>
      %dma_start3A_27 = tpu.memref_squeeze %dma_start3A_26 : memref<1x125x80xi32, #tpu.memory_space<hbm>> -> memref<125x80xi32, #tpu.memory_space<hbm>>
      %dma_start3A_28 = arith.constant 0 : i32
      %dma_start3A_29 = arith.constant 0 : i32
      %dma_start3A_30 = tpu.memref_slice %arg4[%add3A, %dma_start3A_28, %dma_start3A_29] : memref<32x125x80xi32, #tpu.memory_space<hbm>> -> memref<1x125x80xi32, #tpu.memory_space<hbm>>
      %dma_start3A_31 = tpu.memref_squeeze %dma_start3A_30 : memref<1x125x80xi32, #tpu.memory_space<hbm>> -> memref<125x80xi32, #tpu.memory_space<hbm>>
      tpu.enqueue_dma source(%dma_start3A_31 : memref<125x80xi32, #tpu.memory_space<hbm>>) target(%arg8 : memref<125x80xi32, #tpu.memory_space<vmem>>) target_semaphore(%run_scoped3A : memref<!tpu.dma_semaphore, #tpu.memory_space<semaphore_mem>>)
      %dma_wait3A = arith.constant 0 : i32
      %dma_wait3A_32 = arith.constant 0 : i32
      %dma_wait3A_33 = tpu.memref_slice %arg4[%add3A, %dma_wait3A, %dma_wait3A_32] : memref<32x125x80xi32, #tpu.memory_space<hbm>> -> memref<1x125x80xi32, #tpu.memory_space<hbm>>
      %dma_wait3A_34 = tpu.memref_squeeze %dma_wait3A_33 : memref<1x125x80xi32, #tpu.memory_space<hbm>> -> memref<125x80xi32, #tpu.memory_space<hbm>>
      %dma_wait3A_35 = arith.constant 0 : i32
      %dma_wait3A_36 = arith.constant 0 : i32
      %dma_wait3A_37 = tpu.memref_slice %arg4[%add3A, %dma_wait3A_35, %dma_wait3A_36] : memref<32x125x80xi32, #tpu.memory_space<hbm>> -> memref<1x125x80xi32, #tpu.memory_space<hbm>>
      %dma_wait3A_38 = tpu.memref_squeeze %dma_wait3A_37 : memref<1x125x80xi32, #tpu.memory_space<hbm>> -> memref<125x80xi32, #tpu.memory_space<hbm>>
      tpu.wait_dma2 semaphore(%run_scoped3A : memref<!tpu.dma_semaphore, #tpu.memory_space<semaphore_mem>>) src(%dma_wait3A_38 : memref<125x80xi32, #tpu.memory_space<hbm>>) dst(%arg8 : memref<125x80xi32, #tpu.memory_space<vmem>>)
      tpu.yield
    }) : () -> ()
    "tpu.region"() ({
      %run_scoped3A = tpu.sem_alloc : memref<!tpu.dma_semaphore, #tpu.memory_space<semaphore_mem>>
      %dma_start3A = arith.constant 0 : i32
      %dma_start3A_25 = arith.constant 0 : i32
      %dma_start3A_26 = tpu.memref_slice %arg5[%add3A, %dma_start3A, %dma_start3A_25] : memref<32x125x80xf32, #tpu.memory_space<hbm>> -> memref<1x125x80xf32, #tpu.memory_space<hbm>>
      %dma_start3A_27 = tpu.memref_squeeze %dma_start3A_26 : memref<1x125x80xf32, #tpu.memory_space<hbm>> -> memref<125x80xf32, #tpu.memory_space<hbm>>
      %dma_start3A_28 = arith.constant 0 : i32
      %dma_start3A_29 = arith.constant 0 : i32
      %dma_start3A_30 = tpu.memref_slice %arg5[%add3A, %dma_start3A_28, %dma_start3A_29] : memref<32x125x80xf32, #tpu.memory_space<hbm>> -> memref<1x125x80xf32, #tpu.memory_space<hbm>>
      %dma_start3A_31 = tpu.memref_squeeze %dma_start3A_30 : memref<1x125x80xf32, #tpu.memory_space<hbm>> -> memref<125x80xf32, #tpu.memory_space<hbm>>
      tpu.enqueue_dma source(%dma_start3A_31 : memref<125x80xf32, #tpu.memory_space<hbm>>) target(%arg9 : memref<125x80xf32, #tpu.memory_space<vmem>>) target_semaphore(%run_scoped3A : memref<!tpu.dma_semaphore, #tpu.memory_space<semaphore_mem>>)
      %dma_wait3A = arith.constant 0 : i32
      %dma_wait3A_32 = arith.constant 0 : i32
      %dma_wait3A_33 = tpu.memref_slice %arg5[%add3A, %dma_wait3A, %dma_wait3A_32] : memref<32x125x80xf32, #tpu.memory_space<hbm>> -> memref<1x125x80xf32, #tpu.memory_space<hbm>>
      %dma_wait3A_34 = tpu.memref_squeeze %dma_wait3A_33 : memref<1x125x80xf32, #tpu.memory_space<hbm>> -> memref<125x80xf32, #tpu.memory_space<hbm>>
      %dma_wait3A_35 = arith.constant 0 : i32
      %dma_wait3A_36 = arith.constant 0 : i32
      %dma_wait3A_37 = tpu.memref_slice %arg5[%add3A, %dma_wait3A_35, %dma_wait3A_36] : memref<32x125x80xf32, #tpu.memory_space<hbm>> -> memref<1x125x80xf32, #tpu.memory_space<hbm>>
      %dma_wait3A_38 = tpu.memref_squeeze %dma_wait3A_37 : memref<1x125x80xf32, #tpu.memory_space<hbm>> -> memref<125x80xf32, #tpu.memory_space<hbm>>
      tpu.wait_dma2 semaphore(%run_scoped3A : memref<!tpu.dma_semaphore, #tpu.memory_space<semaphore_mem>>) src(%dma_wait3A_38 : memref<125x80xf32, #tpu.memory_space<hbm>>) dst(%arg9 : memref<125x80xf32, #tpu.memory_space<vmem>>)
      tpu.yield
    }) : () -> ()
    %mul3A_1 = arith.constant 640 : i32
    %mul3A_2 = arith.muli %arg1, %mul3A_1 : i32
    %multiple_of3A = tpu.assume_multiple %mul3A_2, 8 : i32
    %scan3A = arith.constant 0 : i32
    %scan3A_3 = arith.constant 0 : i32
    %scan3A_4 = arith.constant 128 : i32
    %scan3A_5 = arith.addi %scan3A_3, %scan3A_4 : i32
    %scan3A_6 = arith.constant 1 : i32
    scf.for %scan3A_25 = %scan3A_3 to %scan3A_5 step %scan3A_6  : i32 {
      %broadcast_in_dim3A = arith.constant 0.000000e+00 : f32
      %broadcast_in_dim3A_26 = vector.broadcast %broadcast_in_dim3A : f32 to vector<16xf32>
      %swap3A = arith.index_cast %scan3A_25 : i32 to index
      %swap3A_27 = arith.constant 0 : index
      %swap3A_28 = tpu.vector_load %arg11[%swap3A, %swap3A_27] {strides = array<i32>} : memref<128x64xf32, #tpu.memory_space<vmem>>, vector<1x16xf32>,
      %swap3A_29 = vector.shape_cast %swap3A_28 : vector<1x16xf32> to vector<16xf32>
      %swap3A_30 = vector.shape_cast %broadcast_in_dim3A_26 : vector<16xf32> to vector<1x16xf32>
      tpu.vector_store %arg11[%swap3A, %swap3A_27], %swap3A_30 {strides = array<i32>} : memref<128x64xf32, #tpu.memory_space<vmem>>, vector<1x16xf32>,
      %broadcast_in_dim3A_31 = arith.constant 0.000000e+00 : f32
      %broadcast_in_dim3A_32 = vector.broadcast %broadcast_in_dim3A_31 : f32 to vector<16xf32>
      %swap3A_33 = arith.index_cast %scan3A_25 : i32 to index
      %swap3A_34 = arith.constant 16 : index
      %swap3A_35 = tpu.vector_load %arg11[%swap3A_33, %swap3A_34] {strides = array<i32>} : memref<128x64xf32, #tpu.memory_space<vmem>>, vector<1x16xf32>,
      %swap3A_36 = vector.shape_cast %swap3A_35 : vector<1x16xf32> to vector<16xf32>
      %swap3A_37 = vector.shape_cast %broadcast_in_dim3A_32 : vector<16xf32> to vector<1x16xf32>
      tpu.vector_store %arg11[%swap3A_33, %swap3A_34], %swap3A_37 {strides = array<i32>} : memref<128x64xf32, #tpu.memory_space<vmem>>, vector<1x16xf32>,
      %broadcast_in_dim3A_38 = arith.constant 0.000000e+00 : f32
      %broadcast_in_dim3A_39 = vector.broadcast %broadcast_in_dim3A_38 : f32 to vector<16xf32>
      %swap3A_40 = arith.index_cast %scan3A_25 : i32 to index
      %swap3A_41 = arith.constant 32 : index
      %swap3A_42 = tpu.vector_load %arg11[%swap3A_40, %swap3A_41] {strides = array<i32>} : memref<128x64xf32, #tpu.memory_space<vmem>>, vector<1x16xf32>,
      %swap3A_43 = vector.shape_cast %swap3A_42 : vector<1x16xf32> to vector<16xf32>
      %swap3A_44 = vector.shape_cast %broadcast_in_dim3A_39 : vector<16xf32> to vector<1x16xf32>
      tpu.vector_store %arg11[%swap3A_40, %swap3A_41], %swap3A_44 {strides = array<i32>} : memref<128x64xf32, #tpu.memory_space<vmem>>, vector<1x16xf32>,
      %broadcast_in_dim3A_45 = arith.constant 0.000000e+00 : f32
      %broadcast_in_dim3A_46 = vector.broadcast %broadcast_in_dim3A_45 : f32 to vector<16xf32>
      %swap3A_47 = arith.index_cast %scan3A_25 : i32 to index
      %swap3A_48 = arith.constant 48 : index
      %swap3A_49 = tpu.vector_load %arg11[%swap3A_47, %swap3A_48] {strides = array<i32>} : memref<128x64xf32, #tpu.memory_space<vmem>>, vector<1x16xf32>,
      %swap3A_50 = vector.shape_cast %swap3A_49 : vector<1x16xf32> to vector<16xf32>
      %swap3A_51 = vector.shape_cast %broadcast_in_dim3A_46 : vector<16xf32> to vector<1x16xf32>
      tpu.vector_store %arg11[%swap3A_47, %swap3A_48], %swap3A_51 {strides = array<i32>} : memref<128x64xf32, #tpu.memory_space<vmem>>, vector<1x16xf32>,
    }
    %scan3A_7 = arith.constant 128 : i32
    %add3A_8 = arith.constant 0 : i32
    %add3A_9 = arith.addi %multiple_of3A, %add3A_8 : i32
    "tpu.region"() ({
      %run_scoped3A = tpu.sem_alloc : memref<!tpu.dma_semaphore, #tpu.memory_space<semaphore_mem>>
      %dma_start3A = arith.constant 0 : i32
      %dma_start3A_25 = tpu.memref_slice %arg12[%add3A_9, %dma_start3A] : memref<10240x64xf32, #tpu.memory_space<vmem_shared>> -> memref<128x64xf32, #tpu.memory_space<vmem_shared>>
      %dma_start3A_26 = arith.constant 0 : i32
      %dma_start3A_27 = tpu.memref_slice %arg12[%add3A_9, %dma_start3A_26] : memref<10240x64xf32, #tpu.memory_space<vmem_shared>> -> memref<128x64xf32, #tpu.memory_space<vmem_shared>>
      tpu.enqueue_dma source(%arg11 : memref<128x64xf32, #tpu.memory_space<vmem>>) target(%dma_start3A_27 : memref<128x64xf32, #tpu.memory_space<vmem_shared>>) target_semaphore(%run_scoped3A : memref<!tpu.dma_semaphore, #tpu.memory_space<semaphore_mem>>)
      %dma_wait3A = arith.constant 0 : i32
      %dma_wait3A_28 = tpu.memref_slice %arg12[%add3A_9, %dma_wait3A] : memref<10240x64xf32, #tpu.memory_space<vmem_shared>> -> memref<128x64xf32, #tpu.memory_space<vmem_shared>>
      %dma_wait3A_29 = arith.constant 0 : i32
      %dma_wait3A_30 = tpu.memref_slice %arg12[%add3A_9, %dma_wait3A_29] : memref<10240x64xf32, #tpu.memory_space<vmem_shared>> -> memref<128x64xf32, #tpu.memory_space<vmem_shared>>
      tpu.wait_dma2 semaphore(%run_scoped3A : memref<!tpu.dma_semaphore, #tpu.memory_space<semaphore_mem>>) src(%arg11 : memref<128x64xf32, #tpu.memory_space<vmem>>) dst(%dma_wait3A_30 : memref<128x64xf32, #tpu.memory_space<vmem_shared>>)
      tpu.yield
    }) : () -> ()
    %add3A_10 = arith.constant 128 : i32
    %add3A_11 = arith.addi %multiple_of3A, %add3A_10 : i32
    "tpu.region"() ({
      %run_scoped3A = tpu.sem_alloc : memref<!tpu.dma_semaphore, #tpu.memory_space<semaphore_mem>>
      %dma_start3A = arith.constant 0 : i32
      %dma_start3A_25 = tpu.memref_slice %arg12[%add3A_11, %dma_start3A] : memref<10240x64xf32, #tpu.memory_space<vmem_shared>> -> memref<128x64xf32, #tpu.memory_space<vmem_shared>>
      %dma_start3A_26 = arith.constant 0 : i32
      %dma_start3A_27 = tpu.memref_slice %arg12[%add3A_11, %dma_start3A_26] : memref<10240x64xf32, #tpu.memory_space<vmem_shared>> -> memref<128x64xf32, #tpu.memory_space<vmem_shared>>
      tpu.enqueue_dma source(%arg11 : memref<128x64xf32, #tpu.memory_space<vmem>>) target(%dma_start3A_27 : memref<128x64xf32, #tpu.memory_space<vmem_shared>>) target_semaphore(%run_scoped3A : memref<!tpu.dma_semaphore, #tpu.memory_space<semaphore_mem>>)
      %dma_wait3A = arith.constant 0 : i32
      %dma_wait3A_28 = tpu.memref_slice %arg12[%add3A_11, %dma_wait3A] : memref<10240x64xf32, #tpu.memory_space<vmem_shared>> -> memref<128x64xf32, #tpu.memory_space<vmem_shared>>
      %dma_wait3A_29 = arith.constant 0 : i32
      %dma_wait3A_30 = tpu.memref_slice %arg12[%add3A_11, %dma_wait3A_29] : memref<10240x64xf32, #tpu.memory_space<vmem_shared>> -> memref<128x64xf32, #tpu.memory_space<vmem_shared>>
      tpu.wait_dma2 semaphore(%run_scoped3A : memref<!tpu.dma_semaphore, #tpu.memory_space<semaphore_mem>>) src(%arg11 : memref<128x64xf32, #tpu.memory_space<vmem>>) dst(%dma_wait3A_30 : memref<128x64xf32, #tpu.memory_space<vmem_shared>>)
      tpu.yield
    }) : () -> ()
    %add3A_12 = arith.constant 256 : i32
    %add3A_13 = arith.addi %multiple_of3A, %add3A_12 : i32
    "tpu.region"() ({
      %run_scoped3A = tpu.sem_alloc : memref<!tpu.dma_semaphore, #tpu.memory_space<semaphore_mem>>
      %dma_start3A = arith.constant 0 : i32
      %dma_start3A_25 = tpu.memref_slice %arg12[%add3A_13, %dma_start3A] : memref<10240x64xf32, #tpu.memory_space<vmem_shared>> -> memref<128x64xf32, #tpu.memory_space<vmem_shared>>
      %dma_start3A_26 = arith.constant 0 : i32
      %dma_start3A_27 = tpu.memref_slice %arg12[%add3A_13, %dma_start3A_26] : memref<10240x64xf32, #tpu.memory_space<vmem_shared>> -> memref<128x64xf32, #tpu.memory_space<vmem_shared>>
      tpu.enqueue_dma source(%arg11 : memref<128x64xf32, #tpu.memory_space<vmem>>) target(%dma_start3A_27 : memref<128x64xf32, #tpu.memory_space<vmem_shared>>) target_semaphore(%run_scoped3A : memref<!tpu.dma_semaphore, #tpu.memory_space<semaphore_mem>>)
      %dma_wait3A = arith.constant 0 : i32
      %dma_wait3A_28 = tpu.memref_slice %arg12[%add3A_13, %dma_wait3A] : memref<10240x64xf32, #tpu.memory_space<vmem_shared>> -> memref<128x64xf32, #tpu.memory_space<vmem_shared>>
      %dma_wait3A_29 = arith.constant 0 : i32
      %dma_wait3A_30 = tpu.memref_slice %arg12[%add3A_13, %dma_wait3A_29] : memref<10240x64xf32, #tpu.memory_space<vmem_shared>> -> memref<128x64xf32, #tpu.memory_space<vmem_shared>>
      tpu.wait_dma2 semaphore(%run_scoped3A : memref<!tpu.dma_semaphore, #tpu.memory_space<semaphore_mem>>) src(%arg11 : memref<128x64xf32, #tpu.memory_space<vmem>>) dst(%dma_wait3A_30 : memref<128x64xf32, #tpu.memory_space<vmem_shared>>)
      tpu.yield
    }) : () -> ()
    %add3A_14 = arith.constant 384 : i32
    %add3A_15 = arith.addi %multiple_of3A, %add3A_14 : i32
    "tpu.region"() ({
      %run_scoped3A = tpu.sem_alloc : memref<!tpu.dma_semaphore, #tpu.memory_space<semaphore_mem>>
      %dma_start3A = arith.constant 0 : i32
      %dma_start3A_25 = tpu.memref_slice %arg12[%add3A_15, %dma_start3A] : memref<10240x64xf32, #tpu.memory_space<vmem_shared>> -> memref<128x64xf32, #tpu.memory_space<vmem_shared>>
      %dma_start3A_26 = arith.constant 0 : i32
      %dma_start3A_27 = tpu.memref_slice %arg12[%add3A_15, %dma_start3A_26] : memref<10240x64xf32, #tpu.memory_space<vmem_shared>> -> memref<128x64xf32, #tpu.memory_space<vmem_shared>>
      tpu.enqueue_dma source(%arg11 : memref<128x64xf32, #tpu.memory_space<vmem>>) target(%dma_start3A_27 : memref<128x64xf32, #tpu.memory_space<vmem_shared>>) target_semaphore(%run_scoped3A : memref<!tpu.dma_semaphore, #tpu.memory_space<semaphore_mem>>)
      %dma_wait3A = arith.constant 0 : i32
      %dma_wait3A_28 = tpu.memref_slice %arg12[%add3A_15, %dma_wait3A] : memref<10240x64xf32, #tpu.memory_space<vmem_shared>> -> memref<128x64xf32, #tpu.memory_space<vmem_shared>>
      %dma_wait3A_29 = arith.constant 0 : i32
      %dma_wait3A_30 = tpu.memref_slice %arg12[%add3A_15, %dma_wait3A_29] : memref<10240x64xf32, #tpu.memory_space<vmem_shared>> -> memref<128x64xf32, #tpu.memory_space<vmem_shared>>
      tpu.wait_dma2 semaphore(%run_scoped3A : memref<!tpu.dma_semaphore, #tpu.memory_space<semaphore_mem>>) src(%arg11 : memref<128x64xf32, #tpu.memory_space<vmem>>) dst(%dma_wait3A_30 : memref<128x64xf32, #tpu.memory_space<vmem_shared>>)
      tpu.yield
    }) : () -> ()
    %add3A_16 = arith.constant 512 : i32
    %add3A_17 = arith.addi %multiple_of3A, %add3A_16 : i32
    "tpu.region"() ({
      %run_scoped3A = tpu.sem_alloc : memref<!tpu.dma_semaphore, #tpu.memory_space<semaphore_mem>>
      %dma_start3A = arith.constant 0 : i32
      %dma_start3A_25 = tpu.memref_slice %arg12[%add3A_17, %dma_start3A] : memref<10240x64xf32, #tpu.memory_space<vmem_shared>> -> memref<128x64xf32, #tpu.memory_space<vmem_shared>>
      %dma_start3A_26 = arith.constant 0 : i32
      %dma_start3A_27 = tpu.memref_slice %arg12[%add3A_17, %dma_start3A_26] : memref<10240x64xf32, #tpu.memory_space<vmem_shared>> -> memref<128x64xf32, #tpu.memory_space<vmem_shared>>
      tpu.enqueue_dma source(%arg11 : memref<128x64xf32, #tpu.memory_space<vmem>>) target(%dma_start3A_27 : memref<128x64xf32, #tpu.memory_space<vmem_shared>>) target_semaphore(%run_scoped3A : memref<!tpu.dma_semaphore, #tpu.memory_space<semaphore_mem>>)
      %dma_wait3A = arith.constant 0 : i32
      %dma_wait3A_28 = tpu.memref_slice %arg12[%add3A_17, %dma_wait3A] : memref<10240x64xf32, #tpu.memory_space<vmem_shared>> -> memref<128x64xf32, #tpu.memory_space<vmem_shared>>
      %dma_wait3A_29 = arith.constant 0 : i32
      %dma_wait3A_30 = tpu.memref_slice %arg12[%add3A_17, %dma_wait3A_29] : memref<10240x64xf32, #tpu.memory_space<vmem_shared>> -> memref<128x64xf32, #tpu.memory_space<vmem_shared>>
      tpu.wait_dma2 semaphore(%run_scoped3A : memref<!tpu.dma_semaphore, #tpu.memory_space<semaphore_mem>>) src(%arg11 : memref<128x64xf32, #tpu.memory_space<vmem>>) dst(%dma_wait3A_30 : memref<128x64xf32, #tpu.memory_space<vmem_shared>>)
      tpu.yield
    }) : () -> ()
    %barrier3A = arith.constant 0 : index
    tpu.barrier barrier_id(%barrier3A)
    %scan3A_18 = arith.constant 0 : i32
    %scan3A_19 = arith.constant 0 : i32
    %scan3A_20 = arith.constant 125 : i32
    %scan3A_21 = arith.addi %scan3A_19, %scan3A_20 : i32
    %scan3A_22 = arith.constant 1 : i32
    scf.for %scan3A_25 = %scan3A_19 to %scan3A_21 step %scan3A_22  : i32 {
      "tpu.region"() ({
        %run_scoped3A = tpu.sem_alloc : memref<!tpu.dma_semaphore, #tpu.memory_space<semaphore_mem>>
        %dma_start3A = arith.constant 0 : i32
        %dma_start3A_32 = tpu.memref_slice %arg7[%scan3A_25, %dma_start3A] : memref<125x80xi32, #tpu.memory_space<vmem>> -> memref<1x80xi32, #tpu.memory_space<vmem>>
        %dma_start3A_33 = tpu.memref_squeeze %dma_start3A_32 : memref<1x80xi32, #tpu.memory_space<vmem>> -> memref<80xi32, #tpu.memory_space<vmem>>
        %dma_start3A_34 = arith.constant 0 : i32
        %dma_start3A_35 = arith.constant 0 : i32
        %dma_start3A_36 = tpu.memref_slice %arg2[%dma_start3A_34, %dma_start3A_35] : memref<10000x64xf32, #tpu.memory_space<hbm>> -> memref<10000x64xf32, #tpu.memory_space<hbm>>
        tpu.enqueue_indirect_dma source(%dma_start3A_36 : memref<10000x64xf32, #tpu.memory_space<hbm>>) target(%arg10 : memref<80x64xf32, #tpu.memory_space<vmem>>) offsets(%dma_start3A_33 : memref<80xi32, #tpu.memory_space<vmem>>) semaphore(%run_scoped3A : memref<!tpu.dma_semaphore, #tpu.memory_space<semaphore_mem>>)
        %dma_wait3A = arith.constant 0 : i32
        %dma_wait3A_37 = tpu.memref_slice %arg7[%scan3A_25, %dma_wait3A] : memref<125x80xi32, #tpu.memory_space<vmem>> -> memref<1x80xi32, #tpu.memory_space<vmem>>
        %dma_wait3A_38 = tpu.memref_squeeze %dma_wait3A_37 : memref<1x80xi32, #tpu.memory_space<vmem>> -> memref<80xi32, #tpu.memory_space<vmem>>
        %dma_wait3A_39 = arith.constant 0 : i32
        %dma_wait3A_40 = arith.constant 0 : i32
        %dma_wait3A_41 = tpu.memref_slice %arg2[%dma_wait3A_39, %dma_wait3A_40] : memref<10000x64xf32, #tpu.memory_space<hbm>> -> memref<10000x64xf32, #tpu.memory_space<hbm>>
        tpu.wait_indirect_dma semaphore(%run_scoped3A : memref<!tpu.dma_semaphore, #tpu.memory_space<semaphore_mem>>) src(%dma_wait3A_41 : memref<10000x64xf32, #tpu.memory_space<hbm>>) dst(%arg10 : memref<80x64xf32, #tpu.memory_space<vmem>>)
        tpu.yield
      }) : () -> ()
      %scan3A_26 = arith.constant 0 : i32
      %scan3A_27 = arith.constant 0 : i32
      %scan3A_28 = arith.constant 5 : i32
      %scan3A_29 = arith.addi %scan3A_27, %scan3A_28 : i32
      %scan3A_30 = arith.constant 1 : i32
      scf.for %scan3A_32 = %scan3A_27 to %scan3A_29 step %scan3A_30  : i32 {
        %mul3A_33 = arith.constant 16 : i32
        %mul3A_34 = arith.muli %scan3A_32, %mul3A_33 : i32
        %get3A = arith.index_cast %scan3A_25 : i32 to index
        %get3A_35 = arith.index_cast %mul3A_34 : i32 to index
        %get3A_36 = tpu.vector_load %arg9[%get3A, %get3A_35] {strides = array<i32>} : memref<125x80xf32, #tpu.memory_space<vmem>>, vector<1x16xf32>,
        %get3A_37 = vector.shape_cast %get3A_36 : vector<1x16xf32> to vector<16xf32>
        %slice3A = vector.extract_strided_slice %get3A_37 {offsets = [0], sizes = [1], strides = [1]} : vector<16xf32> to vector<1xf32>
        %squeeze3A = vector.extract %slice3A[0] : f32 from vector<1xf32>
        %mul3A_38 = arith.constant 16 : i32
        %mul3A_39 = arith.muli %scan3A_32, %mul3A_38 : i32
        %add3A_40 = arith.constant 0 : i32
        %add3A_41 = arith.addi %mul3A_39, %add3A_40 : i32
        %get3A_42 = arith.index_cast %add3A_41 : i32 to index
        %get3A_43 = arith.constant 0 : index
        %get3A_44 = tpu.vector_load %arg10[%get3A_42, %get3A_43] {strides = array<i32>} : memref<80x64xf32, #tpu.memory_space<vmem>>, vector<1x16xf32>,
        %get3A_45 = vector.shape_cast %get3A_44 : vector<1x16xf32> to vector<16xf32>
        %mul3A_46 = vector.broadcast %squeeze3A : f32 to vector<16xf32>
        %mul3A_47 = arith.mulf %get3A_45, %mul3A_46 : vector<16xf32>
        %swap3A = arith.index_cast %add3A_41 : i32 to index
        %swap3A_48 = arith.constant 0 : index
        %swap3A_49 = tpu.vector_load %arg10[%swap3A, %swap3A_48] {strides = array<i32>} : memref<80x64xf32, #tpu.memory_space<vmem>>, vector<1x16xf32>,
        %swap3A_50 = vector.shape_cast %swap3A_49 : vector<1x16xf32> to vector<16xf32>
        %swap3A_51 = vector.shape_cast %mul3A_47 : vector<16xf32> to vector<1x16xf32>
        tpu.vector_store %arg10[%swap3A, %swap3A_48], %swap3A_51 {strides = array<i32>} : memref<80x64xf32, #tpu.memory_space<vmem>>, vector<1x16xf32>,
        %get3A_52 = arith.index_cast %add3A_41 : i32 to index
        %get3A_53 = arith.constant 16 : index
        %get3A_54 = tpu.vector_load %arg10[%get3A_52, %get3A_53] {strides = array<i32>} : memref<80x64xf32, #tpu.memory_space<vmem>>, vector<1x16xf32>,
        %get3A_55 = vector.shape_cast %get3A_54 : vector<1x16xf32> to vector<16xf32>
        %mul3A_56 = vector.broadcast %squeeze3A : f32 to vector<16xf32>
        %mul3A_57 = arith.mulf %get3A_55, %mul3A_56 : vector<16xf32>
        %swap3A_58 = arith.index_cast %add3A_41 : i32 to index
        %swap3A_59 = arith.constant 16 : index
        %swap3A_60 = tpu.vector_load %arg10[%swap3A_58, %swap3A_59] {strides = array<i32>} : memref<80x64xf32, #tpu.memory_space<vmem>>, vector<1x16xf32>,
        %swap3A_61 = vector.shape_cast %swap3A_60 : vector<1x16xf32> to vector<16xf32>
        %swap3A_62 = vector.shape_cast %mul3A_57 : vector<16xf32> to vector<1x16xf32>
        tpu.vector_store %arg10[%swap3A_58, %swap3A_59], %swap3A_62 {strides = array<i32>} : memref<80x64xf32, #tpu.memory_space<vmem>>, vector<1x16xf32>,
        %get3A_63 = arith.index_cast %add3A_41 : i32 to index
        %get3A_64 = arith.constant 32 : index
        %get3A_65 = tpu.vector_load %arg10[%get3A_63, %get3A_64] {strides = array<i32>} : memref<80x64xf32, #tpu.memory_space<vmem>>, vector<1x16xf32>,
        %get3A_66 = vector.shape_cast %get3A_65 : vector<1x16xf32> to vector<16xf32>
        %mul3A_67 = vector.broadcast %squeeze3A : f32 to vector<16xf32>
        %mul3A_68 = arith.mulf %get3A_66, %mul3A_67 : vector<16xf32>
        %swap3A_69 = arith.index_cast %add3A_41 : i32 to index
        %swap3A_70 = arith.constant 32 : index
        %swap3A_71 = tpu.vector_load %arg10[%swap3A_69, %swap3A_70] {strides = array<i32>} : memref<80x64xf32, #tpu.memory_space<vmem>>, vector<1x16xf32>,
        %swap3A_72 = vector.shape_cast %swap3A_71 : vector<1x16xf32> to vector<16xf32>
        %swap3A_73 = vector.shape_cast %mul3A_68 : vector<16xf32> to vector<1x16xf32>
        tpu.vector_store %arg10[%swap3A_69, %swap3A_70], %swap3A_73 {strides = array<i32>} : memref<80x64xf32, #tpu.memory_space<vmem>>, vector<1x16xf32>,
        %get3A_74 = arith.index_cast %add3A_41 : i32 to index
        %get3A_75 = arith.constant 48 : index
        %get3A_76 = tpu.vector_load %arg10[%get3A_74, %get3A_75] {strides = array<i32>} : memref<80x64xf32, #tpu.memory_space<vmem>>, vector<1x16xf32>,
        %get3A_77 = vector.shape_cast %get3A_76 : vector<1x16xf32> to vector<16xf32>
        %mul3A_78 = vector.broadcast %squeeze3A : f32 to vector<16xf32>
        %mul3A_79 = arith.mulf %get3A_77, %mul3A_78 : vector<16xf32>
        %swap3A_80 = arith.index_cast %add3A_41 : i32 to index
        %swap3A_81 = arith.constant 48 : index
        %swap3A_82 = tpu.vector_load %arg10[%swap3A_80, %swap3A_81] {strides = array<i32>} : memref<80x64xf32, #tpu.memory_space<vmem>>, vector<1x16xf32>,
        %swap3A_83 = vector.shape_cast %swap3A_82 : vector<1x16xf32> to vector<16xf32>
        %swap3A_84 = vector.shape_cast %mul3A_79 : vector<16xf32> to vector<1x16xf32>
        tpu.vector_store %arg10[%swap3A_80, %swap3A_81], %swap3A_84 {strides = array<i32>} : memref<80x64xf32, #tpu.memory_space<vmem>>, vector<1x16xf32>,
        %slice3A_85 = vector.extract_strided_slice %get3A_37 {offsets = [1], sizes = [1], strides = [1]} : vector<16xf32> to vector<1xf32>
        %squeeze3A_86 = vector.extract %slice3A_85[0] : f32 from vector<1xf32>
        %mul3A_87 = arith.constant 16 : i32
        %mul3A_88 = arith.muli %scan3A_32, %mul3A_87 : i32
        %add3A_89 = arith.constant 1 : i32
        %add3A_90 = arith.addi %mul3A_88, %add3A_89 : i32
        %get3A_91 = arith.index_cast %add3A_90 : i32 to index
        %get3A_92 = arith.constant 0 : index
        %get3A_93 = tpu.vector_load %arg10[%get3A_91, %get3A_92] {strides = array<i32>} : memref<80x64xf32, #tpu.memory_space<vmem>>, vector<1x16xf32>,
        %get3A_94 = vector.shape_cast %get3A_93 : vector<1x16xf32> to vector<16xf32>
        %mul3A_95 = vector.broadcast %squeeze3A_86 : f32 to vector<16xf32>
        %mul3A_96 = arith.mulf %get3A_94, %mul3A_95 : vector<16xf32>
        %swap3A_97 = arith.index_cast %add3A_90 : i32 to index
        %swap3A_98 = arith.constant 0 : index
        %swap3A_99 = tpu.vector_load %arg10[%swap3A_97, %swap3A_98] {strides = array<i32>} : memref<80x64xf32, #tpu.memory_space<vmem>>, vector<1x16xf32>,
        %swap3A_100 = vector.shape_cast %swap3A_99 : vector<1x16xf32> to vector<16xf32>
        %swap3A_101 = vector.shape_cast %mul3A_96 : vector<16xf32> to vector<1x16xf32>
        tpu.vector_store %arg10[%swap3A_97, %swap3A_98], %swap3A_101 {strides = array<i32>} : memref<80x64xf32, #tpu.memory_space<vmem>>, vector<1x16xf32>,
        %get3A_102 = arith.index_cast %add3A_90 : i32 to index
        %get3A_103 = arith.constant 16 : index
        %get3A_104 = tpu.vector_load %arg10[%get3A_102, %get3A_103] {strides = array<i32>} : memref<80x64xf32, #tpu.memory_space<vmem>>, vector<1x16xf32>,
        %get3A_105 = vector.shape_cast %get3A_104 : vector<1x16xf32> to vector<16xf32>
        %mul3A_106 = vector.broadcast %squeeze3A_86 : f32 to vector<16xf32>
        %mul3A_107 = arith.mulf %get3A_105, %mul3A_106 : vector<16xf32>
        %swap3A_108 = arith.index_cast %add3A_90 : i32 to index
        %swap3A_109 = arith.constant 16 : index
        %swap3A_110 = tpu.vector_load %arg10[%swap3A_108, %swap3A_109] {strides = array<i32>} : memref<80x64xf32, #tpu.memory_space<vmem>>, vector<1x16xf32>,
        %swap3A_111 = vector.shape_cast %swap3A_110 : vector<1x16xf32> to vector<16xf32>
        %swap3A_112 = vector.shape_cast %mul3A_107 : vector<16xf32> to vector<1x16xf32>
        tpu.vector_store %arg10[%swap3A_108, %swap3A_109], %swap3A_112 {strides = array<i32>} : memref<80x64xf32, #tpu.memory_space<vmem>>, vector<1x16xf32>,
        %get3A_113 = arith.index_cast %add3A_90 : i32 to index
        %get3A_114 = arith.constant 32 : index
        %get3A_115 = tpu.vector_load %arg10[%get3A_113, %get3A_114] {strides = array<i32>} : memref<80x64xf32, #tpu.memory_space<vmem>>, vector<1x16xf32>,
        %get3A_116 = vector.shape_cast %get3A_115 : vector<1x16xf32> to vector<16xf32>
        %mul3A_117 = vector.broadcast %squeeze3A_86 : f32 to vector<16xf32>
        %mul3A_118 = arith.mulf %get3A_116, %mul3A_117 : vector<16xf32>
        %swap3A_119 = arith.index_cast %add3A_90 : i32 to index
        %swap3A_120 = arith.constant 32 : index
        %swap3A_121 = tpu.vector_load %arg10[%swap3A_119, %swap3A_120] {strides = array<i32>} : memref<80x64xf32, #tpu.memory_space<vmem>>, vector<1x16xf32>,
        %swap3A_122 = vector.shape_cast %swap3A_121 : vector<1x16xf32> to vector<16xf32>
        %swap3A_123 = vector.shape_cast %mul3A_118 : vector<16xf32> to vector<1x16xf32>
        tpu.vector_store %arg10[%swap3A_119, %swap3A_120], %swap3A_123 {strides = array<i32>} : memref<80x64xf32, #tpu.memory_space<vmem>>, vector<1x16xf32>,
        %get3A_124 = arith.index_cast %add3A_90 : i32 to index
        %get3A_125 = arith.constant 48 : index
        %get3A_126 = tpu.vector_load %arg10[%get3A_124, %get3A_125] {strides = array<i32>} : memref<80x64xf32, #tpu.memory_space<vmem>>, vector<1x16xf32>,
        %get3A_127 = vector.shape_cast %get3A_126 : vector<1x16xf32> to vector<16xf32>
        %mul3A_128 = vector.broadcast %squeeze3A_86 : f32 to vector<16xf32>
        %mul3A_129 = arith.mulf %get3A_127, %mul3A_128 : vector<16xf32>
        %swap3A_130 = arith.index_cast %add3A_90 : i32 to index
        %swap3A_131 = arith.constant 48 : index
        %swap3A_132 = tpu.vector_load %arg10[%swap3A_130, %swap3A_131] {strides = array<i32>} : memref<80x64xf32, #tpu.memory_space<vmem>>, vector<1x16xf32>,
        %swap3A_133 = vector.shape_cast %swap3A_132 : vector<1x16xf32> to vector<16xf32>
        %swap3A_134 = vector.shape_cast %mul3A_129 : vector<16xf32> to vector<1x16xf32>
        tpu.vector_store %arg10[%swap3A_130, %swap3A_131], %swap3A_134 {strides = array<i32>} : memref<80x64xf32, #tpu.memory_space<vmem>>, vector<1x16xf32>,
        %slice3A_135 = vector.extract_strided_slice %get3A_37 {offsets = [2], sizes = [1], strides = [1]} : vector<16xf32> to vector<1xf32>
        %squeeze3A_136 = vector.extract %slice3A_135[0] : f32 from vector<1xf32>
        %mul3A_137 = arith.constant 16 : i32
        %mul3A_138 = arith.muli %scan3A_32, %mul3A_137 : i32
        %add3A_139 = arith.constant 2 : i32
        %add3A_140 = arith.addi %mul3A_138, %add3A_139 : i32
        %get3A_141 = arith.index_cast %add3A_140 : i32 to index
        %get3A_142 = arith.constant 0 : index
        %get3A_143 = tpu.vector_load %arg10[%get3A_141, %get3A_142] {strides = array<i32>} : memref<80x64xf32, #tpu.memory_space<vmem>>, vector<1x16xf32>,
        %get3A_144 = vector.shape_cast %get3A_143 : vector<1x16xf32> to vector<16xf32>
        %mul3A_145 = vector.broadcast %squeeze3A_136 : f32 to vector<16xf32>
        %mul3A_146 = arith.mulf %get3A_144, %mul3A_145 : vector<16xf32>
        %swap3A_147 = arith.index_cast %add3A_140 : i32 to index
        %swap3A_148 = arith.constant 0 : index
        %swap3A_149 = tpu.vector_load %arg10[%swap3A_147, %swap3A_148] {strides = array<i32>} : memref<80x64xf32, #tpu.memory_space<vmem>>, vector<1x16xf32>,
        %swap3A_150 = vector.shape_cast %swap3A_149 : vector<1x16xf32> to vector<16xf32>
        %swap3A_151 = vector.shape_cast %mul3A_146 : vector<16xf32> to vector<1x16xf32>
        tpu.vector_store %arg10[%swap3A_147, %swap3A_148], %swap3A_151 {strides = array<i32>} : memref<80x64xf32, #tpu.memory_space<vmem>>, vector<1x16xf32>,
        %get3A_152 = arith.index_cast %add3A_140 : i32 to index
        %get3A_153 = arith.constant 16 : index
        %get3A_154 = tpu.vector_load %arg10[%get3A_152, %get3A_153] {strides = array<i32>} : memref<80x64xf32, #tpu.memory_space<vmem>>, vector<1x16xf32>,
        %get3A_155 = vector.shape_cast %get3A_154 : vector<1x16xf32> to vector<16xf32>
        %mul3A_156 = vector.broadcast %squeeze3A_136 : f32 to vector<16xf32>
        %mul3A_157 = arith.mulf %get3A_155, %mul3A_156 : vector<16xf32>
        %swap3A_158 = arith.index_cast %add3A_140 : i32 to index
        %swap3A_159 = arith.constant 16 : index
        %swap3A_160 = tpu.vector_load %arg10[%swap3A_158, %swap3A_159] {strides = array<i32>} : memref<80x64xf32, #tpu.memory_space<vmem>>, vector<1x16xf32>,
        %swap3A_161 = vector.shape_cast %swap3A_160 : vector<1x16xf32> to vector<16xf32>
        %swap3A_162 = vector.shape_cast %mul3A_157 : vector<16xf32> to vector<1x16xf32>
        tpu.vector_store %arg10[%swap3A_158, %swap3A_159], %swap3A_162 {strides = array<i32>} : memref<80x64xf32, #tpu.memory_space<vmem>>, vector<1x16xf32>,
        %get3A_163 = arith.index_cast %add3A_140 : i32 to index
        %get3A_164 = arith.constant 32 : index
        %get3A_165 = tpu.vector_load %arg10[%get3A_163, %get3A_164] {strides = array<i32>} : memref<80x64xf32, #tpu.memory_space<vmem>>, vector<1x16xf32>,
        %get3A_166 = vector.shape_cast %get3A_165 : vector<1x16xf32> to vector<16xf32>
        %mul3A_167 = vector.broadcast %squeeze3A_136 : f32 to vector<16xf32>
        %mul3A_168 = arith.mulf %get3A_166, %mul3A_167 : vector<16xf32>
        %swap3A_169 = arith.index_cast %add3A_140 : i32 to index
        %swap3A_170 = arith.constant 32 : index
        %swap3A_171 = tpu.vector_load %arg10[%swap3A_169, %swap3A_170] {strides = array<i32>} : memref<80x64xf32, #tpu.memory_space<vmem>>, vector<1x16xf32>,
        %swap3A_172 = vector.shape_cast %swap3A_171 : vector<1x16xf32> to vector<16xf32>
        %swap3A_173 = vector.shape_cast %mul3A_168 : vector<16xf32> to vector<1x16xf32>
        tpu.vector_store %arg10[%swap3A_169, %swap3A_170], %swap3A_173 {strides = array<i32>} : memref<80x64xf32, #tpu.memory_space<vmem>>, vector<1x16xf32>,
        %get3A_174 = arith.index_cast %add3A_140 : i32 to index
        %get3A_175 = arith.constant 48 : index
        %get3A_176 = tpu.vector_load %arg10[%get3A_174, %get3A_175] {strides = array<i32>} : memref<80x64xf32, #tpu.memory_space<vmem>>, vector<1x16xf32>,
        %get3A_177 = vector.shape_cast %get3A_176 : vector<1x16xf32> to vector<16xf32>
        %mul3A_178 = vector.broadcast %squeeze3A_136 : f32 to vector<16xf32>
        %mul3A_179 = arith.mulf %get3A_177, %mul3A_178 : vector<16xf32>
        %swap3A_180 = arith.index_cast %add3A_140 : i32 to index
        %swap3A_181 = arith.constant 48 : index
        %swap3A_182 = tpu.vector_load %arg10[%swap3A_180, %swap3A_181] {strides = array<i32>} : memref<80x64xf32, #tpu.memory_space<vmem>>, vector<1x16xf32>,
        %swap3A_183 = vector.shape_cast %swap3A_182 : vector<1x16xf32> to vector<16xf32>
        %swap3A_184 = vector.shape_cast %mul3A_179 : vector<16xf32> to vector<1x16xf32>
        tpu.vector_store %arg10[%swap3A_180, %swap3A_181], %swap3A_184 {strides = array<i32>} : memref<80x64xf32, #tpu.memory_space<vmem>>, vector<1x16xf32>,
        %slice3A_185 = vector.extract_strided_slice %get3A_37 {offsets = [3], sizes = [1], strides = [1]} : vector<16xf32> to vector<1xf32>
        %squeeze3A_186 = vector.extract %slice3A_185[0] : f32 from vector<1xf32>
        %mul3A_187 = arith.constant 16 : i32
        %mul3A_188 = arith.muli %scan3A_32, %mul3A_187 : i32
        %add3A_189 = arith.constant 3 : i32
        %add3A_190 = arith.addi %mul3A_188, %add3A_189 : i32
        %get3A_191 = arith.index_cast %add3A_190 : i32 to index
        %get3A_192 = arith.constant 0 : index
        %get3A_193 = tpu.vector_load %arg10[%get3A_191, %get3A_192] {strides = array<i32>} : memref<80x64xf32, #tpu.memory_space<vmem>>, vector<1x16xf32>,
        %get3A_194 = vector.shape_cast %get3A_193 : vector<1x16xf32> to vector<16xf32>
        %mul3A_195 = vector.broadcast %squeeze3A_186 : f32 to vector<16xf32>
        %mul3A_196 = arith.mulf %get3A_194, %mul3A_195 : vector<16xf32>
        %swap3A_197 = arith.index_cast %add3A_190 : i32 to index
        %swap3A_198 = arith.constant 0 : index
        %swap3A_199 = tpu.vector_load %arg10[%swap3A_197, %swap3A_198] {strides = array<i32>} : memref<80x64xf32, #tpu.memory_space<vmem>>, vector<1x16xf32>,
        %swap3A_200 = vector.shape_cast %swap3A_199 : vector<1x16xf32> to vector<16xf32>
        %swap3A_201 = vector.shape_cast %mul3A_196 : vector<16xf32> to vector<1x16xf32>
        tpu.vector_store %arg10[%swap3A_197, %swap3A_198], %swap3A_201 {strides = array<i32>} : memref<80x64xf32, #tpu.memory_space<vmem>>, vector<1x16xf32>,
        %get3A_202 = arith.index_cast %add3A_190 : i32 to index
        %get3A_203 = arith.constant 16 : index
        %get3A_204 = tpu.vector_load %arg10[%get3A_202, %get3A_203] {strides = array<i32>} : memref<80x64xf32, #tpu.memory_space<vmem>>, vector<1x16xf32>,
        %get3A_205 = vector.shape_cast %get3A_204 : vector<1x16xf32> to vector<16xf32>
        %mul3A_206 = vector.broadcast %squeeze3A_186 : f32 to vector<16xf32>
        %mul3A_207 = arith.mulf %get3A_205, %mul3A_206 : vector<16xf32>
        %swap3A_208 = arith.index_cast %add3A_190 : i32 to index
        %swap3A_209 = arith.constant 16 : index
        %swap3A_210 = tpu.vector_load %arg10[%swap3A_208, %swap3A_209] {strides = array<i32>} : memref<80x64xf32, #tpu.memory_space<vmem>>, vector<1x16xf32>,
        %swap3A_211 = vector.shape_cast %swap3A_210 : vector<1x16xf32> to vector<16xf32>
        %swap3A_212 = vector.shape_cast %mul3A_207 : vector<16xf32> to vector<1x16xf32>
        tpu.vector_store %arg10[%swap3A_208, %swap3A_209], %swap3A_212 {strides = array<i32>} : memref<80x64xf32, #tpu.memory_space<vmem>>, vector<1x16xf32>,
        %get3A_213 = arith.index_cast %add3A_190 : i32 to index
        %get3A_214 = arith.constant 32 : index
        %get3A_215 = tpu.vector_load %arg10[%get3A_213, %get3A_214] {strides = array<i32>} : memref<80x64xf32, #tpu.memory_space<vmem>>, vector<1x16xf32>,
        %get3A_216 = vector.shape_cast %get3A_215 : vector<1x16xf32> to vector<16xf32>
        %mul3A_217 = vector.broadcast %squeeze3A_186 : f32 to vector<16xf32>
        %mul3A_218 = arith.mulf %get3A_216, %mul3A_217 : vector<16xf32>
        %swap3A_219 = arith.index_cast %add3A_190 : i32 to index
        %swap3A_220 = arith.constant 32 : index
        %swap3A_221 = tpu.vector_load %arg10[%swap3A_219, %swap3A_220] {strides = array<i32>} : memref<80x64xf32, #tpu.memory_space<vmem>>, vector<1x16xf32>,
        %swap3A_222 = vector.shape_cast %swap3A_221 : vector<1x16xf32> to vector<16xf32>
        %swap3A_223 = vector.shape_cast %mul3A_218 : vector<16xf32> to vector<1x16xf32>
        tpu.vector_store %arg10[%swap3A_219, %swap3A_220], %swap3A_223 {strides = array<i32>} : memref<80x64xf32, #tpu.memory_space<vmem>>, vector<1x16xf32>,
        %get3A_224 = arith.index_cast %add3A_190 : i32 to index
        %get3A_225 = arith.constant 48 : index
        %get3A_226 = tpu.vector_load %arg10[%get3A_224, %get3A_225] {strides = array<i32>} : memref<80x64xf32, #tpu.memory_space<vmem>>, vector<1x16xf32>,
        %get3A_227 = vector.shape_cast %get3A_226 : vector<1x16xf32> to vector<16xf32>
        %mul3A_228 = vector.broadcast %squeeze3A_186 : f32 to vector<16xf32>
        %mul3A_229 = arith.mulf %get3A_227, %mul3A_228 : vector<16xf32>
        %swap3A_230 = arith.index_cast %add3A_190 : i32 to index
        %swap3A_231 = arith.constant 48 : index
        %swap3A_232 = tpu.vector_load %arg10[%swap3A_230, %swap3A_231] {strides = array<i32>} : memref<80x64xf32, #tpu.memory_space<vmem>>, vector<1x16xf32>,
        %swap3A_233 = vector.shape_cast %swap3A_232 : vector<1x16xf32> to vector<16xf32>
        %swap3A_234 = vector.shape_cast %mul3A_229 : vector<16xf32> to vector<1x16xf32>
        tpu.vector_store %arg10[%swap3A_230, %swap3A_231], %swap3A_234 {strides = array<i32>} : memref<80x64xf32, #tpu.memory_space<vmem>>, vector<1x16xf32>,
        %slice3A_235 = vector.extract_strided_slice %get3A_37 {offsets = [4], sizes = [1], strides = [1]} : vector<16xf32> to vector<1xf32>
        %squeeze3A_236 = vector.extract %slice3A_235[0] : f32 from vector<1xf32>
        %mul3A_237 = arith.constant 16 : i32
        %mul3A_238 = arith.muli %scan3A_32, %mul3A_237 : i32
        %add3A_239 = arith.constant 4 : i32
        %add3A_240 = arith.addi %mul3A_238, %add3A_239 : i32
        %get3A_241 = arith.index_cast %add3A_240 : i32 to index
        %get3A_242 = arith.constant 0 : index
        %get3A_243 = tpu.vector_load %arg10[%get3A_241, %get3A_242] {strides = array<i32>} : memref<80x64xf32, #tpu.memory_space<vmem>>, vector<1x16xf32>,
        %get3A_244 = vector.shape_cast %get3A_243 : vector<1x16xf32> to vector<16xf32>
        %mul3A_245 = vector.broadcast %squeeze3A_236 : f32 to vector<16xf32>
        %mul3A_246 = arith.mulf %get3A_244, %mul3A_245 : vector<16xf32>
        %swap3A_247 = arith.index_cast %add3A_240 : i32 to index
        %swap3A_248 = arith.constant 0 : index
        %swap3A_249 = tpu.vector_load %arg10[%swap3A_247, %swap3A_248] {strides = array<i32>} : memref<80x64xf32, #tpu.memory_space<vmem>>, vector<1x16xf32>,
        %swap3A_250 = vector.shape_cast %swap3A_249 : vector<1x16xf32> to vector<16xf32>
        %swap3A_251 = vector.shape_cast %mul3A_246 : vector<16xf32> to vector<1x16xf32>
        tpu.vector_store %arg10[%swap3A_247, %swap3A_248], %swap3A_251 {strides = array<i32>} : memref<80x64xf32, #tpu.memory_space<vmem>>, vector<1x16xf32>,
        %get3A_252 = arith.index_cast %add3A_240 : i32 to index
        %get3A_253 = arith.constant 16 : index
        %get3A_254 = tpu.vector_load %arg10[%get3A_252, %get3A_253] {strides = array<i32>} : memref<80x64xf32, #tpu.memory_space<vmem>>, vector<1x16xf32>,
        %get3A_255 = vector.shape_cast %get3A_254 : vector<1x16xf32> to vector<16xf32>
        %mul3A_256 = vector.broadcast %squeeze3A_236 : f32 to vector<16xf32>
        %mul3A_257 = arith.mulf %get3A_255, %mul3A_256 : vector<16xf32>
        %swap3A_258 = arith.index_cast %add3A_240 : i32 to index
        %swap3A_259 = arith.constant 16 : index
        %swap3A_260 = tpu.vector_load %arg10[%swap3A_258, %swap3A_259] {strides = array<i32>} : memref<80x64xf32, #tpu.memory_space<vmem>>, vector<1x16xf32>,
        %swap3A_261 = vector.shape_cast %swap3A_260 : vector<1x16xf32> to vector<16xf32>
        %swap3A_262 = vector.shape_cast %mul3A_257 : vector<16xf32> to vector<1x16xf32>
        tpu.vector_store %arg10[%swap3A_258, %swap3A_259], %swap3A_262 {strides = array<i32>} : memref<80x64xf32, #tpu.memory_space<vmem>>, vector<1x16xf32>,
        %get3A_263 = arith.index_cast %add3A_240 : i32 to index
        %get3A_264 = arith.constant 32 : index
        %get3A_265 = tpu.vector_load %arg10[%get3A_263, %get3A_264] {strides = array<i32>} : memref<80x64xf32, #tpu.memory_space<vmem>>, vector<1x16xf32>,
        %get3A_266 = vector.shape_cast %get3A_265 : vector<1x16xf32> to vector<16xf32>
        %mul3A_267 = vector.broadcast %squeeze3A_236 : f32 to vector<16xf32>
        %mul3A_268 = arith.mulf %get3A_266, %mul3A_267 : vector<16xf32>
        %swap3A_269 = arith.index_cast %add3A_240 : i32 to index
        %swap3A_270 = arith.constant 32 : index
        %swap3A_271 = tpu.vector_load %arg10[%swap3A_269, %swap3A_270] {strides = array<i32>} : memref<80x64xf32, #tpu.memory_space<vmem>>, vector<1x16xf32>,
        %swap3A_272 = vector.shape_cast %swap3A_271 : vector<1x16xf32> to vector<16xf32>
        %swap3A_273 = vector.shape_cast %mul3A_268 : vector<16xf32> to vector<1x16xf32>
        tpu.vector_store %arg10[%swap3A_269, %swap3A_270], %swap3A_273 {strides = array<i32>} : memref<80x64xf32, #tpu.memory_space<vmem>>, vector<1x16xf32>,
        %get3A_274 = arith.index_cast %add3A_240 : i32 to index
        %get3A_275 = arith.constant 48 : index
        %get3A_276 = tpu.vector_load %arg10[%get3A_274, %get3A_275] {strides = array<i32>} : memref<80x64xf32, #tpu.memory_space<vmem>>, vector<1x16xf32>,
        %get3A_277 = vector.shape_cast %get3A_276 : vector<1x16xf32> to vector<16xf32>
        %mul3A_278 = vector.broadcast %squeeze3A_236 : f32 to vector<16xf32>
        %mul3A_279 = arith.mulf %get3A_277, %mul3A_278 : vector<16xf32>
        %swap3A_280 = arith.index_cast %add3A_240 : i32 to index
        %swap3A_281 = arith.constant 48 : index
        %swap3A_282 = tpu.vector_load %arg10[%swap3A_280, %swap3A_281] {strides = array<i32>} : memref<80x64xf32, #tpu.memory_space<vmem>>, vector<1x16xf32>,
        %swap3A_283 = vector.shape_cast %swap3A_282 : vector<1x16xf32> to vector<16xf32>
        %swap3A_284 = vector.shape_cast %mul3A_279 : vector<16xf32> to vector<1x16xf32>
        tpu.vector_store %arg10[%swap3A_280, %swap3A_281], %swap3A_284 {strides = array<i32>} : memref<80x64xf32, #tpu.memory_space<vmem>>, vector<1x16xf32>,
        %slice3A_285 = vector.extract_strided_slice %get3A_37 {offsets = [5], sizes = [1], strides = [1]} : vector<16xf32> to vector<1xf32>
        %squeeze3A_286 = vector.extract %slice3A_285[0] : f32 from vector<1xf32>
        %mul3A_287 = arith.constant 16 : i32
        %mul3A_288 = arith.muli %scan3A_32, %mul3A_287 : i32
        %add3A_289 = arith.constant 5 : i32
        %add3A_290 = arith.addi %mul3A_288, %add3A_289 : i32
        %get3A_291 = arith.index_cast %add3A_290 : i32 to index
        %get3A_292 = arith.constant 0 : index
        %get3A_293 = tpu.vector_load %arg10[%get3A_291, %get3A_292] {strides = array<i32>} : memref<80x64xf32, #tpu.memory_space<vmem>>, vector<1x16xf32>,
        %get3A_294 = vector.shape_cast %get3A_293 : vector<1x16xf32> to vector<16xf32>
        %mul3A_295 = vector.broadcast %squeeze3A_286 : f32 to vector<16xf32>
        %mul3A_296 = arith.mulf %get3A_294, %mul3A_295 : vector<16xf32>
        %swap3A_297 = arith.index_cast %add3A_290 : i32 to index
        %swap3A_298 = arith.constant 0 : index
        %swap3A_299 = tpu.vector_load %arg10[%swap3A_297, %swap3A_298] {strides = array<i32>} : memref<80x64xf32, #tpu.memory_space<vmem>>, vector<1x16xf32>,
        %swap3A_300 = vector.shape_cast %swap3A_299 : vector<1x16xf32> to vector<16xf32>
        %swap3A_301 = vector.shape_cast %mul3A_296 : vector<16xf32> to vector<1x16xf32>
        tpu.vector_store %arg10[%swap3A_297, %swap3A_298], %swap3A_301 {strides = array<i32>} : memref<80x64xf32, #tpu.memory_space<vmem>>, vector<1x16xf32>,
        %get3A_302 = arith.index_cast %add3A_290 : i32 to index
        %get3A_303 = arith.constant 16 : index
        %get3A_304 = tpu.vector_load %arg10[%get3A_302, %get3A_303] {strides = array<i32>} : memref<80x64xf32, #tpu.memory_space<vmem>>, vector<1x16xf32>,
        %get3A_305 = vector.shape_cast %get3A_304 : vector<1x16xf32> to vector<16xf32>
        %mul3A_306 = vector.broadcast %squeeze3A_286 : f32 to vector<16xf32>
        %mul3A_307 = arith.mulf %get3A_305, %mul3A_306 : vector<16xf32>
        %swap3A_308 = arith.index_cast %add3A_290 : i32 to index
        %swap3A_309 = arith.constant 16 : index
        %swap3A_310 = tpu.vector_load %arg10[%swap3A_308, %swap3A_309] {strides = array<i32>} : memref<80x64xf32, #tpu.memory_space<vmem>>, vector<1x16xf32>,
        %swap3A_311 = vector.shape_cast %swap3A_310 : vector<1x16xf32> to vector<16xf32>
        %swap3A_312 = vector.shape_cast %mul3A_307 : vector<16xf32> to vector<1x16xf32>
        tpu.vector_store %arg10[%swap3A_308, %swap3A_309], %swap3A_312 {strides = array<i32>} : memref<80x64xf32, #tpu.memory_space<vmem>>, vector<1x16xf32>,
        %get3A_313 = arith.index_cast %add3A_290 : i32 to index
        %get3A_314 = arith.constant 32 : index
        %get3A_315 = tpu.vector_load %arg10[%get3A_313, %get3A_314] {strides = array<i32>} : memref<80x64xf32, #tpu.memory_space<vmem>>, vector<1x16xf32>,
        %get3A_316 = vector.shape_cast %get3A_315 : vector<1x16xf32> to vector<16xf32>
        %mul3A_317 = vector.broadcast %squeeze3A_286 : f32 to vector<16xf32>
        %mul3A_318 = arith.mulf %get3A_316, %mul3A_317 : vector<16xf32>
        %swap3A_319 = arith.index_cast %add3A_290 : i32 to index
        %swap3A_320 = arith.constant 32 : index
        %swap3A_321 = tpu.vector_load %arg10[%swap3A_319, %swap3A_320] {strides = array<i32>} : memref<80x64xf32, #tpu.memory_space<vmem>>, vector<1x16xf32>,
        %swap3A_322 = vector.shape_cast %swap3A_321 : vector<1x16xf32> to vector<16xf32>
        %swap3A_323 = vector.shape_cast %mul3A_318 : vector<16xf32> to vector<1x16xf32>
        tpu.vector_store %arg10[%swap3A_319, %swap3A_320], %swap3A_323 {strides = array<i32>} : memref<80x64xf32, #tpu.memory_space<vmem>>, vector<1x16xf32>,
        %get3A_324 = arith.index_cast %add3A_290 : i32 to index
        %get3A_325 = arith.constant 48 : index
        %get3A_326 = tpu.vector_load %arg10[%get3A_324, %get3A_325] {strides = array<i32>} : memref<80x64xf32, #tpu.memory_space<vmem>>, vector<1x16xf32>,
        %get3A_327 = vector.shape_cast %get3A_326 : vector<1x16xf32> to vector<16xf32>
        %mul3A_328 = vector.broadcast %squeeze3A_286 : f32 to vector<16xf32>
        %mul3A_329 = arith.mulf %get3A_327, %mul3A_328 : vector<16xf32>
        %swap3A_330 = arith.index_cast %add3A_290 : i32 to index
        %swap3A_331 = arith.constant 48 : index
        %swap3A_332 = tpu.vector_load %arg10[%swap3A_330, %swap3A_331] {strides = array<i32>} : memref<80x64xf32, #tpu.memory_space<vmem>>, vector<1x16xf32>,
        %swap3A_333 = vector.shape_cast %swap3A_332 : vector<1x16xf32> to vector<16xf32>
        %swap3A_334 = vector.shape_cast %mul3A_329 : vector<16xf32> to vector<1x16xf32>
        tpu.vector_store %arg10[%swap3A_330, %swap3A_331], %swap3A_334 {strides = array<i32>} : memref<80x64xf32, #tpu.memory_space<vmem>>, vector<1x16xf32>,
        %slice3A_335 = vector.extract_strided_slice %get3A_37 {offsets = [6], sizes = [1], strides = [1]} : vector<16xf32> to vector<1xf32>
        %squeeze3A_336 = vector.extract %slice3A_335[0] : f32 from vector<1xf32>
        %mul3A_337 = arith.constant 16 : i32
        %mul3A_338 = arith.muli %scan3A_32, %mul3A_337 : i32
        %add3A_339 = arith.constant 6 : i32
        %add3A_340 = arith.addi %mul3A_338, %add3A_339 : i32
        %get3A_341 = arith.index_cast %add3A_340 : i32 to index
        %get3A_342 = arith.constant 0 : index
        %get3A_343 = tpu.vector_load %arg10[%get3A_341, %get3A_342] {strides = array<i32>} : memref<80x64xf32, #tpu.memory_space<vmem>>, vector<1x16xf32>,
        %get3A_344 = vector.shape_cast %get3A_343 : vector<1x16xf32> to vector<16xf32>
        %mul3A_345 = vector.broadcast %squeeze3A_336 : f32 to vector<16xf32>
        %mul3A_346 = arith.mulf %get3A_344, %mul3A_345 : vector<16xf32>
        %swap3A_347 = arith.index_cast %add3A_340 : i32 to index
        %swap3A_348 = arith.constant 0 : index
        %swap3A_349 = tpu.vector_load %arg10[%swap3A_347, %swap3A_348] {strides = array<i32>} : memref<80x64xf32, #tpu.memory_space<vmem>>, vector<1x16xf32>,
        %swap3A_350 = vector.shape_cast %swap3A_349 : vector<1x16xf32> to vector<16xf32>
        %swap3A_351 = vector.shape_cast %mul3A_346 : vector<16xf32> to vector<1x16xf32>
        tpu.vector_store %arg10[%swap3A_347, %swap3A_348], %swap3A_351 {strides = array<i32>} : memref<80x64xf32, #tpu.memory_space<vmem>>, vector<1x16xf32>,
        %get3A_352 = arith.index_cast %add3A_340 : i32 to index
        %get3A_353 = arith.constant 16 : index
        %get3A_354 = tpu.vector_load %arg10[%get3A_352, %get3A_353] {strides = array<i32>} : memref<80x64xf32, #tpu.memory_space<vmem>>, vector<1x16xf32>,
        %get3A_355 = vector.shape_cast %get3A_354 : vector<1x16xf32> to vector<16xf32>
        %mul3A_356 = vector.broadcast %squeeze3A_336 : f32 to vector<16xf32>
        %mul3A_357 = arith.mulf %get3A_355, %mul3A_356 : vector<16xf32>
        %swap3A_358 = arith.index_cast %add3A_340 : i32 to index
        %swap3A_359 = arith.constant 16 : index
        %swap3A_360 = tpu.vector_load %arg10[%swap3A_358, %swap3A_359] {strides = array<i32>} : memref<80x64xf32, #tpu.memory_space<vmem>>, vector<1x16xf32>,
        %swap3A_361 = vector.shape_cast %swap3A_360 : vector<1x16xf32> to vector<16xf32>
        %swap3A_362 = vector.shape_cast %mul3A_357 : vector<16xf32> to vector<1x16xf32>
        tpu.vector_store %arg10[%swap3A_358, %swap3A_359], %swap3A_362 {strides = array<i32>} : memref<80x64xf32, #tpu.memory_space<vmem>>, vector<1x16xf32>,
        %get3A_363 = arith.index_cast %add3A_340 : i32 to index
        %get3A_364 = arith.constant 32 : index
        %get3A_365 = tpu.vector_load %arg10[%get3A_363, %get3A_364] {strides = array<i32>} : memref<80x64xf32, #tpu.memory_space<vmem>>, vector<1x16xf32>,
        %get3A_366 = vector.shape_cast %get3A_365 : vector<1x16xf32> to vector<16xf32>
        %mul3A_367 = vector.broadcast %squeeze3A_336 : f32 to vector<16xf32>
        %mul3A_368 = arith.mulf %get3A_366, %mul3A_367 : vector<16xf32>
        %swap3A_369 = arith.index_cast %add3A_340 : i32 to index
        %swap3A_370 = arith.constant 32 : index
        %swap3A_371 = tpu.vector_load %arg10[%swap3A_369, %swap3A_370] {strides = array<i32>} : memref<80x64xf32, #tpu.memory_space<vmem>>, vector<1x16xf32>,
        %swap3A_372 = vector.shape_cast %swap3A_371 : vector<1x16xf32> to vector<16xf32>
        %swap3A_373 = vector.shape_cast %mul3A_368 : vector<16xf32> to vector<1x16xf32>
        tpu.vector_store %arg10[%swap3A_369, %swap3A_370], %swap3A_373 {strides = array<i32>} : memref<80x64xf32, #tpu.memory_space<vmem>>, vector<1x16xf32>,
        %get3A_374 = arith.index_cast %add3A_340 : i32 to index
        %get3A_375 = arith.constant 48 : index
        %get3A_376 = tpu.vector_load %arg10[%get3A_374, %get3A_375] {strides = array<i32>} : memref<80x64xf32, #tpu.memory_space<vmem>>, vector<1x16xf32>,
        %get3A_377 = vector.shape_cast %get3A_376 : vector<1x16xf32> to vector<16xf32>
        %mul3A_378 = vector.broadcast %squeeze3A_336 : f32 to vector<16xf32>
        %mul3A_379 = arith.mulf %get3A_377, %mul3A_378 : vector<16xf32>
        %swap3A_380 = arith.index_cast %add3A_340 : i32 to index
        %swap3A_381 = arith.constant 48 : index
        %swap3A_382 = tpu.vector_load %arg10[%swap3A_380, %swap3A_381] {strides = array<i32>} : memref<80x64xf32, #tpu.memory_space<vmem>>, vector<1x16xf32>,
        %swap3A_383 = vector.shape_cast %swap3A_382 : vector<1x16xf32> to vector<16xf32>
        %swap3A_384 = vector.shape_cast %mul3A_379 : vector<16xf32> to vector<1x16xf32>
        tpu.vector_store %arg10[%swap3A_380, %swap3A_381], %swap3A_384 {strides = array<i32>} : memref<80x64xf32, #tpu.memory_space<vmem>>, vector<1x16xf32>,
        %slice3A_385 = vector.extract_strided_slice %get3A_37 {offsets = [7], sizes = [1], strides = [1]} : vector<16xf32> to vector<1xf32>
        %squeeze3A_386 = vector.extract %slice3A_385[0] : f32 from vector<1xf32>
        %mul3A_387 = arith.constant 16 : i32
        %mul3A_388 = arith.muli %scan3A_32, %mul3A_387 : i32
        %add3A_389 = arith.constant 7 : i32
        %add3A_390 = arith.addi %mul3A_388, %add3A_389 : i32
        %get3A_391 = arith.index_cast %add3A_390 : i32 to index
        %get3A_392 = arith.constant 0 : index
        %get3A_393 = tpu.vector_load %arg10[%get3A_391, %get3A_392] {strides = array<i32>} : memref<80x64xf32, #tpu.memory_space<vmem>>, vector<1x16xf32>,
        %get3A_394 = vector.shape_cast %get3A_393 : vector<1x16xf32> to vector<16xf32>
        %mul3A_395 = vector.broadcast %squeeze3A_386 : f32 to vector<16xf32>
        %mul3A_396 = arith.mulf %get3A_394, %mul3A_395 : vector<16xf32>
        %swap3A_397 = arith.index_cast %add3A_390 : i32 to index
        %swap3A_398 = arith.constant 0 : index
        %swap3A_399 = tpu.vector_load %arg10[%swap3A_397, %swap3A_398] {strides = array<i32>} : memref<80x64xf32, #tpu.memory_space<vmem>>, vector<1x16xf32>,
        %swap3A_400 = vector.shape_cast %swap3A_399 : vector<1x16xf32> to vector<16xf32>
        %swap3A_401 = vector.shape_cast %mul3A_396 : vector<16xf32> to vector<1x16xf32>
        tpu.vector_store %arg10[%swap3A_397, %swap3A_398], %swap3A_401 {strides = array<i32>} : memref<80x64xf32, #tpu.memory_space<vmem>>, vector<1x16xf32>,
        %get3A_402 = arith.index_cast %add3A_390 : i32 to index
        %get3A_403 = arith.constant 16 : index
        %get3A_404 = tpu.vector_load %arg10[%get3A_402, %get3A_403] {strides = array<i32>} : memref<80x64xf32, #tpu.memory_space<vmem>>, vector<1x16xf32>,
        %get3A_405 = vector.shape_cast %get3A_404 : vector<1x16xf32> to vector<16xf32>
        %mul3A_406 = vector.broadcast %squeeze3A_386 : f32 to vector<16xf32>
        %mul3A_407 = arith.mulf %get3A_405, %mul3A_406 : vector<16xf32>
        %swap3A_408 = arith.index_cast %add3A_390 : i32 to index
        %swap3A_409 = arith.constant 16 : index
        %swap3A_410 = tpu.vector_load %arg10[%swap3A_408, %swap3A_409] {strides = array<i32>} : memref<80x64xf32, #tpu.memory_space<vmem>>, vector<1x16xf32>,
        %swap3A_411 = vector.shape_cast %swap3A_410 : vector<1x16xf32> to vector<16xf32>
        %swap3A_412 = vector.shape_cast %mul3A_407 : vector<16xf32> to vector<1x16xf32>
        tpu.vector_store %arg10[%swap3A_408, %swap3A_409], %swap3A_412 {strides = array<i32>} : memref<80x64xf32, #tpu.memory_space<vmem>>, vector<1x16xf32>,
        %get3A_413 = arith.index_cast %add3A_390 : i32 to index
        %get3A_414 = arith.constant 32 : index
        %get3A_415 = tpu.vector_load %arg10[%get3A_413, %get3A_414] {strides = array<i32>} : memref<80x64xf32, #tpu.memory_space<vmem>>, vector<1x16xf32>,
        %get3A_416 = vector.shape_cast %get3A_415 : vector<1x16xf32> to vector<16xf32>
        %mul3A_417 = vector.broadcast %squeeze3A_386 : f32 to vector<16xf32>
        %mul3A_418 = arith.mulf %get3A_416, %mul3A_417 : vector<16xf32>
        %swap3A_419 = arith.index_cast %add3A_390 : i32 to index
        %swap3A_420 = arith.constant 32 : index
        %swap3A_421 = tpu.vector_load %arg10[%swap3A_419, %swap3A_420] {strides = array<i32>} : memref<80x64xf32, #tpu.memory_space<vmem>>, vector<1x16xf32>,
        %swap3A_422 = vector.shape_cast %swap3A_421 : vector<1x16xf32> to vector<16xf32>
        %swap3A_423 = vector.shape_cast %mul3A_418 : vector<16xf32> to vector<1x16xf32>
        tpu.vector_store %arg10[%swap3A_419, %swap3A_420], %swap3A_423 {strides = array<i32>} : memref<80x64xf32, #tpu.memory_space<vmem>>, vector<1x16xf32>,
        %get3A_424 = arith.index_cast %add3A_390 : i32 to index
        %get3A_425 = arith.constant 48 : index
        %get3A_426 = tpu.vector_load %arg10[%get3A_424, %get3A_425] {strides = array<i32>} : memref<80x64xf32, #tpu.memory_space<vmem>>, vector<1x16xf32>,
        %get3A_427 = vector.shape_cast %get3A_426 : vector<1x16xf32> to vector<16xf32>
        %mul3A_428 = vector.broadcast %squeeze3A_386 : f32 to vector<16xf32>
        %mul3A_429 = arith.mulf %get3A_427, %mul3A_428 : vector<16xf32>
        %swap3A_430 = arith.index_cast %add3A_390 : i32 to index
        %swap3A_431 = arith.constant 48 : index
        %swap3A_432 = tpu.vector_load %arg10[%swap3A_430, %swap3A_431] {strides = array<i32>} : memref<80x64xf32, #tpu.memory_space<vmem>>, vector<1x16xf32>,
        %swap3A_433 = vector.shape_cast %swap3A_432 : vector<1x16xf32> to vector<16xf32>
        %swap3A_434 = vector.shape_cast %mul3A_429 : vector<16xf32> to vector<1x16xf32>
        tpu.vector_store %arg10[%swap3A_430, %swap3A_431], %swap3A_434 {strides = array<i32>} : memref<80x64xf32, #tpu.memory_space<vmem>>, vector<1x16xf32>,
        %slice3A_435 = vector.extract_strided_slice %get3A_37 {offsets = [8], sizes = [1], strides = [1]} : vector<16xf32> to vector<1xf32>
        %squeeze3A_436 = vector.extract %slice3A_435[0] : f32 from vector<1xf32>
        %mul3A_437 = arith.constant 16 : i32
        %mul3A_438 = arith.muli %scan3A_32, %mul3A_437 : i32
        %add3A_439 = arith.constant 8 : i32
        %add3A_440 = arith.addi %mul3A_438, %add3A_439 : i32
        %get3A_441 = arith.index_cast %add3A_440 : i32 to index
        %get3A_442 = arith.constant 0 : index
        %get3A_443 = tpu.vector_load %arg10[%get3A_441, %get3A_442] {strides = array<i32>} : memref<80x64xf32, #tpu.memory_space<vmem>>, vector<1x16xf32>,
        %get3A_444 = vector.shape_cast %get3A_443 : vector<1x16xf32> to vector<16xf32>
        %mul3A_445 = vector.broadcast %squeeze3A_436 : f32 to vector<16xf32>
        %mul3A_446 = arith.mulf %get3A_444, %mul3A_445 : vector<16xf32>
        %swap3A_447 = arith.index_cast %add3A_440 : i32 to index
        %swap3A_448 = arith.constant 0 : index
        %swap3A_449 = tpu.vector_load %arg10[%swap3A_447, %swap3A_448] {strides = array<i32>} : memref<80x64xf32, #tpu.memory_space<vmem>>, vector<1x16xf32>,
        %swap3A_450 = vector.shape_cast %swap3A_449 : vector<1x16xf32> to vector<16xf32>
        %swap3A_451 = vector.shape_cast %mul3A_446 : vector<16xf32> to vector<1x16xf32>
        tpu.vector_store %arg10[%swap3A_447, %swap3A_448], %swap3A_451 {strides = array<i32>} : memref<80x64xf32, #tpu.memory_space<vmem>>, vector<1x16xf32>,
        %get3A_452 = arith.index_cast %add3A_440 : i32 to index
        %get3A_453 = arith.constant 16 : index
        %get3A_454 = tpu.vector_load %arg10[%get3A_452, %get3A_453] {strides = array<i32>} : memref<80x64xf32, #tpu.memory_space<vmem>>, vector<1x16xf32>,
        %get3A_455 = vector.shape_cast %get3A_454 : vector<1x16xf32> to vector<16xf32>
        %mul3A_456 = vector.broadcast %squeeze3A_436 : f32 to vector<16xf32>
        %mul3A_457 = arith.mulf %get3A_455, %mul3A_456 : vector<16xf32>
        %swap3A_458 = arith.index_cast %add3A_440 : i32 to index
        %swap3A_459 = arith.constant 16 : index
        %swap3A_460 = tpu.vector_load %arg10[%swap3A_458, %swap3A_459] {strides = array<i32>} : memref<80x64xf32, #tpu.memory_space<vmem>>, vector<1x16xf32>,
        %swap3A_461 = vector.shape_cast %swap3A_460 : vector<1x16xf32> to vector<16xf32>
        %swap3A_462 = vector.shape_cast %mul3A_457 : vector<16xf32> to vector<1x16xf32>
        tpu.vector_store %arg10[%swap3A_458, %swap3A_459], %swap3A_462 {strides = array<i32>} : memref<80x64xf32, #tpu.memory_space<vmem>>, vector<1x16xf32>,
        %get3A_463 = arith.index_cast %add3A_440 : i32 to index
        %get3A_464 = arith.constant 32 : index
        %get3A_465 = tpu.vector_load %arg10[%get3A_463, %get3A_464] {strides = array<i32>} : memref<80x64xf32, #tpu.memory_space<vmem>>, vector<1x16xf32>,
        %get3A_466 = vector.shape_cast %get3A_465 : vector<1x16xf32> to vector<16xf32>
        %mul3A_467 = vector.broadcast %squeeze3A_436 : f32 to vector<16xf32>
        %mul3A_468 = arith.mulf %get3A_466, %mul3A_467 : vector<16xf32>
        %swap3A_469 = arith.index_cast %add3A_440 : i32 to index
        %swap3A_470 = arith.constant 32 : index
        %swap3A_471 = tpu.vector_load %arg10[%swap3A_469, %swap3A_470] {strides = array<i32>} : memref<80x64xf32, #tpu.memory_space<vmem>>, vector<1x16xf32>,
        %swap3A_472 = vector.shape_cast %swap3A_471 : vector<1x16xf32> to vector<16xf32>
        %swap3A_473 = vector.shape_cast %mul3A_468 : vector<16xf32> to vector<1x16xf32>
        tpu.vector_store %arg10[%swap3A_469, %swap3A_470], %swap3A_473 {strides = array<i32>} : memref<80x64xf32, #tpu.memory_space<vmem>>, vector<1x16xf32>,
        %get3A_474 = arith.index_cast %add3A_440 : i32 to index
        %get3A_475 = arith.constant 48 : index
        %get3A_476 = tpu.vector_load %arg10[%get3A_474, %get3A_475] {strides = array<i32>} : memref<80x64xf32, #tpu.memory_space<vmem>>, vector<1x16xf32>,
        %get3A_477 = vector.shape_cast %get3A_476 : vector<1x16xf32> to vector<16xf32>
        %mul3A_478 = vector.broadcast %squeeze3A_436 : f32 to vector<16xf32>
        %mul3A_479 = arith.mulf %get3A_477, %mul3A_478 : vector<16xf32>
        %swap3A_480 = arith.index_cast %add3A_440 : i32 to index
        %swap3A_481 = arith.constant 48 : index
        %swap3A_482 = tpu.vector_load %arg10[%swap3A_480, %swap3A_481] {strides = array<i32>} : memref<80x64xf32, #tpu.memory_space<vmem>>, vector<1x16xf32>,
        %swap3A_483 = vector.shape_cast %swap3A_482 : vector<1x16xf32> to vector<16xf32>
        %swap3A_484 = vector.shape_cast %mul3A_479 : vector<16xf32> to vector<1x16xf32>
        tpu.vector_store %arg10[%swap3A_480, %swap3A_481], %swap3A_484 {strides = array<i32>} : memref<80x64xf32, #tpu.memory_space<vmem>>, vector<1x16xf32>,
        %slice3A_485 = vector.extract_strided_slice %get3A_37 {offsets = [9], sizes = [1], strides = [1]} : vector<16xf32> to vector<1xf32>
        %squeeze3A_486 = vector.extract %slice3A_485[0] : f32 from vector<1xf32>
        %mul3A_487 = arith.constant 16 : i32
        %mul3A_488 = arith.muli %scan3A_32, %mul3A_487 : i32
        %add3A_489 = arith.constant 9 : i32
        %add3A_490 = arith.addi %mul3A_488, %add3A_489 : i32
        %get3A_491 = arith.index_cast %add3A_490 : i32 to index
        %get3A_492 = arith.constant 0 : index
        %get3A_493 = tpu.vector_load %arg10[%get3A_491, %get3A_492] {strides = array<i32>} : memref<80x64xf32, #tpu.memory_space<vmem>>, vector<1x16xf32>,
        %get3A_494 = vector.shape_cast %get3A_493 : vector<1x16xf32> to vector<16xf32>
        %mul3A_495 = vector.broadcast %squeeze3A_486 : f32 to vector<16xf32>
        %mul3A_496 = arith.mulf %get3A_494, %mul3A_495 : vector<16xf32>
        %swap3A_497 = arith.index_cast %add3A_490 : i32 to index
        %swap3A_498 = arith.constant 0 : index
        %swap3A_499 = tpu.vector_load %arg10[%swap3A_497, %swap3A_498] {strides = array<i32>} : memref<80x64xf32, #tpu.memory_space<vmem>>, vector<1x16xf32>,
        %swap3A_500 = vector.shape_cast %swap3A_499 : vector<1x16xf32> to vector<16xf32>
        %swap3A_501 = vector.shape_cast %mul3A_496 : vector<16xf32> to vector<1x16xf32>
        tpu.vector_store %arg10[%swap3A_497, %swap3A_498], %swap3A_501 {strides = array<i32>} : memref<80x64xf32, #tpu.memory_space<vmem>>, vector<1x16xf32>,
        %get3A_502 = arith.index_cast %add3A_490 : i32 to index
        %get3A_503 = arith.constant 16 : index
        %get3A_504 = tpu.vector_load %arg10[%get3A_502, %get3A_503] {strides = array<i32>} : memref<80x64xf32, #tpu.memory_space<vmem>>, vector<1x16xf32>,
        %get3A_505 = vector.shape_cast %get3A_504 : vector<1x16xf32> to vector<16xf32>
        %mul3A_506 = vector.broadcast %squeeze3A_486 : f32 to vector<16xf32>
        %mul3A_507 = arith.mulf %get3A_505, %mul3A_506 : vector<16xf32>
        %swap3A_508 = arith.index_cast %add3A_490 : i32 to index
        %swap3A_509 = arith.constant 16 : index
        %swap3A_510 = tpu.vector_load %arg10[%swap3A_508, %swap3A_509] {strides = array<i32>} : memref<80x64xf32, #tpu.memory_space<vmem>>, vector<1x16xf32>,
        %swap3A_511 = vector.shape_cast %swap3A_510 : vector<1x16xf32> to vector<16xf32>
        %swap3A_512 = vector.shape_cast %mul3A_507 : vector<16xf32> to vector<1x16xf32>
        tpu.vector_store %arg10[%swap3A_508, %swap3A_509], %swap3A_512 {strides = array<i32>} : memref<80x64xf32, #tpu.memory_space<vmem>>, vector<1x16xf32>,
        %get3A_513 = arith.index_cast %add3A_490 : i32 to index
        %get3A_514 = arith.constant 32 : index
        %get3A_515 = tpu.vector_load %arg10[%get3A_513, %get3A_514] {strides = array<i32>} : memref<80x64xf32, #tpu.memory_space<vmem>>, vector<1x16xf32>,
        %get3A_516 = vector.shape_cast %get3A_515 : vector<1x16xf32> to vector<16xf32>
        %mul3A_517 = vector.broadcast %squeeze3A_486 : f32 to vector<16xf32>
        %mul3A_518 = arith.mulf %get3A_516, %mul3A_517 : vector<16xf32>
        %swap3A_519 = arith.index_cast %add3A_490 : i32 to index
        %swap3A_520 = arith.constant 32 : index
        %swap3A_521 = tpu.vector_load %arg10[%swap3A_519, %swap3A_520] {strides = array<i32>} : memref<80x64xf32, #tpu.memory_space<vmem>>, vector<1x16xf32>,
        %swap3A_522 = vector.shape_cast %swap3A_521 : vector<1x16xf32> to vector<16xf32>
        %swap3A_523 = vector.shape_cast %mul3A_518 : vector<16xf32> to vector<1x16xf32>
        tpu.vector_store %arg10[%swap3A_519, %swap3A_520], %swap3A_523 {strides = array<i32>} : memref<80x64xf32, #tpu.memory_space<vmem>>, vector<1x16xf32>,
        %get3A_524 = arith.index_cast %add3A_490 : i32 to index
        %get3A_525 = arith.constant 48 : index
        %get3A_526 = tpu.vector_load %arg10[%get3A_524, %get3A_525] {strides = array<i32>} : memref<80x64xf32, #tpu.memory_space<vmem>>, vector<1x16xf32>,
        %get3A_527 = vector.shape_cast %get3A_526 : vector<1x16xf32> to vector<16xf32>
        %mul3A_528 = vector.broadcast %squeeze3A_486 : f32 to vector<16xf32>
        %mul3A_529 = arith.mulf %get3A_527, %mul3A_528 : vector<16xf32>
        %swap3A_530 = arith.index_cast %add3A_490 : i32 to index
        %swap3A_531 = arith.constant 48 : index
        %swap3A_532 = tpu.vector_load %arg10[%swap3A_530, %swap3A_531] {strides = array<i32>} : memref<80x64xf32, #tpu.memory_space<vmem>>, vector<1x16xf32>,
        %swap3A_533 = vector.shape_cast %swap3A_532 : vector<1x16xf32> to vector<16xf32>
        %swap3A_534 = vector.shape_cast %mul3A_529 : vector<16xf32> to vector<1x16xf32>
        tpu.vector_store %arg10[%swap3A_530, %swap3A_531], %swap3A_534 {strides = array<i32>} : memref<80x64xf32, #tpu.memory_space<vmem>>, vector<1x16xf32>,
        %slice3A_535 = vector.extract_strided_slice %get3A_37 {offsets = [10], sizes = [1], strides = [1]} : vector<16xf32> to vector<1xf32>
        %squeeze3A_536 = vector.extract %slice3A_535[0] : f32 from vector<1xf32>
        %mul3A_537 = arith.constant 16 : i32
        %mul3A_538 = arith.muli %scan3A_32, %mul3A_537 : i32
        %add3A_539 = arith.constant 10 : i32
        %add3A_540 = arith.addi %mul3A_538, %add3A_539 : i32
        %get3A_541 = arith.index_cast %add3A_540 : i32 to index
        %get3A_542 = arith.constant 0 : index
        %get3A_543 = tpu.vector_load %arg10[%get3A_541, %get3A_542] {strides = array<i32>} : memref<80x64xf32, #tpu.memory_space<vmem>>, vector<1x16xf32>,
        %get3A_544 = vector.shape_cast %get3A_543 : vector<1x16xf32> to vector<16xf32>
        %mul3A_545 = vector.broadcast %squeeze3A_536 : f32 to vector<16xf32>
        %mul3A_546 = arith.mulf %get3A_544, %mul3A_545 : vector<16xf32>
        %swap3A_547 = arith.index_cast %add3A_540 : i32 to index
        %swap3A_548 = arith.constant 0 : index
        %swap3A_549 = tpu.vector_load %arg10[%swap3A_547, %swap3A_548] {strides = array<i32>} : memref<80x64xf32, #tpu.memory_space<vmem>>, vector<1x16xf32>,
        %swap3A_550 = vector.shape_cast %swap3A_549 : vector<1x16xf32> to vector<16xf32>
        %swap3A_551 = vector.shape_cast %mul3A_546 : vector<16xf32> to vector<1x16xf32>
        tpu.vector_store %arg10[%swap3A_547, %swap3A_548], %swap3A_551 {strides = array<i32>} : memref<80x64xf32, #tpu.memory_space<vmem>>, vector<1x16xf32>,
        %get3A_552 = arith.index_cast %add3A_540 : i32 to index
        %get3A_553 = arith.constant 16 : index
        %get3A_554 = tpu.vector_load %arg10[%get3A_552, %get3A_553] {strides = array<i32>} : memref<80x64xf32, #tpu.memory_space<vmem>>, vector<1x16xf32>,
        %get3A_555 = vector.shape_cast %get3A_554 : vector<1x16xf32> to vector<16xf32>
        %mul3A_556 = vector.broadcast %squeeze3A_536 : f32 to vector<16xf32>
        %mul3A_557 = arith.mulf %get3A_555, %mul3A_556 : vector<16xf32>
        %swap3A_558 = arith.index_cast %add3A_540 : i32 to index
        %swap3A_559 = arith.constant 16 : index
        %swap3A_560 = tpu.vector_load %arg10[%swap3A_558, %swap3A_559] {strides = array<i32>} : memref<80x64xf32, #tpu.memory_space<vmem>>, vector<1x16xf32>,
        %swap3A_561 = vector.shape_cast %swap3A_560 : vector<1x16xf32> to vector<16xf32>
        %swap3A_562 = vector.shape_cast %mul3A_557 : vector<16xf32> to vector<1x16xf32>
        tpu.vector_store %arg10[%swap3A_558, %swap3A_559], %swap3A_562 {strides = array<i32>} : memref<80x64xf32, #tpu.memory_space<vmem>>, vector<1x16xf32>,
        %get3A_563 = arith.index_cast %add3A_540 : i32 to index
        %get3A_564 = arith.constant 32 : index
        %get3A_565 = tpu.vector_load %arg10[%get3A_563, %get3A_564] {strides = array<i32>} : memref<80x64xf32, #tpu.memory_space<vmem>>, vector<1x16xf32>,
        %get3A_566 = vector.shape_cast %get3A_565 : vector<1x16xf32> to vector<16xf32>
        %mul3A_567 = vector.broadcast %squeeze3A_536 : f32 to vector<16xf32>
        %mul3A_568 = arith.mulf %get3A_566, %mul3A_567 : vector<16xf32>
        %swap3A_569 = arith.index_cast %add3A_540 : i32 to index
        %swap3A_570 = arith.constant 32 : index
        %swap3A_571 = tpu.vector_load %arg10[%swap3A_569, %swap3A_570] {strides = array<i32>} : memref<80x64xf32, #tpu.memory_space<vmem>>, vector<1x16xf32>,
        %swap3A_572 = vector.shape_cast %swap3A_571 : vector<1x16xf32> to vector<16xf32>
        %swap3A_573 = vector.shape_cast %mul3A_568 : vector<16xf32> to vector<1x16xf32>
        tpu.vector_store %arg10[%swap3A_569, %swap3A_570], %swap3A_573 {strides = array<i32>} : memref<80x64xf32, #tpu.memory_space<vmem>>, vector<1x16xf32>,
        %get3A_574 = arith.index_cast %add3A_540 : i32 to index
        %get3A_575 = arith.constant 48 : index
        %get3A_576 = tpu.vector_load %arg10[%get3A_574, %get3A_575] {strides = array<i32>} : memref<80x64xf32, #tpu.memory_space<vmem>>, vector<1x16xf32>,
        %get3A_577 = vector.shape_cast %get3A_576 : vector<1x16xf32> to vector<16xf32>
        %mul3A_578 = vector.broadcast %squeeze3A_536 : f32 to vector<16xf32>
        %mul3A_579 = arith.mulf %get3A_577, %mul3A_578 : vector<16xf32>
        %swap3A_580 = arith.index_cast %add3A_540 : i32 to index
        %swap3A_581 = arith.constant 48 : index
        %swap3A_582 = tpu.vector_load %arg10[%swap3A_580, %swap3A_581] {strides = array<i32>} : memref<80x64xf32, #tpu.memory_space<vmem>>, vector<1x16xf32>,
        %swap3A_583 = vector.shape_cast %swap3A_582 : vector<1x16xf32> to vector<16xf32>
        %swap3A_584 = vector.shape_cast %mul3A_579 : vector<16xf32> to vector<1x16xf32>
        tpu.vector_store %arg10[%swap3A_580, %swap3A_581], %swap3A_584 {strides = array<i32>} : memref<80x64xf32, #tpu.memory_space<vmem>>, vector<1x16xf32>,
        %slice3A_585 = vector.extract_strided_slice %get3A_37 {offsets = [11], sizes = [1], strides = [1]} : vector<16xf32> to vector<1xf32>
        %squeeze3A_586 = vector.extract %slice3A_585[0] : f32 from vector<1xf32>
        %mul3A_587 = arith.constant 16 : i32
        %mul3A_588 = arith.muli %scan3A_32, %mul3A_587 : i32
        %add3A_589 = arith.constant 11 : i32
        %add3A_590 = arith.addi %mul3A_588, %add3A_589 : i32
        %get3A_591 = arith.index_cast %add3A_590 : i32 to index
        %get3A_592 = arith.constant 0 : index
        %get3A_593 = tpu.vector_load %arg10[%get3A_591, %get3A_592] {strides = array<i32>} : memref<80x64xf32, #tpu.memory_space<vmem>>, vector<1x16xf32>,
        %get3A_594 = vector.shape_cast %get3A_593 : vector<1x16xf32> to vector<16xf32>
        %mul3A_595 = vector.broadcast %squeeze3A_586 : f32 to vector<16xf32>
        %mul3A_596 = arith.mulf %get3A_594, %mul3A_595 : vector<16xf32>
        %swap3A_597 = arith.index_cast %add3A_590 : i32 to index
        %swap3A_598 = arith.constant 0 : index
        %swap3A_599 = tpu.vector_load %arg10[%swap3A_597, %swap3A_598] {strides = array<i32>} : memref<80x64xf32, #tpu.memory_space<vmem>>, vector<1x16xf32>,
        %swap3A_600 = vector.shape_cast %swap3A_599 : vector<1x16xf32> to vector<16xf32>
        %swap3A_601 = vector.shape_cast %mul3A_596 : vector<16xf32> to vector<1x16xf32>
        tpu.vector_store %arg10[%swap3A_597, %swap3A_598], %swap3A_601 {strides = array<i32>} : memref<80x64xf32, #tpu.memory_space<vmem>>, vector<1x16xf32>,
        %get3A_602 = arith.index_cast %add3A_590 : i32 to index
        %get3A_603 = arith.constant 16 : index
        %get3A_604 = tpu.vector_load %arg10[%get3A_602, %get3A_603] {strides = array<i32>} : memref<80x64xf32, #tpu.memory_space<vmem>>, vector<1x16xf32>,
        %get3A_605 = vector.shape_cast %get3A_604 : vector<1x16xf32> to vector<16xf32>
        %mul3A_606 = vector.broadcast %squeeze3A_586 : f32 to vector<16xf32>
        %mul3A_607 = arith.mulf %get3A_605, %mul3A_606 : vector<16xf32>
        %swap3A_608 = arith.index_cast %add3A_590 : i32 to index
        %swap3A_609 = arith.constant 16 : index
        %swap3A_610 = tpu.vector_load %arg10[%swap3A_608, %swap3A_609] {strides = array<i32>} : memref<80x64xf32, #tpu.memory_space<vmem>>, vector<1x16xf32>,
        %swap3A_611 = vector.shape_cast %swap3A_610 : vector<1x16xf32> to vector<16xf32>
        %swap3A_612 = vector.shape_cast %mul3A_607 : vector<16xf32> to vector<1x16xf32>
        tpu.vector_store %arg10[%swap3A_608, %swap3A_609], %swap3A_612 {strides = array<i32>} : memref<80x64xf32, #tpu.memory_space<vmem>>, vector<1x16xf32>,
        %get3A_613 = arith.index_cast %add3A_590 : i32 to index
        %get3A_614 = arith.constant 32 : index
        %get3A_615 = tpu.vector_load %arg10[%get3A_613, %get3A_614] {strides = array<i32>} : memref<80x64xf32, #tpu.memory_space<vmem>>, vector<1x16xf32>,
        %get3A_616 = vector.shape_cast %get3A_615 : vector<1x16xf32> to vector<16xf32>
        %mul3A_617 = vector.broadcast %squeeze3A_586 : f32 to vector<16xf32>
        %mul3A_618 = arith.mulf %get3A_616, %mul3A_617 : vector<16xf32>
        %swap3A_619 = arith.index_cast %add3A_590 : i32 to index
        %swap3A_620 = arith.constant 32 : index
        %swap3A_621 = tpu.vector_load %arg10[%swap3A_619, %swap3A_620] {strides = array<i32>} : memref<80x64xf32, #tpu.memory_space<vmem>>, vector<1x16xf32>,
        %swap3A_622 = vector.shape_cast %swap3A_621 : vector<1x16xf32> to vector<16xf32>
        %swap3A_623 = vector.shape_cast %mul3A_618 : vector<16xf32> to vector<1x16xf32>
        tpu.vector_store %arg10[%swap3A_619, %swap3A_620], %swap3A_623 {strides = array<i32>} : memref<80x64xf32, #tpu.memory_space<vmem>>, vector<1x16xf32>,
        %get3A_624 = arith.index_cast %add3A_590 : i32 to index
        %get3A_625 = arith.constant 48 : index
        %get3A_626 = tpu.vector_load %arg10[%get3A_624, %get3A_625] {strides = array<i32>} : memref<80x64xf32, #tpu.memory_space<vmem>>, vector<1x16xf32>,
        %get3A_627 = vector.shape_cast %get3A_626 : vector<1x16xf32> to vector<16xf32>
        %mul3A_628 = vector.broadcast %squeeze3A_586 : f32 to vector<16xf32>
        %mul3A_629 = arith.mulf %get3A_627, %mul3A_628 : vector<16xf32>
        %swap3A_630 = arith.index_cast %add3A_590 : i32 to index
        %swap3A_631 = arith.constant 48 : index
        %swap3A_632 = tpu.vector_load %arg10[%swap3A_630, %swap3A_631] {strides = array<i32>} : memref<80x64xf32, #tpu.memory_space<vmem>>, vector<1x16xf32>,
        %swap3A_633 = vector.shape_cast %swap3A_632 : vector<1x16xf32> to vector<16xf32>
        %swap3A_634 = vector.shape_cast %mul3A_629 : vector<16xf32> to vector<1x16xf32>
        tpu.vector_store %arg10[%swap3A_630, %swap3A_631], %swap3A_634 {strides = array<i32>} : memref<80x64xf32, #tpu.memory_space<vmem>>, vector<1x16xf32>,
        %slice3A_635 = vector.extract_strided_slice %get3A_37 {offsets = [12], sizes = [1], strides = [1]} : vector<16xf32> to vector<1xf32>
        %squeeze3A_636 = vector.extract %slice3A_635[0] : f32 from vector<1xf32>
        %mul3A_637 = arith.constant 16 : i32
        %mul3A_638 = arith.muli %scan3A_32, %mul3A_637 : i32
        %add3A_639 = arith.constant 12 : i32
        %add3A_640 = arith.addi %mul3A_638, %add3A_639 : i32
        %get3A_641 = arith.index_cast %add3A_640 : i32 to index
        %get3A_642 = arith.constant 0 : index
        %get3A_643 = tpu.vector_load %arg10[%get3A_641, %get3A_642] {strides = array<i32>} : memref<80x64xf32, #tpu.memory_space<vmem>>, vector<1x16xf32>,
        %get3A_644 = vector.shape_cast %get3A_643 : vector<1x16xf32> to vector<16xf32>
        %mul3A_645 = vector.broadcast %squeeze3A_636 : f32 to vector<16xf32>
        %mul3A_646 = arith.mulf %get3A_644, %mul3A_645 : vector<16xf32>
        %swap3A_647 = arith.index_cast %add3A_640 : i32 to index
        %swap3A_648 = arith.constant 0 : index
        %swap3A_649 = tpu.vector_load %arg10[%swap3A_647, %swap3A_648] {strides = array<i32>} : memref<80x64xf32, #tpu.memory_space<vmem>>, vector<1x16xf32>,
        %swap3A_650 = vector.shape_cast %swap3A_649 : vector<1x16xf32> to vector<16xf32>
        %swap3A_651 = vector.shape_cast %mul3A_646 : vector<16xf32> to vector<1x16xf32>
        tpu.vector_store %arg10[%swap3A_647, %swap3A_648], %swap3A_651 {strides = array<i32>} : memref<80x64xf32, #tpu.memory_space<vmem>>, vector<1x16xf32>,
        %get3A_652 = arith.index_cast %add3A_640 : i32 to index
        %get3A_653 = arith.constant 16 : index
        %get3A_654 = tpu.vector_load %arg10[%get3A_652, %get3A_653] {strides = array<i32>} : memref<80x64xf32, #tpu.memory_space<vmem>>, vector<1x16xf32>,
        %get3A_655 = vector.shape_cast %get3A_654 : vector<1x16xf32> to vector<16xf32>
        %mul3A_656 = vector.broadcast %squeeze3A_636 : f32 to vector<16xf32>
        %mul3A_657 = arith.mulf %get3A_655, %mul3A_656 : vector<16xf32>
        %swap3A_658 = arith.index_cast %add3A_640 : i32 to index
        %swap3A_659 = arith.constant 16 : index
        %swap3A_660 = tpu.vector_load %arg10[%swap3A_658, %swap3A_659] {strides = array<i32>} : memref<80x64xf32, #tpu.memory_space<vmem>>, vector<1x16xf32>,
        %swap3A_661 = vector.shape_cast %swap3A_660 : vector<1x16xf32> to vector<16xf32>
        %swap3A_662 = vector.shape_cast %mul3A_657 : vector<16xf32> to vector<1x16xf32>
        tpu.vector_store %arg10[%swap3A_658, %swap3A_659], %swap3A_662 {strides = array<i32>} : memref<80x64xf32, #tpu.memory_space<vmem>>, vector<1x16xf32>,
        %get3A_663 = arith.index_cast %add3A_640 : i32 to index
        %get3A_664 = arith.constant 32 : index
        %get3A_665 = tpu.vector_load %arg10[%get3A_663, %get3A_664] {strides = array<i32>} : memref<80x64xf32, #tpu.memory_space<vmem>>, vector<1x16xf32>,
        %get3A_666 = vector.shape_cast %get3A_665 : vector<1x16xf32> to vector<16xf32>
        %mul3A_667 = vector.broadcast %squeeze3A_636 : f32 to vector<16xf32>
        %mul3A_668 = arith.mulf %get3A_666, %mul3A_667 : vector<16xf32>
        %swap3A_669 = arith.index_cast %add3A_640 : i32 to index
        %swap3A_670 = arith.constant 32 : index
        %swap3A_671 = tpu.vector_load %arg10[%swap3A_669, %swap3A_670] {strides = array<i32>} : memref<80x64xf32, #tpu.memory_space<vmem>>, vector<1x16xf32>,
        %swap3A_672 = vector.shape_cast %swap3A_671 : vector<1x16xf32> to vector<16xf32>
        %swap3A_673 = vector.shape_cast %mul3A_668 : vector<16xf32> to vector<1x16xf32>
        tpu.vector_store %arg10[%swap3A_669, %swap3A_670], %swap3A_673 {strides = array<i32>} : memref<80x64xf32, #tpu.memory_space<vmem>>, vector<1x16xf32>,
        %get3A_674 = arith.index_cast %add3A_640 : i32 to index
        %get3A_675 = arith.constant 48 : index
        %get3A_676 = tpu.vector_load %arg10[%get3A_674, %get3A_675] {strides = array<i32>} : memref<80x64xf32, #tpu.memory_space<vmem>>, vector<1x16xf32>,
        %get3A_677 = vector.shape_cast %get3A_676 : vector<1x16xf32> to vector<16xf32>
        %mul3A_678 = vector.broadcast %squeeze3A_636 : f32 to vector<16xf32>
        %mul3A_679 = arith.mulf %get3A_677, %mul3A_678 : vector<16xf32>
        %swap3A_680 = arith.index_cast %add3A_640 : i32 to index
        %swap3A_681 = arith.constant 48 : index
        %swap3A_682 = tpu.vector_load %arg10[%swap3A_680, %swap3A_681] {strides = array<i32>} : memref<80x64xf32, #tpu.memory_space<vmem>>, vector<1x16xf32>,
        %swap3A_683 = vector.shape_cast %swap3A_682 : vector<1x16xf32> to vector<16xf32>
        %swap3A_684 = vector.shape_cast %mul3A_679 : vector<16xf32> to vector<1x16xf32>
        tpu.vector_store %arg10[%swap3A_680, %swap3A_681], %swap3A_684 {strides = array<i32>} : memref<80x64xf32, #tpu.memory_space<vmem>>, vector<1x16xf32>,
        %slice3A_685 = vector.extract_strided_slice %get3A_37 {offsets = [13], sizes = [1], strides = [1]} : vector<16xf32> to vector<1xf32>
        %squeeze3A_686 = vector.extract %slice3A_685[0] : f32 from vector<1xf32>
        %mul3A_687 = arith.constant 16 : i32
        %mul3A_688 = arith.muli %scan3A_32, %mul3A_687 : i32
        %add3A_689 = arith.constant 13 : i32
        %add3A_690 = arith.addi %mul3A_688, %add3A_689 : i32
        %get3A_691 = arith.index_cast %add3A_690 : i32 to index
        %get3A_692 = arith.constant 0 : index
        %get3A_693 = tpu.vector_load %arg10[%get3A_691, %get3A_692] {strides = array<i32>} : memref<80x64xf32, #tpu.memory_space<vmem>>, vector<1x16xf32>,
        %get3A_694 = vector.shape_cast %get3A_693 : vector<1x16xf32> to vector<16xf32>
        %mul3A_695 = vector.broadcast %squeeze3A_686 : f32 to vector<16xf32>
        %mul3A_696 = arith.mulf %get3A_694, %mul3A_695 : vector<16xf32>
        %swap3A_697 = arith.index_cast %add3A_690 : i32 to index
        %swap3A_698 = arith.constant 0 : index
        %swap3A_699 = tpu.vector_load %arg10[%swap3A_697, %swap3A_698] {strides = array<i32>} : memref<80x64xf32, #tpu.memory_space<vmem>>, vector<1x16xf32>,
        %swap3A_700 = vector.shape_cast %swap3A_699 : vector<1x16xf32> to vector<16xf32>
        %swap3A_701 = vector.shape_cast %mul3A_696 : vector<16xf32> to vector<1x16xf32>
        tpu.vector_store %arg10[%swap3A_697, %swap3A_698], %swap3A_701 {strides = array<i32>} : memref<80x64xf32, #tpu.memory_space<vmem>>, vector<1x16xf32>,
        %get3A_702 = arith.index_cast %add3A_690 : i32 to index
        %get3A_703 = arith.constant 16 : index
        %get3A_704 = tpu.vector_load %arg10[%get3A_702, %get3A_703] {strides = array<i32>} : memref<80x64xf32, #tpu.memory_space<vmem>>, vector<1x16xf32>,
        %get3A_705 = vector.shape_cast %get3A_704 : vector<1x16xf32> to vector<16xf32>
        %mul3A_706 = vector.broadcast %squeeze3A_686 : f32 to vector<16xf32>
        %mul3A_707 = arith.mulf %get3A_705, %mul3A_706 : vector<16xf32>
        %swap3A_708 = arith.index_cast %add3A_690 : i32 to index
        %swap3A_709 = arith.constant 16 : index
        %swap3A_710 = tpu.vector_load %arg10[%swap3A_708, %swap3A_709] {strides = array<i32>} : memref<80x64xf32, #tpu.memory_space<vmem>>, vector<1x16xf32>,
        %swap3A_711 = vector.shape_cast %swap3A_710 : vector<1x16xf32> to vector<16xf32>
        %swap3A_712 = vector.shape_cast %mul3A_707 : vector<16xf32> to vector<1x16xf32>
        tpu.vector_store %arg10[%swap3A_708, %swap3A_709], %swap3A_712 {strides = array<i32>} : memref<80x64xf32, #tpu.memory_space<vmem>>, vector<1x16xf32>,
        %get3A_713 = arith.index_cast %add3A_690 : i32 to index
        %get3A_714 = arith.constant 32 : index
        %get3A_715 = tpu.vector_load %arg10[%get3A_713, %get3A_714] {strides = array<i32>} : memref<80x64xf32, #tpu.memory_space<vmem>>, vector<1x16xf32>,
        %get3A_716 = vector.shape_cast %get3A_715 : vector<1x16xf32> to vector<16xf32>
        %mul3A_717 = vector.broadcast %squeeze3A_686 : f32 to vector<16xf32>
        %mul3A_718 = arith.mulf %get3A_716, %mul3A_717 : vector<16xf32>
        %swap3A_719 = arith.index_cast %add3A_690 : i32 to index
        %swap3A_720 = arith.constant 32 : index
        %swap3A_721 = tpu.vector_load %arg10[%swap3A_719, %swap3A_720] {strides = array<i32>} : memref<80x64xf32, #tpu.memory_space<vmem>>, vector<1x16xf32>,
        %swap3A_722 = vector.shape_cast %swap3A_721 : vector<1x16xf32> to vector<16xf32>
        %swap3A_723 = vector.shape_cast %mul3A_718 : vector<16xf32> to vector<1x16xf32>
        tpu.vector_store %arg10[%swap3A_719, %swap3A_720], %swap3A_723 {strides = array<i32>} : memref<80x64xf32, #tpu.memory_space<vmem>>, vector<1x16xf32>,
        %get3A_724 = arith.index_cast %add3A_690 : i32 to index
        %get3A_725 = arith.constant 48 : index
        %get3A_726 = tpu.vector_load %arg10[%get3A_724, %get3A_725] {strides = array<i32>} : memref<80x64xf32, #tpu.memory_space<vmem>>, vector<1x16xf32>,
        %get3A_727 = vector.shape_cast %get3A_726 : vector<1x16xf32> to vector<16xf32>
        %mul3A_728 = vector.broadcast %squeeze3A_686 : f32 to vector<16xf32>
        %mul3A_729 = arith.mulf %get3A_727, %mul3A_728 : vector<16xf32>
        %swap3A_730 = arith.index_cast %add3A_690 : i32 to index
        %swap3A_731 = arith.constant 48 : index
        %swap3A_732 = tpu.vector_load %arg10[%swap3A_730, %swap3A_731] {strides = array<i32>} : memref<80x64xf32, #tpu.memory_space<vmem>>, vector<1x16xf32>,
        %swap3A_733 = vector.shape_cast %swap3A_732 : vector<1x16xf32> to vector<16xf32>
        %swap3A_734 = vector.shape_cast %mul3A_729 : vector<16xf32> to vector<1x16xf32>
        tpu.vector_store %arg10[%swap3A_730, %swap3A_731], %swap3A_734 {strides = array<i32>} : memref<80x64xf32, #tpu.memory_space<vmem>>, vector<1x16xf32>,
        %slice3A_735 = vector.extract_strided_slice %get3A_37 {offsets = [14], sizes = [1], strides = [1]} : vector<16xf32> to vector<1xf32>
        %squeeze3A_736 = vector.extract %slice3A_735[0] : f32 from vector<1xf32>
        %mul3A_737 = arith.constant 16 : i32
        %mul3A_738 = arith.muli %scan3A_32, %mul3A_737 : i32
        %add3A_739 = arith.constant 14 : i32
        %add3A_740 = arith.addi %mul3A_738, %add3A_739 : i32
        %get3A_741 = arith.index_cast %add3A_740 : i32 to index
        %get3A_742 = arith.constant 0 : index
        %get3A_743 = tpu.vector_load %arg10[%get3A_741, %get3A_742] {strides = array<i32>} : memref<80x64xf32, #tpu.memory_space<vmem>>, vector<1x16xf32>,
        %get3A_744 = vector.shape_cast %get3A_743 : vector<1x16xf32> to vector<16xf32>
        %mul3A_745 = vector.broadcast %squeeze3A_736 : f32 to vector<16xf32>
        %mul3A_746 = arith.mulf %get3A_744, %mul3A_745 : vector<16xf32>
        %swap3A_747 = arith.index_cast %add3A_740 : i32 to index
        %swap3A_748 = arith.constant 0 : index
        %swap3A_749 = tpu.vector_load %arg10[%swap3A_747, %swap3A_748] {strides = array<i32>} : memref<80x64xf32, #tpu.memory_space<vmem>>, vector<1x16xf32>,
        %swap3A_750 = vector.shape_cast %swap3A_749 : vector<1x16xf32> to vector<16xf32>
        %swap3A_751 = vector.shape_cast %mul3A_746 : vector<16xf32> to vector<1x16xf32>
        tpu.vector_store %arg10[%swap3A_747, %swap3A_748], %swap3A_751 {strides = array<i32>} : memref<80x64xf32, #tpu.memory_space<vmem>>, vector<1x16xf32>,
        %get3A_752 = arith.index_cast %add3A_740 : i32 to index
        %get3A_753 = arith.constant 16 : index
        %get3A_754 = tpu.vector_load %arg10[%get3A_752, %get3A_753] {strides = array<i32>} : memref<80x64xf32, #tpu.memory_space<vmem>>, vector<1x16xf32>,
        %get3A_755 = vector.shape_cast %get3A_754 : vector<1x16xf32> to vector<16xf32>
        %mul3A_756 = vector.broadcast %squeeze3A_736 : f32 to vector<16xf32>
        %mul3A_757 = arith.mulf %get3A_755, %mul3A_756 : vector<16xf32>
        %swap3A_758 = arith.index_cast %add3A_740 : i32 to index
        %swap3A_759 = arith.constant 16 : index
        %swap3A_760 = tpu.vector_load %arg10[%swap3A_758, %swap3A_759] {strides = array<i32>} : memref<80x64xf32, #tpu.memory_space<vmem>>, vector<1x16xf32>,
        %swap3A_761 = vector.shape_cast %swap3A_760 : vector<1x16xf32> to vector<16xf32>
        %swap3A_762 = vector.shape_cast %mul3A_757 : vector<16xf32> to vector<1x16xf32>
        tpu.vector_store %arg10[%swap3A_758, %swap3A_759], %swap3A_762 {strides = array<i32>} : memref<80x64xf32, #tpu.memory_space<vmem>>, vector<1x16xf32>,
        %get3A_763 = arith.index_cast %add3A_740 : i32 to index
        %get3A_764 = arith.constant 32 : index
        %get3A_765 = tpu.vector_load %arg10[%get3A_763, %get3A_764] {strides = array<i32>} : memref<80x64xf32, #tpu.memory_space<vmem>>, vector<1x16xf32>,
        %get3A_766 = vector.shape_cast %get3A_765 : vector<1x16xf32> to vector<16xf32>
        %mul3A_767 = vector.broadcast %squeeze3A_736 : f32 to vector<16xf32>
        %mul3A_768 = arith.mulf %get3A_766, %mul3A_767 : vector<16xf32>
        %swap3A_769 = arith.index_cast %add3A_740 : i32 to index
        %swap3A_770 = arith.constant 32 : index
        %swap3A_771 = tpu.vector_load %arg10[%swap3A_769, %swap3A_770] {strides = array<i32>} : memref<80x64xf32, #tpu.memory_space<vmem>>, vector<1x16xf32>,
        %swap3A_772 = vector.shape_cast %swap3A_771 : vector<1x16xf32> to vector<16xf32>
        %swap3A_773 = vector.shape_cast %mul3A_768 : vector<16xf32> to vector<1x16xf32>
        tpu.vector_store %arg10[%swap3A_769, %swap3A_770], %swap3A_773 {strides = array<i32>} : memref<80x64xf32, #tpu.memory_space<vmem>>, vector<1x16xf32>,
        %get3A_774 = arith.index_cast %add3A_740 : i32 to index
        %get3A_775 = arith.constant 48 : index
        %get3A_776 = tpu.vector_load %arg10[%get3A_774, %get3A_775] {strides = array<i32>} : memref<80x64xf32, #tpu.memory_space<vmem>>, vector<1x16xf32>,
        %get3A_777 = vector.shape_cast %get3A_776 : vector<1x16xf32> to vector<16xf32>
        %mul3A_778 = vector.broadcast %squeeze3A_736 : f32 to vector<16xf32>
        %mul3A_779 = arith.mulf %get3A_777, %mul3A_778 : vector<16xf32>
        %swap3A_780 = arith.index_cast %add3A_740 : i32 to index
        %swap3A_781 = arith.constant 48 : index
        %swap3A_782 = tpu.vector_load %arg10[%swap3A_780, %swap3A_781] {strides = array<i32>} : memref<80x64xf32, #tpu.memory_space<vmem>>, vector<1x16xf32>,
        %swap3A_783 = vector.shape_cast %swap3A_782 : vector<1x16xf32> to vector<16xf32>
        %swap3A_784 = vector.shape_cast %mul3A_779 : vector<16xf32> to vector<1x16xf32>
        tpu.vector_store %arg10[%swap3A_780, %swap3A_781], %swap3A_784 {strides = array<i32>} : memref<80x64xf32, #tpu.memory_space<vmem>>, vector<1x16xf32>,
        %slice3A_785 = vector.extract_strided_slice %get3A_37 {offsets = [15], sizes = [1], strides = [1]} : vector<16xf32> to vector<1xf32>
        %squeeze3A_786 = vector.extract %slice3A_785[0] : f32 from vector<1xf32>
        %mul3A_787 = arith.constant 16 : i32
        %mul3A_788 = arith.muli %scan3A_32, %mul3A_787 : i32
        %add3A_789 = arith.constant 15 : i32
        %add3A_790 = arith.addi %mul3A_788, %add3A_789 : i32
        %get3A_791 = arith.index_cast %add3A_790 : i32 to index
        %get3A_792 = arith.constant 0 : index
        %get3A_793 = tpu.vector_load %arg10[%get3A_791, %get3A_792] {strides = array<i32>} : memref<80x64xf32, #tpu.memory_space<vmem>>, vector<1x16xf32>,
        %get3A_794 = vector.shape_cast %get3A_793 : vector<1x16xf32> to vector<16xf32>
        %mul3A_795 = vector.broadcast %squeeze3A_786 : f32 to vector<16xf32>
        %mul3A_796 = arith.mulf %get3A_794, %mul3A_795 : vector<16xf32>
        %swap3A_797 = arith.index_cast %add3A_790 : i32 to index
        %swap3A_798 = arith.constant 0 : index
        %swap3A_799 = tpu.vector_load %arg10[%swap3A_797, %swap3A_798] {strides = array<i32>} : memref<80x64xf32, #tpu.memory_space<vmem>>, vector<1x16xf32>,
        %swap3A_800 = vector.shape_cast %swap3A_799 : vector<1x16xf32> to vector<16xf32>
        %swap3A_801 = vector.shape_cast %mul3A_796 : vector<16xf32> to vector<1x16xf32>
        tpu.vector_store %arg10[%swap3A_797, %swap3A_798], %swap3A_801 {strides = array<i32>} : memref<80x64xf32, #tpu.memory_space<vmem>>, vector<1x16xf32>,
        %get3A_802 = arith.index_cast %add3A_790 : i32 to index
        %get3A_803 = arith.constant 16 : index
        %get3A_804 = tpu.vector_load %arg10[%get3A_802, %get3A_803] {strides = array<i32>} : memref<80x64xf32, #tpu.memory_space<vmem>>, vector<1x16xf32>,
        %get3A_805 = vector.shape_cast %get3A_804 : vector<1x16xf32> to vector<16xf32>
        %mul3A_806 = vector.broadcast %squeeze3A_786 : f32 to vector<16xf32>
        %mul3A_807 = arith.mulf %get3A_805, %mul3A_806 : vector<16xf32>
        %swap3A_808 = arith.index_cast %add3A_790 : i32 to index
        %swap3A_809 = arith.constant 16 : index
        %swap3A_810 = tpu.vector_load %arg10[%swap3A_808, %swap3A_809] {strides = array<i32>} : memref<80x64xf32, #tpu.memory_space<vmem>>, vector<1x16xf32>,
        %swap3A_811 = vector.shape_cast %swap3A_810 : vector<1x16xf32> to vector<16xf32>
        %swap3A_812 = vector.shape_cast %mul3A_807 : vector<16xf32> to vector<1x16xf32>
        tpu.vector_store %arg10[%swap3A_808, %swap3A_809], %swap3A_812 {strides = array<i32>} : memref<80x64xf32, #tpu.memory_space<vmem>>, vector<1x16xf32>,
        %get3A_813 = arith.index_cast %add3A_790 : i32 to index
        %get3A_814 = arith.constant 32 : index
        %get3A_815 = tpu.vector_load %arg10[%get3A_813, %get3A_814] {strides = array<i32>} : memref<80x64xf32, #tpu.memory_space<vmem>>, vector<1x16xf32>,
        %get3A_816 = vector.shape_cast %get3A_815 : vector<1x16xf32> to vector<16xf32>
        %mul3A_817 = vector.broadcast %squeeze3A_786 : f32 to vector<16xf32>
        %mul3A_818 = arith.mulf %get3A_816, %mul3A_817 : vector<16xf32>
        %swap3A_819 = arith.index_cast %add3A_790 : i32 to index
        %swap3A_820 = arith.constant 32 : index
        %swap3A_821 = tpu.vector_load %arg10[%swap3A_819, %swap3A_820] {strides = array<i32>} : memref<80x64xf32, #tpu.memory_space<vmem>>, vector<1x16xf32>,
        %swap3A_822 = vector.shape_cast %swap3A_821 : vector<1x16xf32> to vector<16xf32>
        %swap3A_823 = vector.shape_cast %mul3A_818 : vector<16xf32> to vector<1x16xf32>
        tpu.vector_store %arg10[%swap3A_819, %swap3A_820], %swap3A_823 {strides = array<i32>} : memref<80x64xf32, #tpu.memory_space<vmem>>, vector<1x16xf32>,
        %get3A_824 = arith.index_cast %add3A_790 : i32 to index
        %get3A_825 = arith.constant 48 : index
        %get3A_826 = tpu.vector_load %arg10[%get3A_824, %get3A_825] {strides = array<i32>} : memref<80x64xf32, #tpu.memory_space<vmem>>, vector<1x16xf32>,
        %get3A_827 = vector.shape_cast %get3A_826 : vector<1x16xf32> to vector<16xf32>
        %mul3A_828 = vector.broadcast %squeeze3A_786 : f32 to vector<16xf32>
        %mul3A_829 = arith.mulf %get3A_827, %mul3A_828 : vector<16xf32>
        %swap3A_830 = arith.index_cast %add3A_790 : i32 to index
        %swap3A_831 = arith.constant 48 : index
        %swap3A_832 = tpu.vector_load %arg10[%swap3A_830, %swap3A_831] {strides = array<i32>} : memref<80x64xf32, #tpu.memory_space<vmem>>, vector<1x16xf32>,
        %swap3A_833 = vector.shape_cast %swap3A_832 : vector<1x16xf32> to vector<16xf32>
        %swap3A_834 = vector.shape_cast %mul3A_829 : vector<16xf32> to vector<1x16xf32>
        tpu.vector_store %arg10[%swap3A_830, %swap3A_831], %swap3A_834 {strides = array<i32>} : memref<80x64xf32, #tpu.memory_space<vmem>>, vector<1x16xf32>,
      }
      %scan3A_31 = arith.constant 5 : i32
      "tpu.region"() ({
        %run_scoped3A = tpu.sem_alloc : memref<!tpu.dma_semaphore, #tpu.memory_space<semaphore_mem>>
        %dma_start3A = arith.constant 0 : i32
        %dma_start3A_32 = tpu.memref_slice %arg8[%scan3A_25, %dma_start3A] : memref<125x80xi32, #tpu.memory_space<vmem>> -> memref<1x80xi32, #tpu.memory_space<vmem>>
        %dma_start3A_33 = tpu.memref_squeeze %dma_start3A_32 : memref<1x80xi32, #tpu.memory_space<vmem>> -> memref<80xi32, #tpu.memory_space<vmem>>
        %dma_start3A_34 = arith.constant 0 : i32
        %dma_start3A_35 = arith.constant 0 : i32
        %dma_start3A_36 = tpu.memref_slice %arg12[%dma_start3A_34, %dma_start3A_35] : memref<10240x64xf32, #tpu.memory_space<vmem_shared>> -> memref<10240x64xf32, #tpu.memory_space<vmem_shared>>
        tpu.enqueue_indirect_dma source(%arg10 : memref<80x64xf32, #tpu.memory_space<vmem>>) target(%dma_start3A_36 : memref<10240x64xf32, #tpu.memory_space<vmem_shared>>) offsets(%dma_start3A_33 : memref<80xi32, #tpu.memory_space<vmem>>) semaphore(%run_scoped3A : memref<!tpu.dma_semaphore, #tpu.memory_space<semaphore_mem>>) {add = true}
        %dma_wait3A = arith.constant 0 : i32
        %dma_wait3A_37 = tpu.memref_slice %arg8[%scan3A_25, %dma_wait3A] : memref<125x80xi32, #tpu.memory_space<vmem>> -> memref<1x80xi32, #tpu.memory_space<vmem>>
        %dma_wait3A_38 = tpu.memref_squeeze %dma_wait3A_37 : memref<1x80xi32, #tpu.memory_space<vmem>> -> memref<80xi32, #tpu.memory_space<vmem>>
        %dma_wait3A_39 = arith.constant 0 : i32
        %dma_wait3A_40 = arith.constant 0 : i32
        %dma_wait3A_41 = tpu.memref_slice %arg12[%dma_wait3A_39, %dma_wait3A_40] : memref<10240x64xf32, #tpu.memory_space<vmem_shared>> -> memref<10240x64xf32, #tpu.memory_space<vmem_shared>>
        tpu.wait_indirect_dma semaphore(%run_scoped3A : memref<!tpu.dma_semaphore, #tpu.memory_space<semaphore_mem>>) src(%arg10 : memref<80x64xf32, #tpu.memory_space<vmem>>) dst(%dma_wait3A_41 : memref<10240x64xf32, #tpu.memory_space<vmem_shared>>)
        tpu.yield
      }) : () -> ()
    }
    %scan3A_23 = arith.constant 125 : i32
    %barrier3A_24 = arith.constant 0 : index
    tpu.barrier barrier_id(%barrier3A_24)
    "tpu.region"() ({
      %run_scoped3A = tpu.sem_alloc : memref<!tpu.dma_semaphore, #tpu.memory_space<semaphore_mem>>
      %dma_start3A = arith.constant 0 : i32
      %dma_start3A_25 = tpu.memref_slice %arg6[%arg0, %multiple_of3A, %dma_start3A] : memref<2x10240x64xf32, #tpu.memory_space<hbm>> -> memref<1x640x64xf32, #tpu.memory_space<hbm>>
      %dma_start3A_26 = tpu.memref_squeeze %dma_start3A_25 : memref<1x640x64xf32, #tpu.memory_space<hbm>> -> memref<640x64xf32, #tpu.memory_space<hbm>>
      %dma_start3A_27 = arith.constant 0 : i32
      %dma_start3A_28 = tpu.memref_slice %arg12[%multiple_of3A, %dma_start3A_27] : memref<10240x64xf32, #tpu.memory_space<vmem_shared>> -> memref<640x64xf32, #tpu.memory_space<vmem_shared>>
      tpu.enqueue_dma source(%dma_start3A_28 : memref<640x64xf32, #tpu.memory_space<vmem_shared>>) target(%dma_start3A_26 : memref<640x64xf32, #tpu.memory_space<hbm>>) target_semaphore(%run_scoped3A : memref<!tpu.dma_semaphore, #tpu.memory_space<semaphore_mem>>)
      %dma_wait3A = arith.constant 0 : i32
      %dma_wait3A_29 = tpu.memref_slice %arg6[%arg0, %multiple_of3A, %dma_wait3A] : memref<2x10240x64xf32, #tpu.memory_space<hbm>> -> memref<1x640x64xf32, #tpu.memory_space<hbm>>
      %dma_wait3A_30 = tpu.memref_squeeze %dma_wait3A_29 : memref<1x640x64xf32, #tpu.memory_space<hbm>> -> memref<640x64xf32, #tpu.memory_space<hbm>>
      %dma_wait3A_31 = arith.constant 0 : i32
      %dma_wait3A_32 = tpu.memref_slice %arg12[%multiple_of3A, %dma_wait3A_31] : memref<10240x64xf32, #tpu.memory_space<vmem_shared>> -> memref<640x64xf32, #tpu.memory_space<vmem_shared>>
      tpu.wait_dma2 semaphore(%run_scoped3A : memref<!tpu.dma_semaphore, #tpu.memory_space<semaphore_mem>>) src(%dma_wait3A_32 : memref<640x64xf32, #tpu.memory_space<vmem_shared>>) dst(%dma_wait3A_30 : memref<640x64xf32, #tpu.memory_space<hbm>>)
      tpu.yield
    }) : () -> ()
    return
  }
}

module attributes {stable_mosaic.version = 14 : i64} {
  func.func @body(%arg0: i32, %arg1: memref<2x1000x64xf32, #tpu.memory_space<vmem>>, %arg2: memref<2x64x256xf32, #tpu.memory_space<vmem>>, %arg3: memref<1x256xf32, #tpu.memory_space<vmem>>, %arg4: memref<256x64xf32, #tpu.memory_space<vmem>>, %arg5: memref<1000x64xf32, #tpu.memory_space<vmem>>) attributes {dimension_semantics = [#tpu.dimension_semantics<arbitrary>], iteration_bounds = array<i64: 10>, scalar_prefetch = 0 : i64, scratch_operands = 0 : i64, tpu.core_type = #tpu.core_type<tc>, window_params = [{transform_indices = @transform_0, window_bounds = array<i64: 2, 1000, 64>}, {pipeline_mode = #tpu.pipeline_mode<synchronous>, transform_indices = @transform_1, window_bounds = array<i64: 2, 64, 256>}, {pipeline_mode = #tpu.pipeline_mode<synchronous>, transform_indices = @transform_2, window_bounds = array<i64: 1, 256>}, {pipeline_mode = #tpu.pipeline_mode<synchronous>, transform_indices = @transform_3, window_bounds = array<i64: 256, 64>}, {transform_indices = @transform_4, window_bounds = array<i64: 1000, 64>}]} {
    %get3A = arith.constant 0 : index
    %get3A_0 = arith.constant 0 : index
    %get3A_1 = arith.constant 0 : index
    %get3A_2 = vector.load %arg1[%get3A, %get3A_0, %get3A_1] : memref<2x1000x64xf32, #tpu.memory_space<vmem>>, vector<1x1000x64xf32>
    %get3A_3 = vector.shape_cast %get3A_2 : vector<1x1000x64xf32> to vector<1000x64xf32>
    %get3A_4 = arith.constant 0 : index
    %get3A_5 = arith.constant 0 : index
    %get3A_6 = arith.constant 0 : index
    %get3A_7 = vector.load %arg2[%get3A_4, %get3A_5, %get3A_6] : memref<2x64x256xf32, #tpu.memory_space<vmem>>, vector<1x64x256xf32>
    %get3A_8 = vector.shape_cast %get3A_7 : vector<1x64x256xf32> to vector<64x256xf32>
    %dot_general3A = arith.constant dense<0.000000e+00> : vector<1000x256xf32>
    %dot_general3A_9 = tpu.matmul %get3A_3, %get3A_8, %dot_general3A {dimension_numbers = #tpu.dot_dimension_numbers<[1], [0], [0], [1], [0, 0, 1, 1], [], []>, transpose_lhs_hint = false} : vector<1000x64xf32>, vector<64x256xf32>, vector<1000x256xf32> -> vector<1000x256xf32>
    %get3A_10 = arith.constant 1 : index
    %get3A_11 = arith.constant 0 : index
    %get3A_12 = arith.constant 0 : index
    %get3A_13 = vector.load %arg1[%get3A_10, %get3A_11, %get3A_12] : memref<2x1000x64xf32, #tpu.memory_space<vmem>>, vector<1x1000x64xf32>
    %get3A_14 = vector.shape_cast %get3A_13 : vector<1x1000x64xf32> to vector<1000x64xf32>
    %get3A_15 = arith.constant 1 : index
    %get3A_16 = arith.constant 0 : index
    %get3A_17 = arith.constant 0 : index
    %get3A_18 = vector.load %arg2[%get3A_15, %get3A_16, %get3A_17] : memref<2x64x256xf32, #tpu.memory_space<vmem>>, vector<1x64x256xf32>
    %get3A_19 = vector.shape_cast %get3A_18 : vector<1x64x256xf32> to vector<64x256xf32>
    %dot_general3A_20 = arith.constant dense<0.000000e+00> : vector<1000x256xf32>
    %dot_general3A_21 = tpu.matmul %get3A_14, %get3A_19, %dot_general3A_20 {dimension_numbers = #tpu.dot_dimension_numbers<[1], [0], [0], [1], [0, 0, 1, 1], [], []>, transpose_lhs_hint = false} : vector<1000x64xf32>, vector<64x256xf32>, vector<1000x256xf32> -> vector<1000x256xf32>
    %add3A = arith.addf %dot_general3A_9, %dot_general3A_21 : vector<1000x256xf32>
    %get3A_22 = arith.constant 0 : index
    %get3A_23 = arith.constant 0 : index
    %get3A_24 = vector.load %arg3[%get3A_22, %get3A_23] : memref<1x256xf32, #tpu.memory_space<vmem>>, vector<1x256xf32>
    %add3A_25 = vector.broadcast %get3A_24 : vector<1x256xf32> to vector<1000x256xf32>
    %add3A_26 = arith.addf %add3A, %add3A_25 : vector<1000x256xf32>
    %max3A = arith.constant 0.000000e+00 : f32
    %max3A_27 = vector.broadcast %max3A : f32 to vector<1000x256xf32>
    %max3A_28 = arith.maximumf %add3A_26, %max3A_27 : vector<1000x256xf32>
    %get3A_29 = arith.constant 0 : index
    %get3A_30 = arith.constant 0 : index
    %get3A_31 = vector.load %arg4[%get3A_29, %get3A_30] : memref<256x64xf32, #tpu.memory_space<vmem>>, vector<256x64xf32>
    %dot_general3A_32 = arith.constant dense<0.000000e+00> : vector<1000x64xf32>
    %dot_general3A_33 = tpu.matmul %max3A_28, %get3A_31, %dot_general3A_32 {dimension_numbers = #tpu.dot_dimension_numbers<[1], [0], [0], [1], [0, 0, 1, 1], [], []>, transpose_lhs_hint = false} : vector<1000x256xf32>, vector<256x64xf32>, vector<1000x64xf32> -> vector<1000x64xf32>
    %swap3A = arith.constant 0 : index
    %swap3A_34 = arith.constant 0 : index
    %swap3A_35 = vector.load %arg5[%swap3A, %swap3A_34] : memref<1000x64xf32, #tpu.memory_space<vmem>>, vector<1000x64xf32>
    tpu.vector_store %arg5[%swap3A, %swap3A_34], %dot_general3A_33 {strides = array<i32>} : memref<1000x64xf32, #tpu.memory_space<vmem>>, vector<1000x64xf32>,
    return
  }
  func.func @transform_0(%arg0: i32) -> (i32, i32, i32) {
    %c0_i32 = arith.constant 0 : i32
    %c0_i32_0 = arith.constant 0 : i32
    %c0_i32_1 = arith.constant 0 : i32
    return %c0_i32, %arg0, %c0_i32_0 : i32, i32, i32
  }
  func.func @transform_1(%arg0: i32) -> (i32, i32, i32) {
    %c0_i32 = arith.constant 0 : i32
    %c0_i32_0 = arith.constant 0 : i32
    %c0_i32_1 = arith.constant 0 : i32
    %c0_i32_2 = arith.constant 0 : i32
    return %c0_i32, %c0_i32_0, %c0_i32_1 : i32, i32, i32
  }
  func.func @transform_2(%arg0: i32) -> (i32, i32) {
    %c0_i32 = arith.constant 0 : i32
    %c0_i32_0 = arith.constant 0 : i32
    %c0_i32_1 = arith.constant 0 : i32
    return %c0_i32, %c0_i32_0 : i32, i32
  }
  func.func @transform_3(%arg0: i32) -> (i32, i32) {
    %c0_i32 = arith.constant 0 : i32
    %c0_i32_0 = arith.constant 0 : i32
    %c0_i32_1 = arith.constant 0 : i32
    return %c0_i32, %c0_i32_0 : i32, i32
  }
  func.func @transform_4(%arg0: i32) -> (i32, i32) {
    %c0_i32 = arith.constant 0 : i32
    %c0_i32_0 = arith.constant 0 : i32
    return %arg0, %c0_i32 : i32, i32
  }
}

module attributes {stable_mosaic.version = 14 : i64} {
  func.func @body(%arg0: i32, %arg1: memref<2x1000x64xf32, #tpu.memory_space<vmem>>, %arg2: memref<1x64xf32, #tpu.memory_space<vmem>>, %arg3: memref<64x128xf32, #tpu.memory_space<vmem>>, %arg4: memref<1x128xf32, #tpu.memory_space<vmem>>, %arg5: memref<1000x64xf32, #tpu.memory_space<vmem>>, %arg6: memref<1000x128xf32, #tpu.memory_space<vmem>>) attributes {dimension_semantics = [#tpu.dimension_semantics<arbitrary>], iteration_bounds = array<i64: 10>, scalar_prefetch = 0 : i64, scratch_operands = 0 : i64, tpu.core_type = #tpu.core_type<tc>, window_params = [{transform_indices = @transform_0, window_bounds = array<i64: 2, 1000, 64>}, {pipeline_mode = #tpu.pipeline_mode<synchronous>, transform_indices = @transform_1, window_bounds = array<i64: 1, 64>}, {pipeline_mode = #tpu.pipeline_mode<synchronous>, transform_indices = @transform_2, window_bounds = array<i64: 64, 128>}, {pipeline_mode = #tpu.pipeline_mode<synchronous>, transform_indices = @transform_3, window_bounds = array<i64: 1, 128>}, {transform_indices = @transform_4, window_bounds = array<i64: 1000, 64>}, {transform_indices = @transform_5, window_bounds = array<i64: 1000, 128>}]} {
    %get3A = arith.constant 0 : index
    %get3A_0 = arith.constant 0 : index
    %get3A_1 = arith.constant 0 : index
    %get3A_2 = vector.load %arg1[%get3A, %get3A_0, %get3A_1] : memref<2x1000x64xf32, #tpu.memory_space<vmem>>, vector<1x1000x64xf32>
    %get3A_3 = vector.shape_cast %get3A_2 : vector<1x1000x64xf32> to vector<1000x64xf32>
    %get3A_4 = arith.constant 1 : index
    %get3A_5 = arith.constant 0 : index
    %get3A_6 = arith.constant 0 : index
    %get3A_7 = vector.load %arg1[%get3A_4, %get3A_5, %get3A_6] : memref<2x1000x64xf32, #tpu.memory_space<vmem>>, vector<1x1000x64xf32>
    %get3A_8 = vector.shape_cast %get3A_7 : vector<1x1000x64xf32> to vector<1000x64xf32>
    %add3A = arith.addf %get3A_3, %get3A_8 : vector<1000x64xf32>
    %get3A_9 = arith.constant 0 : index
    %get3A_10 = arith.constant 0 : index
    %get3A_11 = vector.load %arg2[%get3A_9, %get3A_10] : memref<1x64xf32, #tpu.memory_space<vmem>>, vector<1x64xf32>
    %add3A_12 = vector.broadcast %get3A_11 : vector<1x64xf32> to vector<1000x64xf32>
    %add3A_13 = arith.addf %add3A, %add3A_12 : vector<1000x64xf32>
    %reduce_max3A = arith.constant dense<0xFF800000> : vector<1000xf32>
    %reduce_max3A_14 = vector.multi_reduction <maximumf>, %add3A_13, %reduce_max3A [1] : vector<1000x64xf32> to vector<1000xf32>
    %broadcast_in_dim3A = vector.shape_cast %reduce_max3A_14 : vector<1000xf32> to vector<1000x1xf32>
    %sub3A = vector.broadcast %broadcast_in_dim3A : vector<1000x1xf32> to vector<1000x64xf32>
    %sub3A_15 = arith.subf %add3A_13, %sub3A : vector<1000x64xf32>
    %exp3A = math.exp %sub3A_15 : vector<1000x64xf32>
    %reduce_sum3A = arith.constant dense<0.000000e+00> : vector<1000xf32>
    %reduce_sum3A_16 = vector.multi_reduction <add>, %exp3A, %reduce_sum3A [1] : vector<1000x64xf32> to vector<1000xf32>
    %broadcast_in_dim3A_17 = vector.shape_cast %reduce_sum3A_16 : vector<1000xf32> to vector<1000x1xf32>
    %log3A = math.log %broadcast_in_dim3A_17 : vector<1000x1xf32>
    %add3A_18 = arith.addf %log3A, %broadcast_in_dim3A : vector<1000x1xf32>
    %sub3A_19 = vector.broadcast %add3A_18 : vector<1000x1xf32> to vector<1000x64xf32>
    %sub3A_20 = arith.subf %add3A_13, %sub3A_19 : vector<1000x64xf32>
    %swap3A = arith.constant 0 : index
    %swap3A_21 = arith.constant 0 : index
    %swap3A_22 = vector.load %arg5[%swap3A, %swap3A_21] : memref<1000x64xf32, #tpu.memory_space<vmem>>, vector<1000x64xf32>
    tpu.vector_store %arg5[%swap3A, %swap3A_21], %sub3A_20 {strides = array<i32>} : memref<1000x64xf32, #tpu.memory_space<vmem>>, vector<1000x64xf32>,
    %max3A = arith.constant 0.000000e+00 : f32
    %max3A_23 = vector.broadcast %max3A : f32 to vector<1000x64xf32>
    %max3A_24 = arith.maximumf %add3A_13, %max3A_23 : vector<1000x64xf32>
    %get3A_25 = arith.constant 0 : index
    %get3A_26 = arith.constant 0 : index
    %get3A_27 = vector.load %arg3[%get3A_25, %get3A_26] : memref<64x128xf32, #tpu.memory_space<vmem>>, vector<64x128xf32>
    %dot_general3A = arith.constant dense<0.000000e+00> : vector<1000x128xf32>
    %dot_general3A_28 = tpu.matmul %max3A_24, %get3A_27, %dot_general3A {dimension_numbers = #tpu.dot_dimension_numbers<[1], [0], [0], [1], [0, 0, 1, 1], [], []>, transpose_lhs_hint = false} : vector<1000x64xf32>, vector<64x128xf32>, vector<1000x128xf32> -> vector<1000x128xf32>
    %get3A_29 = arith.constant 0 : index
    %get3A_30 = arith.constant 0 : index
    %get3A_31 = vector.load %arg4[%get3A_29, %get3A_30] : memref<1x128xf32, #tpu.memory_space<vmem>>, vector<1x128xf32>
    %add3A_32 = vector.broadcast %get3A_31 : vector<1x128xf32> to vector<1000x128xf32>
    %add3A_33 = arith.addf %dot_general3A_28, %add3A_32 : vector<1000x128xf32>
    %swap3A_34 = arith.constant 0 : index
    %swap3A_35 = arith.constant 0 : index
    %swap3A_36 = vector.load %arg6[%swap3A_34, %swap3A_35] : memref<1000x128xf32, #tpu.memory_space<vmem>>, vector<1000x128xf32>
    tpu.vector_store %arg6[%swap3A_34, %swap3A_35], %add3A_33 {strides = array<i32>} : memref<1000x128xf32, #tpu.memory_space<vmem>>, vector<1000x128xf32>,
    return
  }
  func.func @transform_0(%arg0: i32) -> (i32, i32, i32) {
    %c0_i32 = arith.constant 0 : i32
    %c0_i32_0 = arith.constant 0 : i32
    %c0_i32_1 = arith.constant 0 : i32
    return %c0_i32, %arg0, %c0_i32_0 : i32, i32, i32
  }
  func.func @transform_1(%arg0: i32) -> (i32, i32) {
    %c0_i32 = arith.constant 0 : i32
    %c0_i32_0 = arith.constant 0 : i32
    %c0_i32_1 = arith.constant 0 : i32
    return %c0_i32, %c0_i32_0 : i32, i32
  }
  func.func @transform_2(%arg0: i32) -> (i32, i32) {
    %c0_i32 = arith.constant 0 : i32
    %c0_i32_0 = arith.constant 0 : i32
    %c0_i32_1 = arith.constant 0 : i32
    return %c0_i32, %c0_i32_0 : i32, i32
  }
  func.func @transform_3(%arg0: i32) -> (i32, i32) {
    %c0_i32 = arith.constant 0 : i32
    %c0_i32_0 = arith.constant 0 : i32
    %c0_i32_1 = arith.constant 0 : i32
    return %c0_i32, %c0_i32_0 : i32, i32
  }
  func.func @transform_4(%arg0: i32) -> (i32, i32) {
    %c0_i32 = arith.constant 0 : i32
    %c0_i32_0 = arith.constant 0 : i32
    return %arg0, %c0_i32 : i32, i32
  }
  func.func @transform_5(%arg0: i32) -> (i32, i32) {
    %c0_i32 = arith.constant 0 : i32
    %c0_i32_0 = arith.constant 0 : i32
    return %arg0, %c0_i32 : i32, i32
  }
}

</mosaic_0001>

<sc_bundles>
// kernel: kernel.6.cloned.1.call-start
scs
__scs_entry_jumppad:
0x0: {  	(pc) =	sbr.rel $0x88, $3  }
0x1: {  	(tag) =	ssettag $0x0;
	lr =	simm.s32 $0x1  }
0x2: {  	[smem:$0x3F98] =	sst lr;
	_ =	strace $0xD0000000  }
0x3: {  	_ = 	snop  }
0x4: {  	_ = 	snop  }
0x5: {  	_ = 	snop  }
0x6: {  	_ = 	snop  }
0x7: {  	_ = 	snop  }
__scs_overlays_trampoline_lowered:
0x8: {  	[smem:$0x3FA7] =	sst s0  }
0x9: {  	[smem:$0x3FA8] =	sst s1  }
0xa: {  	[smem:$0x3FA9] =	sst s2  }
0xb: {  	[smem:$0x3FAA] =	sst s3  }
0xc: {  	[smem:$0x3FAB] =	sst s4  }
0xd: {  	[smem:$0x3FAC] =	sst s5  }
0xe: {  	[smem:$0x3FAD] =	sst s6  }
0xf: {  	[smem:$0x3FAE] =	sst s7  }
0x10: {  	[smem:$0x3FAF] =	sst s8  }
0x11: {  	[smem:$0x3FB0] =	sst s9;
	s0 =	simm.s32 @!p0 $0x0  }
0x12: {  	s1 =	sld [smem:$0x3F96];
	s0 =	simm.s32 @p0 $0x1  }
0x13: {  	[smem:$0x3FB1] =	sst s0;
	s0 =	simm.s32 @!p1 $0x0  }
0x14: {  	s2 =	sld [smem:$0x3F95];
	s0 =	simm.s32 @p1 $0x1  }
0x15: {  	[smem:$0x3FB2] =	sst s0;
	s0 =	simm.s32 @!p2 $0x0  }
0x16: {  	s3 =	sld [smem:$0x3FDB];
	s0 =	simm.s32 @p2 $0x1  }
0x17: {  	s4 =	simm.s32 $0x1BF5;
	[smem:$0x3FB4] =	sst s0  }
0x18: {  	s0 =	sld [smem:$0x3F97];
	_ =	swait.ge [sflag:s4], $0x0  }
0x19: {  	s7 =	sld [smem:$0x3F98]  }
0x1a: {  	s8 =	sadd.s32 $0xFFFFE003, lr  }
0x1b: {  	s9 =	sadd.s32 $0xFFFFFEF7, lr;
	s5 =	simm.s32 $0xFFFFFFFF;
	p2 =	slt.u32 s8, $0xFFFFF086  }
0x1c: {  	p1 =	slt.u32 s9, $0xF7A;
	s5 =	simm.s32 @!p2 $0x0  }
0x1d: {  	s5 =	simm.s32 @p1 $0x1;
	p0 =	seq.s32 s7, s2  }
0x1e: {  	s7 =	smul.u32 @!p0 $0xF7A, s2;
	p2 =	seq.s32 @!p0 s5, $0x0  }
0x1f: {  	s9 =	smul.u32 $0xF7A, s1;
	s8 =	simm.s32 @!p0 $0x1BF5;
	p2 =	por !p2, p0  }
0x20: {  	[sflag:s8] =	ssyncset.s32 @!p0 $0xFFFFF086;
	s6 =	sadd.s32 @!p0 s3, s7;
	s7 =	simm.s32 @!p0 $0x108  }
0x21: {  	s3 =	sadd.s32 s3, s9;
	s6 =	sadd.s32 @!p0 $0x88, s6;
	s7 =	simm.s32 @p2 $0x1082  }
0x22: {  	[simem:s7], [sflag:s8] =	dma.local @!p0 [hbm:s6], $0xF7A  }
0x23: {  	s9 =	sor.u32 $0xD0000000, s2;
	s6 =	simm.s32 $0x108;
	_ =	swait.ge @!p0 [sflag:s8], $0x0  }
0x24: {  	s3 =	sadd.s32 $0x88, s3;
	s6 =	simm.s32 @!p1 $0x1082;
	[sflag:s4] =	ssyncset.s32 $0xFFFFF086  }
0x25: {  	[simem:s6], [sflag:s4] =	dma.local [hbm:s3], $0xF7A  }
0x26: {  	[smem:$0x3F98] =	sst s1;
	(tag) =	ssettag s2;
	_ =	strace s9  }
0x27: {  	s1 =	sld [smem:$0x3FA8]  }
0x28: {  	s2 =	sld [smem:$0x3FA9]  }
0x29: {  	s4 =	sld [smem:$0x3FAB]  }
0x2a: {  	p0 =	seq.s32 s5, $0x0;
	s5 =	sld [smem:$0x3FAC]  }
0x2b: {  	s6 =	sld [smem:$0x3FAD]  }
0x2c: {  	s7 =	sld [smem:$0x3FAE]  }
0x2d: {  	s3 =	simm.s32 $0x108;
	s8 =	sld [smem:$0x3FAF]  }
0x2e: {  	s3 =	simm.s32 @!p0 $0x1082;
	s9 =	sld [smem:$0x3FB0]  }
0x2f: {  	lr =	sadd.s32 s0, s3;
	s0 =	sld [smem:$0x3FA7]  }
0x30: {  	s3 =	sld [smem:$0x3FAA]  }
0x31: {  	[smem:$0x3FB3] =	sst s10  }
0x32: {  	s10 =	sld [smem:$0x3FB1];
	_ =	sdelay $0x3  }
0x33: {  	p0 =	seq.s32 s10, $0x1;
	s10 =	sld [smem:$0x3FB3];
	_ =	sdelay $0x3  }
0x34: {  	[smem:$0x3FB3] =	sst s10  }
0x35: {  	s10 =	sld [smem:$0x3FB2];
	_ =	sdelay $0x3  }
0x36: {  	p1 =	seq.s32 s10, $0x1;
	s10 =	sld [smem:$0x3FB3];
	_ =	sdelay $0x3  }
0x37: {  	[smem:$0x3FB3] =	sst s10  }
0x38: {  	s10 =	sld [smem:$0x3FB4]  }
0x39: {  	_ = 	snop;
	(pc) =	sbr.ind lr, $3  }
0x3a: {  	_ = 	snop  }
0x3b: {  	_ = 	snop  }
0x3c: {  	p2 =	seq.s32 s10, $0x1;
	s10 =	sld [smem:$0x3FB3]  }
0x3d: {  	_ =	shalt  }
0x3e: {  	_ =	shalt  }
0x3f: {  	_ =	shalt  }
0x40: {  	_ =	shalt  }
0x41: {  	_ =	shalt  }
0x42: {  	_ =	shalt  }
0x43: {  	_ =	shalt  }
0x44: {  	_ =	shalt  }
0x45: {  	_ =	shalt  }
0x46: {  	_ =	shalt  }
0x47: {  	_ =	shalt  }
0x48: {  	_ =	shalt  }
0x49: {  	_ =	shalt  }
0x4a: {  	_ =	shalt  }
0x4b: {  	_ =	shalt  }
0x4c: {  	_ =	shalt  }
0x4d: {  	_ =	shalt  }
0x4e: {  	_ =	shalt  }
0x4f: {  	_ =	shalt  }
0x50: {  	_ =	shalt  }
0x51: {  	_ =	shalt  }
0x52: {  	_ =	shalt  }
0x53: {  	_ =	shalt  }
0x54: {  	_ =	shalt  }
0x55: {  	_ =	shalt  }
0x56: {  	_ =	shalt  }
0x57: {  	_ =	shalt  }
0x58: {  	_ =	shalt  }
0x59: {  	_ =	shalt  }
0x5a: {  	_ =	shalt  }
0x5b: {  	_ =	shalt  }
0x5c: {  	_ =	shalt  }
0x5d: {  	_ =	shalt  }
0x5e: {  	_ =	shalt  }
0x5f: {  	_ =	shalt  }
0x60: {  	_ =	shalt  }
0x61: {  	_ =	shalt  }
0x62: {  	_ =	shalt  }
0x63: {  	_ =	shalt  }
0x64: {  	_ =	shalt  }
0x65: {  	_ =	shalt  }
0x66: {  	_ =	shalt  }
0x67: {  	_ =	shalt  }
0x68: {  	_ =	shalt  }
0x69: {  	_ =	shalt  }
0x6a: {  	_ =	shalt  }
0x6b: {  	_ =	shalt  }
0x6c: {  	_ =	shalt  }
0x6d: {  	_ =	shalt  }
0x6e: {  	_ =	shalt  }
0x6f: {  	_ =	shalt  }
0x70: {  	_ =	shalt  }
0x71: {  	_ =	shalt  }
0x72: {  	_ =	shalt  }
0x73: {  	_ =	shalt  }
0x74: {  	_ =	shalt  }
0x75: {  	_ =	shalt  }
0x76: {  	_ =	shalt  }
0x77: {  	_ =	shalt  }
0x78: {  	_ =	shalt  }
0x79: {  	_ =	shalt  }
0x7a: {  	_ =	shalt  }
0x7b: {  	_ =	shalt  }
0x7c: {  	_ =	shalt  }
0x7d: {  	_ =	shalt  }
0x7e: {  	_ =	shalt  }
0x7f: {  	_ =	shalt  }
0x80: {  	_ =	shalt  }
0x81: {  	_ =	shalt  }
0x82: {  	_ =	shalt  }
0x83: {  	_ =	shalt  }
0x84: {  	_ =	shalt  }
0x85: {  	_ =	shalt  }
0x86: {  	_ =	shalt  }
0x87: {  	_ =	shalt  }
.Lfunc_end0:
.L_simem_size_0:
called_computation_lowered:
.L_overlay_start_0:
0x88: {  	s2 =	sld [smem:$0x3FD9]  }
0x89: {  	s3 =	sld [smem:$0x3FFE];
	_ =	sdelay $0x1  }
0x8a: {  	s1 =	srdreg.scid  }
0x8b: {  	s0 =	sand.u32 $0x1, s1  }
0x8c: {  	s14 =	sshll.u32 s0, $0xA;
	s2 =	sadd.s32 s3, s2  }
0x8d: {  	s2 =	sadd.s32 s2, s14  }
0x8e: {  	[smem:$0x3FBF] =	sst s2  }
0x8f: {  	_ = 	snop  }
0x90: {  	s2 =	sld [smem:$0x3FD0];
	_ =	sdelay $0x2  }
0x91: {  	s4 =	simm.s32 $0xA;
	s5 =	simm.s32 $0x10;
	s15 =	sld [smem:$0x3FC7]  }
0x92: {  	[smem:s5], [sflag:s4] =	dma.local [hbm:s2], $0x1  }
0x93: {  	_ =	swait.eq [sflag:s4], $0x1  }
0x94: {  	[sflag:s4] =	ssyncset.done $0x0  }
0x95: {  	[sflag:s4] =	ssyncadd.s32 $0xFFFFFFFF  }
0x96: {  	s16 =	sld [smem:$0x11];
	(tm) =	ssettm $0x1  }
0x97: {  	s17 =	sld [smem:$0x3FFB];
	_ =	sdelay $0x3  }
0x98: {  	_ =	strace s17  }
0x99: {  	s4 =	sld [smem:$0x3FFC];
	_ =	sdelay $0x3  }
0x9a: {  	_ =	strace s4  }
0x9b: {  	s4 =	sld [smem:$0x3FFD];
	_ =	sdelay $0x3  }
0x9c: {  	_ =	strace s4  }
0x9d: {  	_ =	strace $0x8FFFFFFF  }
0x9e: {  	s18 =	sld [smem:$0x3FDB];
	_ =	sdelay $0x1  }
0x9f: {  	s19 =	simm.s32 $_scs_section_size  }
0xa0: {  	s6 =	simm.s32 $_size__tile_overlayer_lowered;
	s7 =	simm.s32 $_tile_overlayer_lowered  }
0xa1: {  	s22 =	simm.s32 $0x1BFF;
	s21 =	sshll.u32 s7, $0x1;
	s4 =	sadd.s32 s19, s18  }
0xa2: {  	s8 =	simm.s32 $0x0;
	s20 =	sshll.u32 s6, $0x1;
	s6 =	sadd.s32 s21, s4  }
0xa3: {  	[timem:s8], [sflag:s22] =	dma.local [hbm:s6], s20  }
0xa4: {  	_ =	swait.ge [sflag:s22], s20  }
0xa5: {  	s5 =	ssub.s32 $0x0, s20;
	[sflag:s22] =	ssyncset.done $0x0  }
0xa6: {  	[sflag:s22] =	ssyncadd.s32 s5;
	_ =	sdelay $0x1  }
0xa7: {  	s23 =	simm.s32 $0x1B8B  }
0xa8: {  	_ =	swait.ge [sflag:s23], $0x1  }
0xa9: {  	[sflag:s23] =	ssyncset.done $0x0  }
0xaa: {  	s25 =	simm.s32 $0x1B8E;
	s24 =	sld [smem:$0x3FFE];
	[sflag:s23] =	ssyncadd.s32 $0xFFFFFFFF  }
0xab: {  	s26 =	simm.s32 $execute0_lowered;
	[smem:$0x3FD2] =	sst s25  }
0xac: {  	s6 =	sshll.u32 s26, $0x1;
	_ =	strace $0x80000046;
	[dreg:$0x1] =	wrdreg $0xFFFFFFFF  }
0xad: {  	s28 =	simm.s32 $_size_execute0_lowered;
	s4 =	sadd.s32 s4, s6;
	[dreg:$0x0] =	wrdreg $0x0  }
0xae: {  	s6 =	sshll.u32 s28, $0x1;
	[dreg:$0x2] =	wrdreg s4  }
0xaf: {  	[dreg:$0x3] =	wrdreg s6  }
0xb0: {  	[dreg:$0x4] =	wrdreg $0xC0  }
0xb1: {  	_ =	task [dreg:s8], $0x5FFFF  }
0xb2: {  	[dreg:$0x1] =	wrdreg $0xFFFFFFFF  }
0xb3: {  	[dreg:$0x0] =	wrdreg $0x60  }
0xb4: {  	[dreg:$0x2] =	wrdreg s16  }
0xb5: {  	[dreg:$0x3] =	wrdreg s24  }
0xb6: {  	[dreg:$0x4] =	wrdreg s15  }
0xb7: {  	[dreg:$0x5] =	wrdreg $0x11E600  }
0xb8: {  	[dreg:$0x6] =	wrdreg $0x9  }
0xb9: {  	_ =	task.clear_ibuf [dreg:s8], $0x7FFFF;
	_ =	strace $0x90000046  }
0xba: {  	s29 =	simm.s32 $0x9;
	_ =	strace $0x80000048  }
0xbb: {  	_ =	swait.ge [sflag:s29], $0x1  }
0xbc: {  	[sflag:s29] =	ssyncadd.s32 $0xFFFFFFFF  }
0xbd: {  	_ =	strace $0x90000048  }
0xbe: {  	_ =	sfence  }
0xbf: {  	s30 =	sld [smem:$0x0];
	_ =	sdelay $0x2  }
0xc0: {  	s31 =	sshll.u32 s1, $0xD;
	s1 =	sshrl.u32 s1, $0x2  }
0xc1: {  	s3 =	sand.u32 $0x4000, s31;
	s1 =	sadd.s32 s1, s30  }
0xc2: {  	s0 =	sor.u32 s3, s0;
	s1 =	sshll.u32 s1, $0x11  }
0xc3: {  	s0 =	sor.u32 s1, s0  }
0xc4: {  	s0 =	sadd.s32 $0x8F2B, s0  }
0xc5: {  	[sflag:s0] =	ssyncadd.remote.s32 $0x1  }
0xc6: {  	_ =	sfence.sel $0xFFFF  }
0xc7: {  	[dreg:$0x0] =	wrdreg $0xFFFFFFFF;
	(pc) =	sbr.abs _section_cstart, $3  }
0xc8: {  	[dreg:$0x1] =	wrdreg $0xFFFFFFFF  }
0xc9: {  	_ =	task.clear_ibuf [dreg:s8], $0x2FFFF;
	_ =	strace $0x9FFFFFFF  }
0xca: {  	(tm) =	ssettm $0x7FFFFFFF  }
0xcb: {  	_ =	shalt  }
tec
execute0_lowered:
.L_overlay_start_1:
0x0: {  	(tag) =	ssettag $0x1  }
0x1: {  	s12 =	rddreg [dreg:$0x0]  }
0x2: {  	s4 =	rddreg [dreg:$0x1]  }
0x3: {  	s6 =	rddreg [dreg:$0x2]  }
0x4: {  	s2 =	rddreg [dreg:$0x3]  }
0x5: {  	s0 =	rddreg [dreg:$0x4]  }
0x6: {  	s1 =	stileid.u32;
	s5 =	srdreg.scid  }
0x7: {  	s3 =	simm.s32 $0x0;
	s17 =	simm.s32 $0x9C40;
	s8 =	smul.u32 $0xA000, s1  }
0x8: {  	s18 =	simm.s32 $0xFE60;
	s19 =	simm.s32 $0x50;
	s9 =	smul.u32 $0x9C4, s1  }
0x9: {  	s20 =	simm.s32 $0xEA60;
	s7 =	sand.u32 $0x1, s5;
	s13 =	smul.u32 $0x28000, s1  }
0xa: {  	s21 =	simm.s32 $0x0;
	[smem:$0x7FF] =	sst s3;
	s5 =	smul.u32 $0xA0000, s7  }
0xb: {  	_ =	strace $0x80000047;
	s10 =	ssub.s32 $0x2, s7;
	s31 =	smul.u32 $0x13880, s7  }
0xc: {  	s11 =	sshrl.u32 s10, $0x1;
	s14 =	sadd.s32 s9, s4;
	s29 =	sshrl.u32 s13, $0x2  }
0xd: {  	s6 =	sadd.s32 s6, s9;
	s7 =	sadd.s32 s8, s2;
	s5 =	sadd.s32 s8, s5  }
0xe: {  	s16 =	ssub.s32 s10, s11;
	s30 =	sadd.s32 s29, s2;
	s12 =	sadd.s32 s12, s31  }
0xf: {  	s5 =	sshrl.u32 s5, $0x3;
	s8 =	sadd.s32 $0x2000, s30;
	s9 =	sadd.s32 $0x4000, s30  }
0x10: {  	s10 =	sadd.s32 $0x6000, s30;
	s11 =	sadd.s32 $0x8000, s30;
	s15 =	sadd.s32 s5, s4  }
0x11: {  	s4 =	sadd.s32 $0xAE00, s14;
	s5 =	sadd.s32 $0x1000, s14;
	s14 =	smax.u32 s16, $0x1  }
0x12: {  	v0 =	vimm.f32 $0.0e+00;
	s16 =	simm.s32 $0x4E20;
	s13 =	sadd.s32 $0x14C00, s15;
	s15 =	simm.s32 $0x1  }
.LBB2_1:
0x13: {  	[tilespmem:s3], [sflag:$0x1] =	stream.linear.gather [hbm4b:s4+s3], $0x4E20, $0x38;
	[tilespmem:$0x1BE60] =	vst v63  }
0x14: {  	_ =	swait.ge [sflag:s15], $0x4E20  }
0x15: {  	[sflag:s15] =	ssyncset.done $0x0  }
0x16: {  	[sflag:s15] =	ssyncadd.s32 $0xFFFFB1E0  }
0x17: {  	[tilespmem:s16], [sflag:$0x1] =	stream.linear.gather [hbm4b:s5+s3], $0x4E20, $0x38;
	[tilespmem:$0x1BE60] =	vst v63  }
0x18: {  	_ =	swait.ge [sflag:s15], $0x4E20  }
0x19: {  	[sflag:s15] =	ssyncset.done $0x0  }
0x1a: {  	[sflag:s15] =	ssyncadd.s32 $0xFFFFB1E0  }
0x1b: {  	[tilespmem:s17], [sflag:$0x1] =	stream.linear.gather [hbm4b:s6+s3], $0x4E20, $0x38;
	[tilespmem:$0x1BE60] =	vst v63  }
0x1c: {  	_ =	swait.ge [sflag:s15], $0x4E20  }
0x1d: {  	[sflag:s15] =	ssyncset.done $0x0  }
0x1e: {  	s23 =	simm.s32 $0x100;
	s22 =	simm.s32 $0x0;
	[sflag:s15] =	ssyncadd.s32 $0xFFFFB1E0  }
.LBB2_2:
0x1f: {  	p0 =	sne.s32 s23, $0x7F00;
	[tilespmem:s22+$0xFE90] =	vst v0;
	s24 =	smov.u32 s23;
	s23 =	sadd.s32 $0x100, s23  }
.Ltmp0:
0x20: {  	[tilespmem:s22+$0xFE80] =	vst v0;
	(pc) =	sbr.rel @p0 .LBB2_2-.Ltmp0, $3  }
0x21: {  	[tilespmem:s22+$0xFE60] =	vst v0  }
0x22: {  	[tilespmem:s22+$0xFE70] =	vst v0;
	_ =	sdelay $0x1  }
0x23: {  	s22 =	sshra.s32 s24, $0x2  }
0x24: {  	[tilespmem:s22+$0xFE90] =	vst v0  }
0x25: {  	[tilespmem:s22+$0xFE80] =	vst v0  }
0x26: {  	[tilespmem:s22+$0xFE60] =	vst v0  }
0x27: {  	[tilespmem:s22+$0xFE70] =	vst v0  }
0x28: {  	[spmem:s7] =	stream.linear.scatter [tilespmem:s18], [sflag:$0x1], $0x2000, $0x38;
	[tilespmem:$0x1BE60] =	vst v63  }
0x29: {  	_ =	swait.ge [sflag:s15], $0x2000  }
0x2a: {  	[sflag:s15] =	ssyncset.done $0x0  }
0x2b: {  	[sflag:s15] =	ssyncadd.s32 $0xFFFFE000  }
0x2c: {  	[spmem:s8] =	stream.linear.scatter [tilespmem:s18], [sflag:$0x1], $0x2000, $0x38;
	[tilespmem:$0x1BE60] =	vst v63  }
0x2d: {  	_ =	swait.ge [sflag:s15], $0x2000  }
0x2e: {  	[sflag:s15] =	ssyncset.done $0x0  }
0x2f: {  	[sflag:s15] =	ssyncadd.s32 $0xFFFFE000  }
0x30: {  	[spmem:s9] =	stream.linear.scatter [tilespmem:s18], [sflag:$0x1], $0x2000, $0x38;
	[tilespmem:$0x1BE60] =	vst v63  }
0x31: {  	_ =	swait.ge [sflag:s15], $0x2000  }
0x32: {  	[sflag:s15] =	ssyncset.done $0x0  }
0x33: {  	[sflag:s15] =	ssyncadd.s32 $0xFFFFE000  }
0x34: {  	[spmem:s10] =	stream.linear.scatter [tilespmem:s18], [sflag:$0x1], $0x2000, $0x38;
	[tilespmem:$0x1BE60] =	vst v63  }
0x35: {  	_ =	swait.ge [sflag:s15], $0x2000  }
0x36: {  	[sflag:s15] =	ssyncset.done $0x0  }
0x37: {  	[sflag:s15] =	ssyncadd.s32 $0xFFFFE000  }
0x38: {  	[spmem:s11] =	stream.linear.scatter [tilespmem:s18], [sflag:$0x1], $0x2000, $0x38;
	[tilespmem:$0x1BE60] =	vst v63  }
0x39: {  	_ =	swait.ge [sflag:s15], $0x2000  }
0x3a: {  	[sflag:s15] =	ssyncset.done $0x0  }
0x3b: {  	[sflag:s15] =	ssyncadd.s32 $0xFFFFE000  }
0x3c: {  	s22 =	simm.s32 $0x0;
	s23 =	simm.s32 $0x9C40;
	[bflag:$0x0] =	sbarrier.arrive $0xFFFF  }
.LBB2_4:
0x3d: {  	s24 =	smul.u32 $0x50, s22;
	_ =	sdelay $0x1  }
0x3e: {  	v1 =	vmov s23;
	[tilespmem:s20], [sflag:$0x1] =	stream.indirect.gather [hbm4b:s12+s19], $0x40, s24, s19, $0xb8;
	[tilespmem:$0x1BE60] =	vst v63  }
0x3f: {  	_ =	swait.ge [sflag:s15], $0x1400  }
0x40: {  	[sflag:s15] =	ssyncset.done $0x0  }
0x41: {  	s25 =	simm.s32 $0xEC60;
	s26 =	simm.s32 $0x0;
	[sflag:s15] =	ssyncadd.s32 $0xFFFFEC00  }
.LBB2_5:
0x42: {  	s28 =	sshra.s32 s26, $0x2  }
0x43: {  	v2 =	vld.idx.msk [tilespmem:v1+s28+$0x0 ss:$0x1], $0xffff;
	_ =	sdelay $0x1  }
0x44: {  	v3 =	vld [tilespmem:s25+$0xFFFFFE00];
	_ =	sdelay $0x2  }
0x45: {  	v4 =	vbroadcast v2, $0x0;
	_ =	sdelay $0x1  }
0x46: {  	v3 =	vmul.f32 v4, v3;
	_ =	sdelay $0x1  }
0x47: {  	[tilespmem:s25+$0xFFFFFE00] =	vst v3;
	v3 =	vld [tilespmem:s25+$0xFFFFFE10];
	_ =	sdelay $0x4  }
0x48: {  	v3 =	vmul.f32 v3, v4;
	_ =	sdelay $0x1  }
0x49: {  	[tilespmem:s25+$0xFFFFFE10] =	vst v3;
	v3 =	vld [tilespmem:s25+$0xFFFFFE20];
	_ =	sdelay $0x4  }
0x4a: {  	v3 =	vmul.f32 v3, v4;
	_ =	sdelay $0x1  }
0x4b: {  	[tilespmem:s25+$0xFFFFFE20] =	vst v3;
	v3 =	vld [tilespmem:s25+$0xFFFFFE30];
	_ =	sdelay $0x4  }
0x4c: {  	v3 =	vmul.f32 v3, v4;
	_ =	sdelay $0x1  }
0x4d: {  	[tilespmem:s25+$0xFFFFFE30] =	vst v3;
	v3 =	vld [tilespmem:s25+$0xFFFFFE40];
	_ =	sdelay $0x2  }
0x4e: {  	v50 =	vbroadcast v2, $0x1;
	_ =	sdelay $0x1  }
0x4f: {  	v3 =	vmul.f32 v3, v50;
	_ =	sdelay $0x1  }
0x50: {  	[tilespmem:s25+$0xFFFFFE40] =	vst v3;
	v3 =	vld [tilespmem:s25+$0xFFFFFE50];
	_ =	sdelay $0x4  }
0x51: {  	v3 =	vmul.f32 v3, v50;
	_ =	sdelay $0x1  }
0x52: {  	[tilespmem:s25+$0xFFFFFE50] =	vst v3;
	v3 =	vld [tilespmem:s25+$0xFFFFFE60];
	_ =	sdelay $0x4  }
0x53: {  	v3 =	vmul.f32 v3, v50;
	_ =	sdelay $0x1  }
0x54: {  	[tilespmem:s25+$0xFFFFFE60] =	vst v3;
	v3 =	vld [tilespmem:s25+$0xFFFFFE70];
	_ =	sdelay $0x4  }
0x55: {  	v3 =	vmul.f32 v3, v50;
	_ =	sdelay $0x1  }
0x56: {  	[tilespmem:s25+$0xFFFFFE70] =	vst v3;
	v3 =	vld [tilespmem:s25+$0xFFFFFE80];
	_ =	sdelay $0x2  }
0x57: {  	v51 =	vbroadcast v2, $0x2;
	_ =	sdelay $0x1  }
0x58: {  	v3 =	vmul.f32 v3, v51;
	_ =	sdelay $0x1  }
0x59: {  	[tilespmem:s25+$0xFFFFFE80] =	vst v3;
	v3 =	vld [tilespmem:s25+$0xFFFFFE90];
	_ =	sdelay $0x4  }
0x5a: {  	v3 =	vmul.f32 v3, v51;
	_ =	sdelay $0x1  }
0x5b: {  	[tilespmem:s25+$0xFFFFFE90] =	vst v3;
	v3 =	vld [tilespmem:s25+$0xFFFFFEA0];
	_ =	sdelay $0x4  }
0x5c: {  	v3 =	vmul.f32 v3, v51;
	_ =	sdelay $0x1  }
0x5d: {  	[tilespmem:s25+$0xFFFFFEA0] =	vst v3;
	v3 =	vld [tilespmem:s25+$0xFFFFFEB0];
	_ =	sdelay $0x4  }
0x5e: {  	v3 =	vmul.f32 v3, v51;
	_ =	sdelay $0x1  }
0x5f: {  	[tilespmem:s25+$0xFFFFFEB0] =	vst v3;
	v3 =	vld [tilespmem:s25+$0xFFFFFEC0];
	_ =	sdelay $0x2  }
0x60: {  	v52 =	vbroadcast v2, $0x3;
	_ =	sdelay $0x1  }
0x61: {  	v3 =	vmul.f32 v3, v52;
	_ =	sdelay $0x1  }
0x62: {  	[tilespmem:s25+$0xFFFFFEC0] =	vst v3;
	v3 =	vld [tilespmem:s25+$0xFFFFFED0];
	_ =	sdelay $0x4  }
0x63: {  	v3 =	vmul.f32 v3, v52;
	_ =	sdelay $0x1  }
0x64: {  	[tilespmem:s25+$0xFFFFFED0] =	vst v3;
	v3 =	vld [tilespmem:s25+$0xFFFFFEE0];
	_ =	sdelay $0x4  }
0x65: {  	v3 =	vmul.f32 v3, v52;
	_ =	sdelay $0x1  }
0x66: {  	[tilespmem:s25+$0xFFFFFEE0] =	vst v3;
	v3 =	vld [tilespmem:s25+$0xFFFFFEF0];
	_ =	sdelay $0x4  }
0x67: {  	v3 =	vmul.f32 v3, v52;
	_ =	sdelay $0x1  }
0x68: {  	[tilespmem:s25+$0xFFFFFEF0] =	vst v3;
	v3 =	vld [tilespmem:s25+$0xFFFFFF00];
	_ =	sdelay $0x2  }
0x69: {  	v53 =	vbroadcast v2, $0x4;
	_ =	sdelay $0x1  }
0x6a: {  	v3 =	vmul.f32 v3, v53;
	_ =	sdelay $0x1  }
0x6b: {  	[tilespmem:s25+$0xFFFFFF00] =	vst v3;
	v3 =	vld [tilespmem:s25+$0xFFFFFF10];
	_ =	sdelay $0x4  }
0x6c: {  	v3 =	vmul.f32 v3, v53;
	_ =	sdelay $0x1  }
0x6d: {  	[tilespmem:s25+$0xFFFFFF10] =	vst v3;
	v3 =	vld [tilespmem:s25+$0xFFFFFF20];
	_ =	sdelay $0x4  }
0x6e: {  	v3 =	vmul.f32 v3, v53;
	_ =	sdelay $0x1  }
0x6f: {  	[tilespmem:s25+$0xFFFFFF20] =	vst v3;
	v3 =	vld [tilespmem:s25+$0xFFFFFF30];
	_ =	sdelay $0x4  }
0x70: {  	v3 =	vmul.f32 v3, v53;
	_ =	sdelay $0x1  }
0x71: {  	[tilespmem:s25+$0xFFFFFF30] =	vst v3;
	v3 =	vld [tilespmem:s25+$0xFFFFFF40];
	_ =	sdelay $0x2  }
0x72: {  	v54 =	vbroadcast v2, $0x5;
	_ =	sdelay $0x1  }
0x73: {  	v3 =	vmul.f32 v3, v54;
	_ =	sdelay $0x1  }
0x74: {  	[tilespmem:s25+$0xFFFFFF40] =	vst v3;
	v3 =	vld [tilespmem:s25+$0xFFFFFF50];
	_ =	sdelay $0x4  }
0x75: {  	v3 =	vmul.f32 v3, v54;
	_ =	sdelay $0x1  }
0x76: {  	[tilespmem:s25+$0xFFFFFF50] =	vst v3;
	v3 =	vld [tilespmem:s25+$0xFFFFFF60];
	_ =	sdelay $0x4  }
0x77: {  	v3 =	vmul.f32 v3, v54;
	_ =	sdelay $0x1  }
0x78: {  	[tilespmem:s25+$0xFFFFFF60] =	vst v3;
	v3 =	vld [tilespmem:s25+$0xFFFFFF70];
	_ =	sdelay $0x4  }
0x79: {  	v3 =	vmul.f32 v3, v54;
	_ =	sdelay $0x1  }
0x7a: {  	[tilespmem:s25+$0xFFFFFF70] =	vst v3;
	v3 =	vld [tilespmem:s25+$0xFFFFFF80];
	_ =	sdelay $0x2  }
0x7b: {  	v55 =	vbroadcast v2, $0x6;
	_ =	sdelay $0x1  }
0x7c: {  	v3 =	vmul.f32 v3, v55;
	_ =	sdelay $0x1  }
0x7d: {  	[tilespmem:s25+$0xFFFFFF80] =	vst v3;
	v3 =	vld [tilespmem:s25+$0xFFFFFF90];
	_ =	sdelay $0x4  }
0x7e: {  	v3 =	vmul.f32 v3, v55;
	_ =	sdelay $0x1  }
0x7f: {  	[tilespmem:s25+$0xFFFFFF90] =	vst v3;
	v3 =	vld [tilespmem:s25+$0xFFFFFFA0];
	_ =	sdelay $0x4  }
0x80: {  	v3 =	vmul.f32 v3, v55;
	_ =	sdelay $0x1  }
0x81: {  	[tilespmem:s25+$0xFFFFFFA0] =	vst v3;
	v3 =	vld [tilespmem:s25+$0xFFFFFFB0];
	_ =	sdelay $0x4  }
0x82: {  	v3 =	vmul.f32 v3, v55;
	_ =	sdelay $0x1  }
0x83: {  	[tilespmem:s25+$0xFFFFFFB0] =	vst v3;
	v3 =	vld [tilespmem:s25+$0xFFFFFFC0];
	_ =	sdelay $0x2  }
0x84: {  	v56 =	vbroadcast v2, $0x7;
	_ =	sdelay $0x1  }
0x85: {  	v3 =	vmul.f32 v3, v56;
	_ =	sdelay $0x1  }
0x86: {  	[tilespmem:s25+$0xFFFFFFC0] =	vst v3;
	v3 =	vld [tilespmem:s25+$0xFFFFFFD0];
	_ =	sdelay $0x4  }
0x87: {  	v3 =	vmul.f32 v3, v56;
	_ =	sdelay $0x1  }
0x88: {  	[tilespmem:s25+$0xFFFFFFD0] =	vst v3;
	v3 =	vld [tilespmem:s25+$0xFFFFFFE0];
	_ =	sdelay $0x4  }
0x89: {  	v3 =	vmul.f32 v3, v56;
	_ =	sdelay $0x1  }
0x8a: {  	[tilespmem:s25+$0xFFFFFFE0] =	vst v3;
	v3 =	vld [tilespmem:s25+$0xFFFFFFF0];
	_ =	sdelay $0x4  }
0x8b: {  	v3 =	vmul.f32 v3, v56;
	_ =	sdelay $0x1  }
0x8c: {  	[tilespmem:s25+$0xFFFFFFF0] =	vst v3;
	v3 =	vld [tilespmem:s25+$0x0];
	_ =	sdelay $0x2  }
0x8d: {  	v57 =	vbroadcast v2, $0x8;
	_ =	sdelay $0x1  }
0x8e: {  	v3 =	vmul.f32 v3, v57;
	_ =	sdelay $0x1  }
0x8f: {  	[tilespmem:s25+$0x0] =	vst v3;
	v3 =	vld [tilespmem:s25+$0x10];
	_ =	sdelay $0x4  }
0x90: {  	v3 =	vmul.f32 v3, v57;
	_ =	sdelay $0x1  }
0x91: {  	[tilespmem:s25+$0x10] =	vst v3;
	v3 =	vld [tilespmem:s25+$0x20];
	_ =	sdelay $0x4  }
0x92: {  	v3 =	vmul.f32 v3, v57;
	_ =	sdelay $0x1  }
0x93: {  	[tilespmem:s25+$0x20] =	vst v3;
	v3 =	vld [tilespmem:s25+$0x30];
	_ =	sdelay $0x4  }
0x94: {  	v3 =	vmul.f32 v3, v57;
	_ =	sdelay $0x1  }
0x95: {  	[tilespmem:s25+$0x30] =	vst v3;
	v3 =	vld [tilespmem:s25+$0x40];
	_ =	sdelay $0x2  }
0x96: {  	v58 =	vbroadcast v2, $0x9;
	_ =	sdelay $0x1  }
0x97: {  	v3 =	vmul.f32 v3, v58;
	_ =	sdelay $0x1  }
0x98: {  	[tilespmem:s25+$0x40] =	vst v3;
	v3 =	vld [tilespmem:s25+$0x50];
	_ =	sdelay $0x4  }
0x99: {  	v3 =	vmul.f32 v3, v58;
	_ =	sdelay $0x1  }
0x9a: {  	[tilespmem:s25+$0x50] =	vst v3;
	v3 =	vld [tilespmem:s25+$0x60];
	_ =	sdelay $0x4  }
0x9b: {  	v3 =	vmul.f32 v3, v58;
	_ =	sdelay $0x1  }
0x9c: {  	[tilespmem:s25+$0x60] =	vst v3;
	v3 =	vld [tilespmem:s25+$0x70];
	_ =	sdelay $0x4  }
0x9d: {  	v3 =	vmul.f32 v3, v58;
	_ =	sdelay $0x1  }
0x9e: {  	[tilespmem:s25+$0x70] =	vst v3;
	v3 =	vld [tilespmem:s25+$0x80];
	_ =	sdelay $0x2  }
0x9f: {  	v59 =	vbroadcast v2, $0xA;
	_ =	sdelay $0x1  }
0xa0: {  	v3 =	vmul.f32 v3, v59;
	_ =	sdelay $0x1  }
0xa1: {  	[tilespmem:s25+$0x80] =	vst v3;
	v3 =	vld [tilespmem:s25+$0x90];
	_ =	sdelay $0x4  }
0xa2: {  	v3 =	vmul.f32 v3, v59;
	_ =	sdelay $0x1  }
0xa3: {  	[tilespmem:s25+$0x90] =	vst v3;
	v3 =	vld [tilespmem:s25+$0xA0];
	_ =	sdelay $0x4  }
0xa4: {  	v3 =	vmul.f32 v3, v59;
	_ =	sdelay $0x1  }
0xa5: {  	[tilespmem:s25+$0xA0] =	vst v3;
	v3 =	vld [tilespmem:s25+$0xB0];
	_ =	sdelay $0x4  }
0xa6: {  	v3 =	vmul.f32 v3, v59;
	_ =	sdelay $0x1  }
0xa7: {  	[tilespmem:s25+$0xB0] =	vst v3;
	v3 =	vld [tilespmem:s25+$0xC0];
	_ =	sdelay $0x2  }
0xa8: {  	v60 =	vbroadcast v2, $0xB;
	_ =	sdelay $0x1  }
0xa9: {  	v3 =	vmul.f32 v3, v60;
	_ =	sdelay $0x1  }
0xaa: {  	[tilespmem:s25+$0xC0] =	vst v3;
	v3 =	vld [tilespmem:s25+$0xD0];
	_ =	sdelay $0x4  }
0xab: {  	v3 =	vmul.f32 v3, v60;
	_ =	sdelay $0x1  }
0xac: {  	[tilespmem:s25+$0xD0] =	vst v3;
	v3 =	vld [tilespmem:s25+$0xE0];
	_ =	sdelay $0x4  }
0xad: {  	v3 =	vmul.f32 v3, v60;
	_ =	sdelay $0x1  }
0xae: {  	[tilespmem:s25+$0xE0] =	vst v3;
	v3 =	vld [tilespmem:s25+$0xF0];
	_ =	sdelay $0x4  }
0xaf: {  	v3 =	vmul.f32 v3, v60;
	_ =	sdelay $0x1  }
0xb0: {  	[tilespmem:s25+$0xF0] =	vst v3;
	v3 =	vld [tilespmem:s25+$0x100];
	_ =	sdelay $0x2  }
0xb1: {  	v61 =	vbroadcast v2, $0xC;
	_ =	sdelay $0x1  }
0xb2: {  	v3 =	vmul.f32 v3, v61;
	_ =	sdelay $0x1  }
0xb3: {  	[tilespmem:s25+$0x100] =	vst v3;
	v3 =	vld [tilespmem:s25+$0x110];
	_ =	sdelay $0x4  }
0xb4: {  	v3 =	vmul.f32 v3, v61;
	_ =	sdelay $0x1  }
0xb5: {  	[tilespmem:s25+$0x110] =	vst v3;
	v3 =	vld [tilespmem:s25+$0x120];
	_ =	sdelay $0x4  }
0xb6: {  	v3 =	vmul.f32 v3, v61;
	_ =	sdelay $0x1  }
0xb7: {  	[tilespmem:s25+$0x120] =	vst v3;
	v3 =	vld [tilespmem:s25+$0x130];
	_ =	sdelay $0x4  }
0xb8: {  	v3 =	vmul.f32 v3, v61;
	_ =	sdelay $0x1  }
0xb9: {  	[tilespmem:s25+$0x130] =	vst v3;
	v3 =	vld [tilespmem:s25+$0x140];
	_ =	sdelay $0x2  }
0xba: {  	v62 =	vbroadcast v2, $0xD;
	_ =	sdelay $0x1  }
0xbb: {  	v3 =	vmul.f32 v3, v62;
	_ =	sdelay $0x1  }
0xbc: {  	[tilespmem:s25+$0x140] =	vst v3;
	v3 =	vld [tilespmem:s25+$0x150];
	_ =	sdelay $0x4  }
0xbd: {  	v3 =	vmul.f32 v3, v62;
	_ =	sdelay $0x1  }
0xbe: {  	[tilespmem:s25+$0x150] =	vst v3;
	v3 =	vld [tilespmem:s25+$0x160];
	_ =	sdelay $0x4  }
0xbf: {  	v3 =	vmul.f32 v3, v62;
	_ =	sdelay $0x1  }
0xc0: {  	[tilespmem:s25+$0x160] =	vst v3;
	v3 =	vld [tilespmem:s25+$0x170];
	_ =	sdelay $0x4  }
0xc1: {  	v3 =	vmul.f32 v3, v62;
	_ =	sdelay $0x1  }
0xc2: {  	[tilespmem:s25+$0x170] =	vst v3;
	v3 =	vld [tilespmem:s25+$0x180];
	_ =	sdelay $0x2  }
0xc3: {  	v63 =	vbroadcast v2, $0xE;
	_ =	sdelay $0x1  }
0xc4: {  	v3 =	vmul.f32 v3, v63;
	_ =	sdelay $0x1  }
0xc5: {  	[tilespmem:s25+$0x180] =	vst v3;
	v3 =	vld [tilespmem:s25+$0x190];
	_ =	sdelay $0x4  }
0xc6: {  	v3 =	vmul.f32 v3, v63;
	_ =	sdelay $0x1  }
0xc7: {  	[tilespmem:s25+$0x190] =	vst v3;
	v3 =	vld [tilespmem:s25+$0x1A0];
	_ =	sdelay $0x4  }
0xc8: {  	v3 =	vmul.f32 v3, v63;
	_ =	sdelay $0x1  }
0xc9: {  	[tilespmem:s25+$0x1A0] =	vst v3;
	v3 =	vld [tilespmem:s25+$0x1B0];
	_ =	sdelay $0x4  }
0xca: {  	v3 =	vmul.f32 v3, v63;
	_ =	sdelay $0x1  }
0xcb: {  	[tilespmem:s25+$0x1B0] =	vst v3;
	v3 =	vld [tilespmem:s25+$0x1C0];
	_ =	sdelay $0x2  }
0xcc: {  	v2 =	vbroadcast v2, $0xF;
	_ =	sdelay $0x1  }
0xcd: {  	v3 =	vmul.f32 v3, v2;
	_ =	sdelay $0x1  }
0xce: {  	[tilespmem:s25+$0x1C0] =	vst v3;
	v3 =	vld [tilespmem:s25+$0x1D0];
	_ =	sdelay $0x4  }
0xcf: {  	v3 =	vmul.f32 v3, v2;
	_ =	sdelay $0x1  }
0xd0: {  	[tilespmem:s25+$0x1D0] =	vst v3;
	v3 =	vld [tilespmem:s25+$0x1E0];
	_ =	sdelay $0x4  }
0xd1: {  	v3 =	vmul.f32 v3, v2;
	_ =	sdelay $0x1  }
0xd2: {  	[tilespmem:s25+$0x1E0] =	vst v3;
	v3 =	vld [tilespmem:s25+$0x1F0];
	_ =	sdelay $0x1  }
0xd3: {  	p0 =	sne.s32 s26, $0x100  }
.Ltmp1:
0xd4: {  	_ = 	snop;
	(pc) =	sbr.rel @p0 .LBB2_5-.Ltmp1, $3  }
0xd5: {  	_ = 	snop  }
0xd6: {  	v2 =	vmul.f32 v3, v2;
	_ =	sdelay $0x1  }
0xd7: {  	s26 =	sadd.s32 $0x40, s26;
	[tilespmem:s25+$0x1F0] =	vst v2;
	s25 =	sadd.s32 $0x400, s25  }
0xd8: {  	s22 =	sadd.s32 $0x1, s22  }
0xd9: {  	p0 =	sne.s32 s22, $0xFA  }
.Ltmp2:
0xda: {  	s24 =	sadd.s32 $0x4E20, s24;
	(pc) =	sbr.rel @p0 .LBB2_4-.Ltmp2, $4  }
0xdb: {  	[spmem:s2] =	stream.indirect.scatter.add.f32 [tilespmem:s20], [sflag:$0x1], $0x40, s24, s19, $0xb8;
	[tilespmem:$0x1BE60] =	vst v63  }
0xdc: {  	_ =	swait.ge [sflag:s15], $0x1400  }
0xdd: {  	[sflag:s15] =	ssyncset.done $0x0  }
0xde: {  	s23 =	sadd.s32 $0x50, s23;
	[sflag:s15] =	ssyncadd.s32 $0xFFFFEC00  }
0xdf: {  	s21 =	sadd.s32 $0x1, s21  }
0xe0: {  	s22 =	sshll.u32 s1, $0x6;
	[bflag:$0x0] =	sbarrier.arrive $0xFFFF;
	p0 =	sne.s32 s21, s14  }
.Ltmp3:
0xe1: {  	s23 =	sshrl.u32 s7, $0x3;
	s22 =	sor.u32 $0x1C01, s22;
	(pc) =	sbr.rel @p0 .LBB2_1-.Ltmp3, $4  }
0xe2: {  	[hbm:s13], [sflag:s22] =	dma.local [spmem:s23], $0x1400  }
0xe3: {  	_ =	swait.ge [sflag:s15], $0x1400  }
0xe4: {  	[sflag:s15] =	ssyncset.done $0x0  }
0xe5: {  	[sflag:s15] =	ssyncadd.s32 $0xFFFFEC00  }
0xe6: {  	_ =	sfence.sel $0x180000  }
0xe7: {  	[bflag:$0x0] =	sbarrier.arrive $0xFFFF  }
0xe8: {  	p0 =	sne.s32 s1, $0x0;
	_ =	strace $0x90000047  }
0xe9: {  	s0 =	sadd.s32 @!p0 $0x100000, s0;
	[bflag:$0x2] =	sbarrier.arrive $0xFFFF  }
0xea: {  	[sflag:s0] =	ssyncadd.tile.s32 @!p0 $0x1;
	_ =	shalt  }
.Lfunc_end2:
_tile_overlayer_lowered:
.L_overlay_start_2:
0xeb: {  	(tag) =	ssettag $0x2  }
0xec: {  	s0 =	rddreg [dreg:$0x0];
	s2 =	stileid.u32  }
0xed: {  	s1 =	rddreg [dreg:$0x1];
	p0 =	sne.s32 s2, $0x0  }
0xee: {  	s3 =	rddreg [dreg:$0x2];
	[bflag:$0x3] =	sbarrier.arrive $0xFFFF;
	s2 =	simm.s32 @!p0 $0x1C01  }
0xef: {  	[timem:s3], [sflag:s2] =	dma.local @!p0 [hbm:s0], s1  }
0xf0: {  	s0 =	simm.s32 @!p0 $0x1  }
0xf1: {  	_ =	swait.ge @!p0 [sflag:s0], s1  }
0xf2: {  	s1 =	ssub.s32 @!p0 $0x0, s1;
	[sflag:s0] =	ssyncset.done @!p0 $0x0  }
0xf3: {  	[sflag:s0] =	ssyncadd.s32 @!p0 s1  }
0xf4: {  	[bflag:$0x3] =	sbarrier.arrive $0xFFFF  }
0xf5: {  	_ =	shalt  }

// kernel: kernel.9.cloned.1.call-start
scs
__scs_entry_jumppad:
0x0: {  	(pc) =	sbr.rel $0x88, $3  }
0x1: {  	(tag) =	ssettag $0x0;
	lr =	simm.s32 $0x1  }
0x2: {  	[smem:$0x3F98] =	sst lr;
	_ =	strace $0xD0000000  }
0x3: {  	_ = 	snop  }
0x4: {  	_ = 	snop  }
0x5: {  	_ = 	snop  }
0x6: {  	_ = 	snop  }
0x7: {  	_ = 	snop  }
__scs_overlays_trampoline_lowered:
0x8: {  	[smem:$0x3FA7] =	sst s0  }
0x9: {  	[smem:$0x3FA8] =	sst s1  }
0xa: {  	[smem:$0x3FA9] =	sst s2  }
0xb: {  	[smem:$0x3FAA] =	sst s3  }
0xc: {  	[smem:$0x3FAB] =	sst s4  }
0xd: {  	[smem:$0x3FAC] =	sst s5  }
0xe: {  	[smem:$0x3FAD] =	sst s6  }
0xf: {  	[smem:$0x3FAE] =	sst s7  }
0x10: {  	[smem:$0x3FAF] =	sst s8  }
0x11: {  	[smem:$0x3FB0] =	sst s9;
	s0 =	simm.s32 @!p0 $0x0  }
0x12: {  	s1 =	sld [smem:$0x3F96];
	s0 =	simm.s32 @p0 $0x1  }
0x13: {  	[smem:$0x3FB1] =	sst s0;
	s0 =	simm.s32 @!p1 $0x0  }
0x14: {  	s2 =	sld [smem:$0x3F95];
	s0 =	simm.s32 @p1 $0x1  }
0x15: {  	[smem:$0x3FB2] =	sst s0;
	s0 =	simm.s32 @!p2 $0x0  }
0x16: {  	s3 =	sld [smem:$0x3FDB];
	s0 =	simm.s32 @p2 $0x1  }
0x17: {  	s4 =	simm.s32 $0x1BF5;
	[smem:$0x3FB4] =	sst s0  }
0x18: {  	s0 =	sld [smem:$0x3F97];
	_ =	swait.ge [sflag:s4], $0x0  }
0x19: {  	s7 =	sld [smem:$0x3F98]  }
0x1a: {  	s8 =	sadd.s32 $0xFFFFE003, lr  }
0x1b: {  	s9 =	sadd.s32 $0xFFFFFEF7, lr;
	s5 =	simm.s32 $0xFFFFFFFF;
	p2 =	slt.u32 s8, $0xFFFFF086  }
0x1c: {  	p1 =	slt.u32 s9, $0xF7A;
	s5 =	simm.s32 @!p2 $0x0  }
0x1d: {  	s5 =	simm.s32 @p1 $0x1;
	p0 =	seq.s32 s7, s2  }
0x1e: {  	s7 =	smul.u32 @!p0 $0xF7A, s2;
	p2 =	seq.s32 @!p0 s5, $0x0  }
0x1f: {  	s9 =	smul.u32 $0xF7A, s1;
	s8 =	simm.s32 @!p0 $0x1BF5;
	p2 =	por !p2, p0  }
0x20: {  	[sflag:s8] =	ssyncset.s32 @!p0 $0xFFFFF086;
	s6 =	sadd.s32 @!p0 s3, s7;
	s7 =	simm.s32 @!p0 $0x108  }
0x21: {  	s3 =	sadd.s32 s3, s9;
	s6 =	sadd.s32 @!p0 $0x88, s6;
	s7 =	simm.s32 @p2 $0x1082  }
0x22: {  	[simem:s7], [sflag:s8] =	dma.local @!p0 [hbm:s6], $0xF7A  }
0x23: {  	s9 =	sor.u32 $0xD0000000, s2;
	s6 =	simm.s32 $0x108;
	_ =	swait.ge @!p0 [sflag:s8], $0x0  }
0x24: {  	s3 =	sadd.s32 $0x88, s3;
	s6 =	simm.s32 @!p1 $0x1082;
	[sflag:s4] =	ssyncset.s32 $0xFFFFF086  }
0x25: {  	[simem:s6], [sflag:s4] =	dma.local [hbm:s3], $0xF7A  }
0x26: {  	[smem:$0x3F98] =	sst s1;
	(tag) =	ssettag s2;
	_ =	strace s9  }
0x27: {  	s1 =	sld [smem:$0x3FA8]  }
0x28: {  	s2 =	sld [smem:$0x3FA9]  }
0x29: {  	s4 =	sld [smem:$0x3FAB]  }
0x2a: {  	p0 =	seq.s32 s5, $0x0;
	s5 =	sld [smem:$0x3FAC]  }
0x2b: {  	s6 =	sld [smem:$0x3FAD]  }
0x2c: {  	s7 =	sld [smem:$0x3FAE]  }
0x2d: {  	s3 =	simm.s32 $0x108;
	s8 =	sld [smem:$0x3FAF]  }
0x2e: {  	s3 =	simm.s32 @!p0 $0x1082;
	s9 =	sld [smem:$0x3FB0]  }
0x2f: {  	lr =	sadd.s32 s0, s3;
	s0 =	sld [smem:$0x3FA7]  }
0x30: {  	s3 =	sld [smem:$0x3FAA]  }
0x31: {  	[smem:$0x3FB3] =	sst s10  }
0x32: {  	s10 =	sld [smem:$0x3FB1];
	_ =	sdelay $0x3  }
0x33: {  	p0 =	seq.s32 s10, $0x1;
	s10 =	sld [smem:$0x3FB3];
	_ =	sdelay $0x3  }
0x34: {  	[smem:$0x3FB3] =	sst s10  }
0x35: {  	s10 =	sld [smem:$0x3FB2];
	_ =	sdelay $0x3  }
0x36: {  	p1 =	seq.s32 s10, $0x1;
	s10 =	sld [smem:$0x3FB3];
	_ =	sdelay $0x3  }
0x37: {  	[smem:$0x3FB3] =	sst s10  }
0x38: {  	s10 =	sld [smem:$0x3FB4]  }
0x39: {  	_ = 	snop;
	(pc) =	sbr.ind lr, $3  }
0x3a: {  	_ = 	snop  }
0x3b: {  	_ = 	snop  }
0x3c: {  	p2 =	seq.s32 s10, $0x1;
	s10 =	sld [smem:$0x3FB3]  }
0x3d: {  	_ =	shalt  }
0x3e: {  	_ =	shalt  }
0x3f: {  	_ =	shalt  }
0x40: {  	_ =	shalt  }
0x41: {  	_ =	shalt  }
0x42: {  	_ =	shalt  }
0x43: {  	_ =	shalt  }
0x44: {  	_ =	shalt  }
0x45: {  	_ =	shalt  }
0x46: {  	_ =	shalt  }
0x47: {  	_ =	shalt  }
0x48: {  	_ =	shalt  }
0x49: {  	_ =	shalt  }
0x4a: {  	_ =	shalt  }
0x4b: {  	_ =	shalt  }
0x4c: {  	_ =	shalt  }
0x4d: {  	_ =	shalt  }
0x4e: {  	_ =	shalt  }
0x4f: {  	_ =	shalt  }
0x50: {  	_ =	shalt  }
0x51: {  	_ =	shalt  }
0x52: {  	_ =	shalt  }
0x53: {  	_ =	shalt  }
0x54: {  	_ =	shalt  }
0x55: {  	_ =	shalt  }
0x56: {  	_ =	shalt  }
0x57: {  	_ =	shalt  }
0x58: {  	_ =	shalt  }
0x59: {  	_ =	shalt  }
0x5a: {  	_ =	shalt  }
0x5b: {  	_ =	shalt  }
0x5c: {  	_ =	shalt  }
0x5d: {  	_ =	shalt  }
0x5e: {  	_ =	shalt  }
0x5f: {  	_ =	shalt  }
0x60: {  	_ =	shalt  }
0x61: {  	_ =	shalt  }
0x62: {  	_ =	shalt  }
0x63: {  	_ =	shalt  }
0x64: {  	_ =	shalt  }
0x65: {  	_ =	shalt  }
0x66: {  	_ =	shalt  }
0x67: {  	_ =	shalt  }
0x68: {  	_ =	shalt  }
0x69: {  	_ =	shalt  }
0x6a: {  	_ =	shalt  }
0x6b: {  	_ =	shalt  }
0x6c: {  	_ =	shalt  }
0x6d: {  	_ =	shalt  }
0x6e: {  	_ =	shalt  }
0x6f: {  	_ =	shalt  }
0x70: {  	_ =	shalt  }
0x71: {  	_ =	shalt  }
0x72: {  	_ =	shalt  }
0x73: {  	_ =	shalt  }
0x74: {  	_ =	shalt  }
0x75: {  	_ =	shalt  }
0x76: {  	_ =	shalt  }
0x77: {  	_ =	shalt  }
0x78: {  	_ =	shalt  }
0x79: {  	_ =	shalt  }
0x7a: {  	_ =	shalt  }
0x7b: {  	_ =	shalt  }
0x7c: {  	_ =	shalt  }
0x7d: {  	_ =	shalt  }
0x7e: {  	_ =	shalt  }
0x7f: {  	_ =	shalt  }
0x80: {  	_ =	shalt  }
0x81: {  	_ =	shalt  }
0x82: {  	_ =	shalt  }
0x83: {  	_ =	shalt  }
0x84: {  	_ =	shalt  }
0x85: {  	_ =	shalt  }
0x86: {  	_ =	shalt  }
0x87: {  	_ =	shalt  }
.Lfunc_end0:
.L_simem_size_0:
called_computation.1_lowered:
.L_overlay_start_0:
0x88: {  	s2 =	sld [smem:$0x3FD9]  }
0x89: {  	s3 =	sld [smem:$0x3FFE];
	_ =	sdelay $0x1  }
0x8a: {  	s1 =	srdreg.scid  }
0x8b: {  	s0 =	sand.u32 $0x1, s1  }
0x8c: {  	s14 =	sshll.u32 s0, $0xA;
	s2 =	sadd.s32 s3, s2  }
0x8d: {  	s2 =	sadd.s32 s2, s14  }
0x8e: {  	[smem:$0x3FBF] =	sst s2  }
0x8f: {  	_ = 	snop  }
0x90: {  	s2 =	sld [smem:$0x3FD0];
	_ =	sdelay $0x2  }
0x91: {  	s4 =	simm.s32 $0xA;
	s5 =	simm.s32 $0x10;
	s15 =	sld [smem:$0x3FC7]  }
0x92: {  	[smem:s5], [sflag:s4] =	dma.local [hbm:s2], $0x1  }
0x93: {  	_ =	swait.eq [sflag:s4], $0x1  }
0x94: {  	[sflag:s4] =	ssyncset.done $0x0  }
0x95: {  	[sflag:s4] =	ssyncadd.s32 $0xFFFFFFFF  }
0x96: {  	s16 =	sld [smem:$0x10];
	(tm) =	ssettm $0x1  }
0x97: {  	s17 =	sld [smem:$0x3FFB];
	_ =	sdelay $0x3  }
0x98: {  	_ =	strace s17  }
0x99: {  	s4 =	sld [smem:$0x3FFC];
	_ =	sdelay $0x3  }
0x9a: {  	_ =	strace s4  }
0x9b: {  	s4 =	sld [smem:$0x3FFD];
	_ =	sdelay $0x3  }
0x9c: {  	_ =	strace s4  }
0x9d: {  	_ =	strace $0x8FFFFFFF  }
0x9e: {  	s18 =	sld [smem:$0x3FDB];
	_ =	sdelay $0x1  }
0x9f: {  	s19 =	simm.s32 $_scs_section_size  }
0xa0: {  	s6 =	simm.s32 $_size__tile_overlayer_lowered;
	s7 =	simm.s32 $_tile_overlayer_lowered  }
0xa1: {  	s22 =	simm.s32 $0x1BFF;
	s21 =	sshll.u32 s7, $0x1;
	s4 =	sadd.s32 s19, s18  }
0xa2: {  	s8 =	simm.s32 $0x0;
	s20 =	sshll.u32 s6, $0x1;
	s6 =	sadd.s32 s21, s4  }
0xa3: {  	[timem:s8], [sflag:s22] =	dma.local [hbm:s6], s20  }
0xa4: {  	_ =	swait.ge [sflag:s22], s20  }
0xa5: {  	s5 =	ssub.s32 $0x0, s20;
	[sflag:s22] =	ssyncset.done $0x0  }
0xa6: {  	[sflag:s22] =	ssyncadd.s32 s5;
	_ =	sdelay $0x1  }
0xa7: {  	s23 =	simm.s32 $0x1B8B  }
0xa8: {  	_ =	swait.ge [sflag:s23], $0x1  }
0xa9: {  	[sflag:s23] =	ssyncset.done $0x0  }
0xaa: {  	s25 =	simm.s32 $0x1B8E;
	s24 =	sld [smem:$0x3FFE];
	[sflag:s23] =	ssyncadd.s32 $0xFFFFFFFF  }
0xab: {  	s26 =	simm.s32 $execute0_lowered;
	[smem:$0x3FD2] =	sst s25  }
0xac: {  	s6 =	sshll.u32 s26, $0x1;
	_ =	strace $0x80000049;
	[dreg:$0x1] =	wrdreg $0xFFFFFFFF  }
0xad: {  	s28 =	simm.s32 $_size_execute0_lowered;
	s4 =	sadd.s32 s4, s6;
	[dreg:$0x0] =	wrdreg $0x0  }
0xae: {  	s6 =	sshll.u32 s28, $0x1;
	[dreg:$0x2] =	wrdreg s4  }
0xaf: {  	[dreg:$0x3] =	wrdreg s6  }
0xb0: {  	[dreg:$0x4] =	wrdreg $0xC0  }
0xb1: {  	_ =	task [dreg:s8], $0x5FFFF  }
0xb2: {  	[dreg:$0x1] =	wrdreg $0xFFFFFFFF  }
0xb3: {  	[dreg:$0x0] =	wrdreg $0x60  }
0xb4: {  	[dreg:$0x2] =	wrdreg s16  }
0xb5: {  	[dreg:$0x3] =	wrdreg s24  }
0xb6: {  	[dreg:$0x4] =	wrdreg s15  }
0xb7: {  	[dreg:$0x5] =	wrdreg $0xA9300  }
0xb8: {  	[dreg:$0x6] =	wrdreg $0x9  }
0xb9: {  	_ =	task.clear_ibuf [dreg:s8], $0x7FFFF;
	_ =	strace $0x90000049  }
0xba: {  	s29 =	simm.s32 $0x9;
	_ =	strace $0x8000004B  }
0xbb: {  	_ =	swait.ge [sflag:s29], $0x1  }
0xbc: {  	[sflag:s29] =	ssyncadd.s32 $0xFFFFFFFF  }
0xbd: {  	_ =	strace $0x9000004B  }
0xbe: {  	_ =	sfence  }
0xbf: {  	s30 =	sld [smem:$0x0];
	_ =	sdelay $0x2  }
0xc0: {  	s31 =	sshll.u32 s1, $0xD;
	s1 =	sshrl.u32 s1, $0x2  }
0xc1: {  	s3 =	sand.u32 $0x4000, s31;
	s1 =	sadd.s32 s1, s30  }
0xc2: {  	s0 =	sor.u32 s3, s0;
	s1 =	sshll.u32 s1, $0x11  }
0xc3: {  	s0 =	sor.u32 s1, s0  }
0xc4: {  	s0 =	sadd.s32 $0x8F2B, s0  }
0xc5: {  	[sflag:s0] =	ssyncadd.remote.s32 $0x1  }
0xc6: {  	_ =	sfence.sel $0xFFFF  }
0xc7: {  	[dreg:$0x0] =	wrdreg $0xFFFFFFFF;
	(pc) =	sbr.abs _section_cstart, $3  }
0xc8: {  	[dreg:$0x1] =	wrdreg $0xFFFFFFFF  }
0xc9: {  	_ =	task.clear_ibuf [dreg:s8], $0x2FFFF;
	_ =	strace $0x9FFFFFFF  }
0xca: {  	(tm) =	ssettm $0x7FFFFFFF  }
0xcb: {  	_ =	shalt  }
tec
execute0_lowered:
.L_overlay_start_1:
0x0: {  	(tag) =	ssettag $0x1  }
0x1: {  	s1 =	rddreg [dreg:$0x0]  }
0x2: {  	s5 =	rddreg [dreg:$0x1]  }
0x3: {  	s7 =	rddreg [dreg:$0x2]  }
0x4: {  	s3 =	rddreg [dreg:$0x3];
	s4 =	srdreg.scid  }
0x5: {  	s0 =	rddreg [dreg:$0x4];
	s2 =	stileid.u32  }
0x6: {  	s16 =	simm.s32 $0x2710;
	s17 =	simm.s32 $0x4E20;
	s18 =	simm.s32 $0x8930  }
0x7: {  	s19 =	simm.s32 $0x50;
	s20 =	simm.s32 $0x7530;
	s21 =	simm.s32 $0x0  }
0x8: {  	s6 =	sand.u32 $0x1, s4;
	s4 =	simm.s32 $0x0;
	s9 =	smul.u32 $0xA000, s2  }
0x9: {  	s11 =	smul.u32 $0x28000, s2;
	s8 =	sshll.u32 s6, $0x4;
	[smem:$0x7FF] =	sst s4  }
0xa: {  	s10 =	smul.u32 $0xA0000, s6;
	s6 =	ssub.s32 $0x2, s6;
	s8 =	sor.u32 s2, s8  }
0xb: {  	_ =	strace $0x8000004A;
	s13 =	sshrl.u32 s6, $0x1;
	s30 =	sshrl.u32 s11, $0x2  }
0xc: {  	s8 =	smul.u32 $0x4E2, s8;
	s10 =	sadd.s32 s9, s10;
	s31 =	sadd.s32 s30, s3  }
0xd: {  	s15 =	ssub.s32 s6, s13;
	s10 =	sshrl.u32 s10, $0x3;
	s11 =	sadd.s32 $0x6000, s31  }
0xe: {  	s12 =	sadd.s32 s8, s5;
	s14 =	sadd.s32 s10, s5;
	s7 =	sadd.s32 s7, s8  }
0xf: {  	s8 =	sadd.s32 s9, s3;
	s9 =	sadd.s32 $0x2000, s31;
	s10 =	sadd.s32 $0x4000, s31  }
0x10: {  	s5 =	sadd.s32 $0xAE00, s12;
	s6 =	sadd.s32 $0x1000, s12;
	s12 =	sadd.s32 $0x8000, s31  }
0x11: {  	v0 =	vimm.f32 $0.0e+00;
	s13 =	sadd.s32 $0x14C00, s14;
	s14 =	smax.u32 s15, $0x1;
	s15 =	simm.s32 $0x1  }
.LBB2_1:
0x12: {  	[tilespmem:s4], [sflag:$0x1] =	stream.linear.gather [hbm4b:s5+s4], $0x2710, $0x38;
	[tilespmem:$0x14930] =	vst v63  }
0x13: {  	_ =	swait.ge [sflag:s15], $0x2710  }
0x14: {  	[sflag:s15] =	ssyncset.done $0x0  }
0x15: {  	[sflag:s15] =	ssyncadd.s32 $0xFFFFD8F0  }
0x16: {  	[tilespmem:s16], [sflag:$0x1] =	stream.linear.gather [hbm4b:s6+s4], $0x2710, $0x38;
	[tilespmem:$0x14930] =	vst v63  }
0x17: {  	_ =	swait.ge [sflag:s15], $0x2710  }
0x18: {  	[sflag:s15] =	ssyncset.done $0x0  }
0x19: {  	[sflag:s15] =	ssyncadd.s32 $0xFFFFD8F0  }
0x1a: {  	[tilespmem:s17], [sflag:$0x1] =	stream.linear.gather [hbm4b:s7+s4], $0x2710, $0x38;
	[tilespmem:$0x14930] =	vst v63  }
0x1b: {  	_ =	swait.ge [sflag:s15], $0x2710  }
0x1c: {  	[sflag:s15] =	ssyncset.done $0x0  }
0x1d: {  	s23 =	simm.s32 $0x100;
	s22 =	simm.s32 $0x0;
	[sflag:s15] =	ssyncadd.s32 $0xFFFFD8F0  }
.LBB2_2:
0x1e: {  	p0 =	sne.s32 s23, $0x7F00;
	[tilespmem:s22+$0x8960] =	vst v0;
	s24 =	smov.u32 s23;
	s23 =	sadd.s32 $0x100, s23  }
.Ltmp0:
0x1f: {  	[tilespmem:s22+$0x8950] =	vst v0;
	(pc) =	sbr.rel @p0 .LBB2_2-.Ltmp0, $3  }
0x20: {  	[tilespmem:s22+$0x8930] =	vst v0  }
0x21: {  	[tilespmem:s22+$0x8940] =	vst v0;
	_ =	sdelay $0x1  }
0x22: {  	s22 =	sshra.s32 s24, $0x2  }
0x23: {  	[tilespmem:s22+$0x8960] =	vst v0  }
0x24: {  	[tilespmem:s22+$0x8950] =	vst v0  }
0x25: {  	[tilespmem:s22+$0x8930] =	vst v0  }
0x26: {  	[tilespmem:s22+$0x8940] =	vst v0  }
0x27: {  	[spmem:s8] =	stream.linear.scatter [tilespmem:s18], [sflag:$0x1], $0x2000, $0x38;
	[tilespmem:$0x14930] =	vst v63  }
0x28: {  	_ =	swait.ge [sflag:s15], $0x2000  }
0x29: {  	[sflag:s15] =	ssyncset.done $0x0  }
0x2a: {  	[sflag:s15] =	ssyncadd.s32 $0xFFFFE000  }
0x2b: {  	[spmem:s9] =	stream.linear.scatter [tilespmem:s18], [sflag:$0x1], $0x2000, $0x38;
	[tilespmem:$0x14930] =	vst v63  }
0x2c: {  	_ =	swait.ge [sflag:s15], $0x2000  }
0x2d: {  	[sflag:s15] =	ssyncset.done $0x0  }
0x2e: {  	[sflag:s15] =	ssyncadd.s32 $0xFFFFE000  }
0x2f: {  	[spmem:s10] =	stream.linear.scatter [tilespmem:s18], [sflag:$0x1], $0x2000, $0x38;
	[tilespmem:$0x14930] =	vst v63  }
0x30: {  	_ =	swait.ge [sflag:s15], $0x2000  }
0x31: {  	[sflag:s15] =	ssyncset.done $0x0  }
0x32: {  	[sflag:s15] =	ssyncadd.s32 $0xFFFFE000  }
0x33: {  	[spmem:s11] =	stream.linear.scatter [tilespmem:s18], [sflag:$0x1], $0x2000, $0x38;
	[tilespmem:$0x14930] =	vst v63  }
0x34: {  	_ =	swait.ge [sflag:s15], $0x2000  }
0x35: {  	[sflag:s15] =	ssyncset.done $0x0  }
0x36: {  	[sflag:s15] =	ssyncadd.s32 $0xFFFFE000  }
0x37: {  	[spmem:s12] =	stream.linear.scatter [tilespmem:s18], [sflag:$0x1], $0x2000, $0x38;
	[tilespmem:$0x14930] =	vst v63  }
0x38: {  	_ =	swait.ge [sflag:s15], $0x2000  }
0x39: {  	[sflag:s15] =	ssyncset.done $0x0  }
0x3a: {  	[sflag:s15] =	ssyncadd.s32 $0xFFFFE000  }
0x3b: {  	s22 =	simm.s32 $0x0;
	s23 =	simm.s32 $0x4E20;
	[bflag:$0x0] =	sbarrier.arrive $0xFFFF  }
.LBB2_4:
0x3c: {  	s24 =	smul.u32 $0x50, s22;
	_ =	sdelay $0x1  }
0x3d: {  	v1 =	vmov s23;
	[tilespmem:s20], [sflag:$0x1] =	stream.indirect.gather [hbm4b:s1+s19], $0x40, s24, s19, $0xb8;
	[tilespmem:$0x14930] =	vst v63  }
0x3e: {  	_ =	swait.ge [sflag:s15], $0x1400  }
0x3f: {  	[sflag:s15] =	ssyncset.done $0x0  }
0x40: {  	s25 =	simm.s32 $0x7730;
	s26 =	simm.s32 $0x0;
	[sflag:s15] =	ssyncadd.s32 $0xFFFFEC00  }
.LBB2_5:
0x41: {  	s28 =	sshra.s32 s26, $0x2  }
0x42: {  	v2 =	vld.idx.msk [tilespmem:v1+s28+$0x0 ss:$0x1], $0xffff;
	_ =	sdelay $0x1  }
0x43: {  	v3 =	vld [tilespmem:s25+$0xFFFFFE00];
	_ =	sdelay $0x2  }
0x44: {  	v4 =	vbroadcast v2, $0x0;
	_ =	sdelay $0x1  }
0x45: {  	v3 =	vmul.f32 v4, v3;
	_ =	sdelay $0x1  }
0x46: {  	[tilespmem:s25+$0xFFFFFE00] =	vst v3;
	v3 =	vld [tilespmem:s25+$0xFFFFFE10];
	_ =	sdelay $0x4  }
0x47: {  	v3 =	vmul.f32 v3, v4;
	_ =	sdelay $0x1  }
0x48: {  	[tilespmem:s25+$0xFFFFFE10] =	vst v3;
	v3 =	vld [tilespmem:s25+$0xFFFFFE20];
	_ =	sdelay $0x4  }
0x49: {  	v3 =	vmul.f32 v3, v4;
	_ =	sdelay $0x1  }
0x4a: {  	[tilespmem:s25+$0xFFFFFE20] =	vst v3;
	v3 =	vld [tilespmem:s25+$0xFFFFFE30];
	_ =	sdelay $0x4  }
0x4b: {  	v3 =	vmul.f32 v3, v4;
	_ =	sdelay $0x1  }
0x4c: {  	[tilespmem:s25+$0xFFFFFE30] =	vst v3;
	v3 =	vld [tilespmem:s25+$0xFFFFFE40];
	_ =	sdelay $0x2  }
0x4d: {  	v50 =	vbroadcast v2, $0x1;
	_ =	sdelay $0x1  }
0x4e: {  	v3 =	vmul.f32 v3, v50;
	_ =	sdelay $0x1  }
0x4f: {  	[tilespmem:s25+$0xFFFFFE40] =	vst v3;
	v3 =	vld [tilespmem:s25+$0xFFFFFE50];
	_ =	sdelay $0x4  }
0x50: {  	v3 =	vmul.f32 v3, v50;
	_ =	sdelay $0x1  }
0x51: {  	[tilespmem:s25+$0xFFFFFE50] =	vst v3;
	v3 =	vld [tilespmem:s25+$0xFFFFFE60];
	_ =	sdelay $0x4  }
0x52: {  	v3 =	vmul.f32 v3, v50;
	_ =	sdelay $0x1  }
0x53: {  	[tilespmem:s25+$0xFFFFFE60] =	vst v3;
	v3 =	vld [tilespmem:s25+$0xFFFFFE70];
	_ =	sdelay $0x4  }
0x54: {  	v3 =	vmul.f32 v3, v50;
	_ =	sdelay $0x1  }
0x55: {  	[tilespmem:s25+$0xFFFFFE70] =	vst v3;
	v3 =	vld [tilespmem:s25+$0xFFFFFE80];
	_ =	sdelay $0x2  }
0x56: {  	v51 =	vbroadcast v2, $0x2;
	_ =	sdelay $0x1  }
0x57: {  	v3 =	vmul.f32 v3, v51;
	_ =	sdelay $0x1  }
0x58: {  	[tilespmem:s25+$0xFFFFFE80] =	vst v3;
	v3 =	vld [tilespmem:s25+$0xFFFFFE90];
	_ =	sdelay $0x4  }
0x59: {  	v3 =	vmul.f32 v3, v51;
	_ =	sdelay $0x1  }
0x5a: {  	[tilespmem:s25+$0xFFFFFE90] =	vst v3;
	v3 =	vld [tilespmem:s25+$0xFFFFFEA0];
	_ =	sdelay $0x4  }
0x5b: {  	v3 =	vmul.f32 v3, v51;
	_ =	sdelay $0x1  }
0x5c: {  	[tilespmem:s25+$0xFFFFFEA0] =	vst v3;
	v3 =	vld [tilespmem:s25+$0xFFFFFEB0];
	_ =	sdelay $0x4  }
0x5d: {  	v3 =	vmul.f32 v3, v51;
	_ =	sdelay $0x1  }
0x5e: {  	[tilespmem:s25+$0xFFFFFEB0] =	vst v3;
	v3 =	vld [tilespmem:s25+$0xFFFFFEC0];
	_ =	sdelay $0x2  }
0x5f: {  	v52 =	vbroadcast v2, $0x3;
	_ =	sdelay $0x1  }
0x60: {  	v3 =	vmul.f32 v3, v52;
	_ =	sdelay $0x1  }
0x61: {  	[tilespmem:s25+$0xFFFFFEC0] =	vst v3;
	v3 =	vld [tilespmem:s25+$0xFFFFFED0];
	_ =	sdelay $0x4  }
0x62: {  	v3 =	vmul.f32 v3, v52;
	_ =	sdelay $0x1  }
0x63: {  	[tilespmem:s25+$0xFFFFFED0] =	vst v3;
	v3 =	vld [tilespmem:s25+$0xFFFFFEE0];
	_ =	sdelay $0x4  }
0x64: {  	v3 =	vmul.f32 v3, v52;
	_ =	sdelay $0x1  }
0x65: {  	[tilespmem:s25+$0xFFFFFEE0] =	vst v3;
	v3 =	vld [tilespmem:s25+$0xFFFFFEF0];
	_ =	sdelay $0x4  }
0x66: {  	v3 =	vmul.f32 v3, v52;
	_ =	sdelay $0x1  }
0x67: {  	[tilespmem:s25+$0xFFFFFEF0] =	vst v3;
	v3 =	vld [tilespmem:s25+$0xFFFFFF00];
	_ =	sdelay $0x2  }
0x68: {  	v53 =	vbroadcast v2, $0x4;
	_ =	sdelay $0x1  }
0x69: {  	v3 =	vmul.f32 v3, v53;
	_ =	sdelay $0x1  }
0x6a: {  	[tilespmem:s25+$0xFFFFFF00] =	vst v3;
	v3 =	vld [tilespmem:s25+$0xFFFFFF10];
	_ =	sdelay $0x4  }
0x6b: {  	v3 =	vmul.f32 v3, v53;
	_ =	sdelay $0x1  }
0x6c: {  	[tilespmem:s25+$0xFFFFFF10] =	vst v3;
	v3 =	vld [tilespmem:s25+$0xFFFFFF20];
	_ =	sdelay $0x4  }
0x6d: {  	v3 =	vmul.f32 v3, v53;
	_ =	sdelay $0x1  }
0x6e: {  	[tilespmem:s25+$0xFFFFFF20] =	vst v3;
	v3 =	vld [tilespmem:s25+$0xFFFFFF30];
	_ =	sdelay $0x4  }
0x6f: {  	v3 =	vmul.f32 v3, v53;
	_ =	sdelay $0x1  }
0x70: {  	[tilespmem:s25+$0xFFFFFF30] =	vst v3;
	v3 =	vld [tilespmem:s25+$0xFFFFFF40];
	_ =	sdelay $0x2  }
0x71: {  	v54 =	vbroadcast v2, $0x5;
	_ =	sdelay $0x1  }
0x72: {  	v3 =	vmul.f32 v3, v54;
	_ =	sdelay $0x1  }
0x73: {  	[tilespmem:s25+$0xFFFFFF40] =	vst v3;
	v3 =	vld [tilespmem:s25+$0xFFFFFF50];
	_ =	sdelay $0x4  }
0x74: {  	v3 =	vmul.f32 v3, v54;
	_ =	sdelay $0x1  }
0x75: {  	[tilespmem:s25+$0xFFFFFF50] =	vst v3;
	v3 =	vld [tilespmem:s25+$0xFFFFFF60];
	_ =	sdelay $0x4  }
0x76: {  	v3 =	vmul.f32 v3, v54;
	_ =	sdelay $0x1  }
0x77: {  	[tilespmem:s25+$0xFFFFFF60] =	vst v3;
	v3 =	vld [tilespmem:s25+$0xFFFFFF70];
	_ =	sdelay $0x4  }
0x78: {  	v3 =	vmul.f32 v3, v54;
	_ =	sdelay $0x1  }
0x79: {  	[tilespmem:s25+$0xFFFFFF70] =	vst v3;
	v3 =	vld [tilespmem:s25+$0xFFFFFF80];
	_ =	sdelay $0x2  }
0x7a: {  	v55 =	vbroadcast v2, $0x6;
	_ =	sdelay $0x1  }
0x7b: {  	v3 =	vmul.f32 v3, v55;
	_ =	sdelay $0x1  }
0x7c: {  	[tilespmem:s25+$0xFFFFFF80] =	vst v3;
	v3 =	vld [tilespmem:s25+$0xFFFFFF90];
	_ =	sdelay $0x4  }
0x7d: {  	v3 =	vmul.f32 v3, v55;
	_ =	sdelay $0x1  }
0x7e: {  	[tilespmem:s25+$0xFFFFFF90] =	vst v3;
	v3 =	vld [tilespmem:s25+$0xFFFFFFA0];
	_ =	sdelay $0x4  }
0x7f: {  	v3 =	vmul.f32 v3, v55;
	_ =	sdelay $0x1  }
0x80: {  	[tilespmem:s25+$0xFFFFFFA0] =	vst v3;
	v3 =	vld [tilespmem:s25+$0xFFFFFFB0];
	_ =	sdelay $0x4  }
0x81: {  	v3 =	vmul.f32 v3, v55;
	_ =	sdelay $0x1  }
0x82: {  	[tilespmem:s25+$0xFFFFFFB0] =	vst v3;
	v3 =	vld [tilespmem:s25+$0xFFFFFFC0];
	_ =	sdelay $0x2  }
0x83: {  	v56 =	vbroadcast v2, $0x7;
	_ =	sdelay $0x1  }
0x84: {  	v3 =	vmul.f32 v3, v56;
	_ =	sdelay $0x1  }
0x85: {  	[tilespmem:s25+$0xFFFFFFC0] =	vst v3;
	v3 =	vld [tilespmem:s25+$0xFFFFFFD0];
	_ =	sdelay $0x4  }
0x86: {  	v3 =	vmul.f32 v3, v56;
	_ =	sdelay $0x1  }
0x87: {  	[tilespmem:s25+$0xFFFFFFD0] =	vst v3;
	v3 =	vld [tilespmem:s25+$0xFFFFFFE0];
	_ =	sdelay $0x4  }
0x88: {  	v3 =	vmul.f32 v3, v56;
	_ =	sdelay $0x1  }
0x89: {  	[tilespmem:s25+$0xFFFFFFE0] =	vst v3;
	v3 =	vld [tilespmem:s25+$0xFFFFFFF0];
	_ =	sdelay $0x4  }
0x8a: {  	v3 =	vmul.f32 v3, v56;
	_ =	sdelay $0x1  }
0x8b: {  	[tilespmem:s25+$0xFFFFFFF0] =	vst v3;
	v3 =	vld [tilespmem:s25+$0x0];
	_ =	sdelay $0x2  }
0x8c: {  	v57 =	vbroadcast v2, $0x8;
	_ =	sdelay $0x1  }
0x8d: {  	v3 =	vmul.f32 v3, v57;
	_ =	sdelay $0x1  }
0x8e: {  	[tilespmem:s25+$0x0] =	vst v3;
	v3 =	vld [tilespmem:s25+$0x10];
	_ =	sdelay $0x4  }
0x8f: {  	v3 =	vmul.f32 v3, v57;
	_ =	sdelay $0x1  }
0x90: {  	[tilespmem:s25+$0x10] =	vst v3;
	v3 =	vld [tilespmem:s25+$0x20];
	_ =	sdelay $0x4  }
0x91: {  	v3 =	vmul.f32 v3, v57;
	_ =	sdelay $0x1  }
0x92: {  	[tilespmem:s25+$0x20] =	vst v3;
	v3 =	vld [tilespmem:s25+$0x30];
	_ =	sdelay $0x4  }
0x93: {  	v3 =	vmul.f32 v3, v57;
	_ =	sdelay $0x1  }
0x94: {  	[tilespmem:s25+$0x30] =	vst v3;
	v3 =	vld [tilespmem:s25+$0x40];
	_ =	sdelay $0x2  }
0x95: {  	v58 =	vbroadcast v2, $0x9;
	_ =	sdelay $0x1  }
0x96: {  	v3 =	vmul.f32 v3, v58;
	_ =	sdelay $0x1  }
0x97: {  	[tilespmem:s25+$0x40] =	vst v3;
	v3 =	vld [tilespmem:s25+$0x50];
	_ =	sdelay $0x4  }
0x98: {  	v3 =	vmul.f32 v3, v58;
	_ =	sdelay $0x1  }
0x99: {  	[tilespmem:s25+$0x50] =	vst v3;
	v3 =	vld [tilespmem:s25+$0x60];
	_ =	sdelay $0x4  }
0x9a: {  	v3 =	vmul.f32 v3, v58;
	_ =	sdelay $0x1  }
0x9b: {  	[tilespmem:s25+$0x60] =	vst v3;
	v3 =	vld [tilespmem:s25+$0x70];
	_ =	sdelay $0x4  }
0x9c: {  	v3 =	vmul.f32 v3, v58;
	_ =	sdelay $0x1  }
0x9d: {  	[tilespmem:s25+$0x70] =	vst v3;
	v3 =	vld [tilespmem:s25+$0x80];
	_ =	sdelay $0x2  }
0x9e: {  	v59 =	vbroadcast v2, $0xA;
	_ =	sdelay $0x1  }
0x9f: {  	v3 =	vmul.f32 v3, v59;
	_ =	sdelay $0x1  }
0xa0: {  	[tilespmem:s25+$0x80] =	vst v3;
	v3 =	vld [tilespmem:s25+$0x90];
	_ =	sdelay $0x4  }
0xa1: {  	v3 =	vmul.f32 v3, v59;
	_ =	sdelay $0x1  }
0xa2: {  	[tilespmem:s25+$0x90] =	vst v3;
	v3 =	vld [tilespmem:s25+$0xA0];
	_ =	sdelay $0x4  }
0xa3: {  	v3 =	vmul.f32 v3, v59;
	_ =	sdelay $0x1  }
0xa4: {  	[tilespmem:s25+$0xA0] =	vst v3;
	v3 =	vld [tilespmem:s25+$0xB0];
	_ =	sdelay $0x4  }
0xa5: {  	v3 =	vmul.f32 v3, v59;
	_ =	sdelay $0x1  }
0xa6: {  	[tilespmem:s25+$0xB0] =	vst v3;
	v3 =	vld [tilespmem:s25+$0xC0];
	_ =	sdelay $0x2  }
0xa7: {  	v60 =	vbroadcast v2, $0xB;
	_ =	sdelay $0x1  }
0xa8: {  	v3 =	vmul.f32 v3, v60;
	_ =	sdelay $0x1  }
0xa9: {  	[tilespmem:s25+$0xC0] =	vst v3;
	v3 =	vld [tilespmem:s25+$0xD0];
	_ =	sdelay $0x4  }
0xaa: {  	v3 =	vmul.f32 v3, v60;
	_ =	sdelay $0x1  }
0xab: {  	[tilespmem:s25+$0xD0] =	vst v3;
	v3 =	vld [tilespmem:s25+$0xE0];
	_ =	sdelay $0x4  }
0xac: {  	v3 =	vmul.f32 v3, v60;
	_ =	sdelay $0x1  }
0xad: {  	[tilespmem:s25+$0xE0] =	vst v3;
	v3 =	vld [tilespmem:s25+$0xF0];
	_ =	sdelay $0x4  }
0xae: {  	v3 =	vmul.f32 v3, v60;
	_ =	sdelay $0x1  }
0xaf: {  	[tilespmem:s25+$0xF0] =	vst v3;
	v3 =	vld [tilespmem:s25+$0x100];
	_ =	sdelay $0x2  }
0xb0: {  	v61 =	vbroadcast v2, $0xC;
	_ =	sdelay $0x1  }
0xb1: {  	v3 =	vmul.f32 v3, v61;
	_ =	sdelay $0x1  }
0xb2: {  	[tilespmem:s25+$0x100] =	vst v3;
	v3 =	vld [tilespmem:s25+$0x110];
	_ =	sdelay $0x4  }
0xb3: {  	v3 =	vmul.f32 v3, v61;
	_ =	sdelay $0x1  }
0xb4: {  	[tilespmem:s25+$0x110] =	vst v3;
	v3 =	vld [tilespmem:s25+$0x120];
	_ =	sdelay $0x4  }
0xb5: {  	v3 =	vmul.f32 v3, v61;
	_ =	sdelay $0x1  }
0xb6: {  	[tilespmem:s25+$0x120] =	vst v3;
	v3 =	vld [tilespmem:s25+$0x130];
	_ =	sdelay $0x4  }
0xb7: {  	v3 =	vmul.f32 v3, v61;
	_ =	sdelay $0x1  }
0xb8: {  	[tilespmem:s25+$0x130] =	vst v3;
	v3 =	vld [tilespmem:s25+$0x140];
	_ =	sdelay $0x2  }
0xb9: {  	v62 =	vbroadcast v2, $0xD;
	_ =	sdelay $0x1  }
0xba: {  	v3 =	vmul.f32 v3, v62;
	_ =	sdelay $0x1  }
0xbb: {  	[tilespmem:s25+$0x140] =	vst v3;
	v3 =	vld [tilespmem:s25+$0x150];
	_ =	sdelay $0x4  }
0xbc: {  	v3 =	vmul.f32 v3, v62;
	_ =	sdelay $0x1  }
0xbd: {  	[tilespmem:s25+$0x150] =	vst v3;
	v3 =	vld [tilespmem:s25+$0x160];
	_ =	sdelay $0x4  }
0xbe: {  	v3 =	vmul.f32 v3, v62;
	_ =	sdelay $0x1  }
0xbf: {  	[tilespmem:s25+$0x160] =	vst v3;
	v3 =	vld [tilespmem:s25+$0x170];
	_ =	sdelay $0x4  }
0xc0: {  	v3 =	vmul.f32 v3, v62;
	_ =	sdelay $0x1  }
0xc1: {  	[tilespmem:s25+$0x170] =	vst v3;
	v3 =	vld [tilespmem:s25+$0x180];
	_ =	sdelay $0x2  }
0xc2: {  	v63 =	vbroadcast v2, $0xE;
	_ =	sdelay $0x1  }
0xc3: {  	v3 =	vmul.f32 v3, v63;
	_ =	sdelay $0x1  }
0xc4: {  	[tilespmem:s25+$0x180] =	vst v3;
	v3 =	vld [tilespmem:s25+$0x190];
	_ =	sdelay $0x4  }
0xc5: {  	v3 =	vmul.f32 v3, v63;
	_ =	sdelay $0x1  }
0xc6: {  	[tilespmem:s25+$0x190] =	vst v3;
	v3 =	vld [tilespmem:s25+$0x1A0];
	_ =	sdelay $0x4  }
0xc7: {  	v3 =	vmul.f32 v3, v63;
	_ =	sdelay $0x1  }
0xc8: {  	[tilespmem:s25+$0x1A0] =	vst v3;
	v3 =	vld [tilespmem:s25+$0x1B0];
	_ =	sdelay $0x4  }
0xc9: {  	v3 =	vmul.f32 v3, v63;
	_ =	sdelay $0x1  }
0xca: {  	[tilespmem:s25+$0x1B0] =	vst v3;
	v3 =	vld [tilespmem:s25+$0x1C0];
	_ =	sdelay $0x2  }
0xcb: {  	v2 =	vbroadcast v2, $0xF;
	_ =	sdelay $0x1  }
0xcc: {  	v3 =	vmul.f32 v3, v2;
	_ =	sdelay $0x1  }
0xcd: {  	[tilespmem:s25+$0x1C0] =	vst v3;
	v3 =	vld [tilespmem:s25+$0x1D0];
	_ =	sdelay $0x4  }
0xce: {  	v3 =	vmul.f32 v3, v2;
	_ =	sdelay $0x1  }
0xcf: {  	[tilespmem:s25+$0x1D0] =	vst v3;
	v3 =	vld [tilespmem:s25+$0x1E0];
	_ =	sdelay $0x4  }
0xd0: {  	v3 =	vmul.f32 v3, v2;
	_ =	sdelay $0x1  }
0xd1: {  	[tilespmem:s25+$0x1E0] =	vst v3;
	v3 =	vld [tilespmem:s25+$0x1F0];
	_ =	sdelay $0x1  }
0xd2: {  	p0 =	sne.s32 s26, $0x100  }
.Ltmp1:
0xd3: {  	_ = 	snop;
	(pc) =	sbr.rel @p0 .LBB2_5-.Ltmp1, $3  }
0xd4: {  	_ = 	snop  }
0xd5: {  	v2 =	vmul.f32 v3, v2;
	_ =	sdelay $0x1  }
0xd6: {  	s26 =	sadd.s32 $0x40, s26;
	[tilespmem:s25+$0x1F0] =	vst v2;
	s25 =	sadd.s32 $0x400, s25  }
0xd7: {  	s22 =	sadd.s32 $0x1, s22  }
0xd8: {  	p0 =	sne.s32 s22, $0x7D  }
.Ltmp2:
0xd9: {  	s24 =	sadd.s32 $0x2710, s24;
	(pc) =	sbr.rel @p0 .LBB2_4-.Ltmp2, $4  }
0xda: {  	[spmem:s3] =	stream.indirect.scatter.add.f32 [tilespmem:s20], [sflag:$0x1], $0x40, s24, s19, $0xb8;
	[tilespmem:$0x14930] =	vst v63  }
0xdb: {  	_ =	swait.ge [sflag:s15], $0x1400  }
0xdc: {  	[sflag:s15] =	ssyncset.done $0x0  }
0xdd: {  	s23 =	sadd.s32 $0x50, s23;
	[sflag:s15] =	ssyncadd.s32 $0xFFFFEC00  }
0xde: {  	s21 =	sadd.s32 $0x1, s21  }
0xdf: {  	s22 =	sshll.u32 s2, $0x6;
	[bflag:$0x0] =	sbarrier.arrive $0xFFFF;
	p0 =	sne.s32 s21, s14  }
.Ltmp3:
0xe0: {  	s23 =	sshrl.u32 s8, $0x3;
	s22 =	sor.u32 $0x1C01, s22;
	(pc) =	sbr.rel @p0 .LBB2_1-.Ltmp3, $4  }
0xe1: {  	[hbm:s13], [sflag:s22] =	dma.local [spmem:s23], $0x1400  }
0xe2: {  	_ =	swait.ge [sflag:s15], $0x1400  }
0xe3: {  	[sflag:s15] =	ssyncset.done $0x0  }
0xe4: {  	[sflag:s15] =	ssyncadd.s32 $0xFFFFEC00  }
0xe5: {  	_ =	sfence.sel $0x180000  }
0xe6: {  	[bflag:$0x0] =	sbarrier.arrive $0xFFFF  }
0xe7: {  	p0 =	sne.s32 s2, $0x0;
	_ =	strace $0x9000004A  }
0xe8: {  	s0 =	sadd.s32 @!p0 $0x100000, s0;
	[bflag:$0x2] =	sbarrier.arrive $0xFFFF  }
0xe9: {  	[sflag:s0] =	ssyncadd.tile.s32 @!p0 $0x1;
	_ =	shalt  }
.Lfunc_end2:
_tile_overlayer_lowered:
.L_overlay_start_2:
0xea: {  	(tag) =	ssettag $0x2  }
0xeb: {  	s0 =	rddreg [dreg:$0x0];
	s2 =	stileid.u32  }
0xec: {  	s1 =	rddreg [dreg:$0x1];
	p0 =	sne.s32 s2, $0x0  }
0xed: {  	s3 =	rddreg [dreg:$0x2];
	[bflag:$0x3] =	sbarrier.arrive $0xFFFF;
	s2 =	simm.s32 @!p0 $0x1C01  }
0xee: {  	[timem:s3], [sflag:s2] =	dma.local @!p0 [hbm:s0], s1  }
0xef: {  	s0 =	simm.s32 @!p0 $0x1  }
0xf0: {  	_ =	swait.ge @!p0 [sflag:s0], s1  }
0xf1: {  	s1 =	ssub.s32 @!p0 $0x0, s1;
	[sflag:s0] =	ssyncset.done @!p0 $0x0  }
0xf2: {  	[sflag:s0] =	ssyncadd.s32 @!p0 s1  }
0xf3: {  	[bflag:$0x3] =	sbarrier.arrive $0xFFFF  }
0xf4: {  	_ =	shalt  }

</sc_bundles>
